<compile_context>
chip_gen: v7x
topology: tpu7x:2x2x1
jax: 0.10.2.dev20260603
libtpu: 0.0.44.dev20260713+nightly
codegen_flags: <defaults>
</compile_context>

<pallas_src>
import functools

import jax
import jax.numpy as jnp
from jax import lax
from jax.experimental import pallas as pl
from jax.experimental.pallas import tpu as pltpu
from jax.experimental.pallas import tpu_sc as plsc

N_CORES = 2
N_SUB = 16
BLK = 128
NBUF = 5
EPS = 1e-5


def _ceil_to(v, m):
    return -(-v // m) * m


@functools.lru_cache(maxsize=None)
def _make_seg_sum(n_pad, n_chunks, w2):
    rpt = n_pad // N_SUB

    def body(table, src, dst, zeros, out, src_v, dst_v, rows_v, acc, sem, sem2):
        c = lax.axis_index("c")
        s = lax.axis_index("s")
        pltpu.sync_copy(src.at[s], src_v)
        pltpu.sync_copy(dst.at[s], dst_v)
        pltpu.sync_copy(zeros.at[pl.ds(s * rpt, rpt)], acc.at[pl.ds(s * rpt, rpt)])
        plsc.subcore_barrier()

        def fire_gather(j):
            pltpu.async_copy(table.at[c].at[src_v.at[j]], rows_v.at[lax.rem(j, NBUF)], sem)

        def drain_one_scatter():
            pltpu.make_async_copy(rows_v.at[0], acc.at[dst_v.at[0]], sem2).wait()

        for j in range(3):
            fire_gather(j)

        def step(j, carry):
            pltpu.make_async_copy(
                table.at[c].at[src_v.at[j]], rows_v.at[lax.rem(j, NBUF)], sem).wait()
            pltpu.async_copy(rows_v.at[lax.rem(j, NBUF)], acc.at[dst_v.at[j]], sem2,
                             add=True)

            @pl.when(j >= 2)
            def _():
                drain_one_scatter()

            @pl.when(j + 3 < n_chunks)
            def _():
                fire_gather(j + 3)

            return carry

        lax.fori_loop(0, n_chunks, step, 0)
        drain_one_scatter()
        drain_one_scatter()
        plsc.subcore_barrier()
        pltpu.sync_copy(acc.at[pl.ds(s * rpt, rpt)], out.at[c, pl.ds(s * rpt, rpt)])

    return pl.kernel(
        body,
        out_type=jax.ShapeDtypeStruct((N_CORES, n_pad, w2), jnp.float32),
        mesh=plsc.VectorSubcoreMesh(core_axis_name="c", subcore_axis_name="s"),
        scratch_types=[
            pltpu.VMEM((n_chunks, BLK), jnp.int32),
            pltpu.VMEM((n_chunks, BLK), jnp.int32),
            pltpu.VMEM((NBUF, BLK, w2), jnp.float32),
            pltpu.VMEM_SHARED((n_pad, w2), jnp.float32),
            pltpu.SemaphoreType.DMA,
            pltpu.SemaphoreType.DMA,
        ],
        compiler_params=pltpu.CompilerParams(use_tc_tiling_on_sc=False),
    )


def _split(h):
    w2 = h.shape[1] // 2
    return jnp.stack([h[:, :w2], h[:, w2:]], 0)


def _tc_first(n, n_pad):
    def body(degp_ref, x_ref, w_ref, dinv_ref, h_ref):
        deg = degp_ref[0, :, 0] + 1.0
        dinv = lax.rsqrt(deg)
        dinv_ref[...] = dinv[:, None]
        h = jnp.dot(x_ref[...], w_ref[...], preferred_element_type=jnp.float32)
        hp = jnp.concatenate(
            [h * dinv[:n, None], jnp.zeros((n_pad - n, h.shape[1]), jnp.float32)], 0)
        h_ref[...] = _split(hp)
    return body


def _tc_mid(n):
    def body(p_ref, hp_ref, dinv_ref, b_ref, g_ref, be_ref, wn_ref, out_ref):
        p = p_ref[...]
        hp = hp_ref[...]
        dinv = dinv_ref[...]
        seg = jnp.concatenate([p[0] + hp[0], p[1] + hp[1]], 1)
        u = seg * dinv + b_ref[...][None, :]
        n_pad = u.shape[0]
        mask = lax.broadcasted_iota(jnp.int32, (n_pad, 1), 0) < n
        u = jnp.where(mask, u, 0.0)
        mean = jnp.sum(u, axis=0, keepdims=True) / n
        var = jnp.sum(u * u, axis=0, keepdims=True) / n - mean * mean
        z = (u - mean) * lax.rsqrt(var + EPS) * g_ref[...][None, :] + be_ref[...][None, :]
        z = jnp.where(mask, jnp.maximum(z, 0.0), 0.0)
        out_ref[...] = _split(
            jnp.dot(z, wn_ref[...], preferred_element_type=jnp.float32) * dinv)
    return body


def _tc_last():
    def body(p_ref, hp_ref, dinv_ref, b_ref, out_ref):
        p = p_ref[...]
        hp = hp_ref[...]
        seg = jnp.concatenate([p[0] + hp[0], p[1] + hp[1]], 1)
        out_ref[...] = seg * dinv_ref[...] + b_ref[...][None, :]
    return body


def _call_tc(body, out_shapes, *args):
    return pl.pallas_call(body, out_shape=out_shapes)(*args)


def kernel(x, edge_index, W1, b1, g1, beta1, W2, b2, g2, beta2,
           W3, b3, g3, beta3, W4, b4):
    n, d = x.shape
    h_dim = W1.shape[1]
    c_dim = W4.shape[1]
    e = edge_index.shape[1]

    n_chunks = -(-e // (N_SUB * BLK))
    e_pad = N_SUB * n_chunks * BLK
    n_pad = _ceil_to(n + 1, N_SUB * 8)
    wc = _ceil_to(c_dim, 64)

    src = edge_index[0].astype(jnp.int32)
    dst = edge_index[1].astype(jnp.int32)
    fill = jnp.full((e_pad - e,), n, jnp.int32)
    src3 = jnp.concatenate([src, fill]).reshape(N_SUB, n_chunks, BLK)
    dst3 = jnp.concatenate([dst, fill]).reshape(N_SUB, n_chunks, BLK)

    zeros_h2 = jnp.zeros((n_pad, h_dim // 2), jnp.float32)
    zeros_c2 = jnp.zeros((n_pad, wc // 2), jnp.float32)
    zeros_16 = jnp.zeros((n_pad, 16), jnp.float32)
    ones_16 = jnp.where(jnp.arange(n_pad)[:, None] < n, jnp.float32(1),
                        jnp.float32(0)) * jnp.ones((1, 16), jnp.float32)
    ones_tab = jnp.stack([ones_16, ones_16], 0)

    seg_h = _make_seg_sum(n_pad, n_chunks, h_dim // 2)
    seg_c = _make_seg_sum(n_pad, n_chunks, wc // 2)
    seg_d = _make_seg_sum(n_pad, n_chunks, 16)

    degp = seg_d(ones_tab, src3, dst3, zeros_16)

    f32 = jnp.float32
    dinv, h1 = _call_tc(
        _tc_first(n, n_pad),
        (jax.ShapeDtypeStruct((n_pad, 1), f32),
         jax.ShapeDtypeStruct((2, n_pad, h_dim // 2), f32)),
        degp, x, W1)

    mid = _tc_mid(n)
    sh_h = jax.ShapeDtypeStruct((2, n_pad, h_dim // 2), f32)
    p1 = seg_h(h1, src3, dst3, zeros_h2)
    h2 = _call_tc(mid, sh_h, p1, h1, dinv, b1, g1, beta1, W2)
    p2 = seg_h(h2, src3, dst3, zeros_h2)
    h3 = _call_tc(mid, sh_h, p2, h2, dinv, b2, g2, beta2, W3)
    p3 = seg_h(h3, src3, dst3, zeros_h2)
    W4p = jnp.pad(W4, ((0, 0), (0, wc - c_dim)))
    b4p = jnp.pad(b4, (0, wc - c_dim))
    h4 = _call_tc(mid, jax.ShapeDtypeStruct((2, n_pad, wc // 2), f32),
                  p3, h3, dinv, b3, g3, beta3, W4p)
    p4 = seg_c(h4, src3, dst3, zeros_c2)
    outp = _call_tc(_tc_last(), jax.ShapeDtypeStruct((n_pad, wc), f32),
                    p4, h4, dinv, b4p)
    return outp[:n, :c_dim]

# --- scband reference (transcript-rebuilt; emitter-appended) ---
"""Pipeline reference for scband-trojan-gnn-7696581394564 (READ-ONLY COPY).

The authoritative reference and input builder live on the scoring server;
editing this copy changes nothing except your own understanding.
"""

import jax, jax.numpy as jnp
import numpy as np

EPS = 1e-5

def _glorot(key, shape):
    fan_in, fan_out = shape[0], shape[1]
    limit = np.sqrt(6.0 / (fan_in + fan_out))
    return jax.random.uniform(key, shape, jnp.float32, -limit, limit)

def setup_inputs(seed: int = 0) -> dict:
    key = jax.random.key(seed)
    ks = jax.random.split(key, 8)
    N, D, H, C = 10000, 128, 128, 40
    E = 320000
    x = jax.random.normal(ks[0], (N, D), jnp.float32)
    edge_index = jax.random.randint(ks[1], (2, E), 0, N, jnp.int64)
    W1 = _glorot(ks[2], (D, H)); b1 = jnp.zeros((H,), jnp.float32)
    W2 = _glorot(ks[3], (H, H)); b2 = jnp.zeros((H,), jnp.float32)
    W3 = _glorot(ks[4], (H, H)); b3 = jnp.zeros((H,), jnp.float32)
    W4 = _glorot(ks[5], (H, C)); b4 = jnp.zeros((C,), jnp.float32)
    g1 = jnp.ones((H,), jnp.float32); beta1 = jnp.zeros((H,), jnp.float32)
    g2 = jnp.ones((H,), jnp.float32); beta2 = jnp.zeros((H,), jnp.float32)
    g3 = jnp.ones((H,), jnp.float32); beta3 = jnp.zeros((H,), jnp.float32)
    return {"x": x, "edge_index": edge_index,
            "W1": W1, "b1": b1, "g1": g1, "beta1": beta1,
            "W2": W2, "b2": b2, "g2": g2, "beta2": beta2,
            "W3": W3, "b3": b3, "g3": g3, "beta3": beta3,
            "W4": W4, "b4": b4}

def _gcn_conv(x, src, dst, W, b):
    # GCNConv with added self-loops and symmetric normalization
    N = x.shape[0]
    deg = jnp.zeros((N,), jnp.float32).at[dst].add(1.0)
    dinv = jnp.where(deg > 0, deg ** -0.5, 0.0)
    norm = dinv[src] * dinv[dst]
    h = x @ W
    msg = h[src] * norm[:, None]
    out = jax.ops.segment_sum(msg, dst, num_segments=N)
    return out + b

def _bn(h, gamma, beta):
    mean = jnp.mean(h, axis=0)
    var = jnp.var(h, axis=0)
    return (h - mean) / jnp.sqrt(var + EPS) * gamma + beta

def reference(x, edge_index, W1, b1, g1, beta1, W2, b2, g2, beta2, W3, b3, g3, beta3, W4, b4):
    N = x.shape[0]
    loop = jnp.arange(N, dtype=edge_index.dtype)
    src = jnp.concatenate([edge_index[0], loop])
    dst = jnp.concatenate([edge_index[1], loop])
    h = _gcn_conv(x, src, dst, W1, b1)
    h = jax.nn.relu(_bn(h, g1, beta1))
    # dropout p=0.001 is identity in eval mode
    h = _gcn_conv(h, src, dst, W2, b2)
    h = jax.nn.relu(_bn(h, g2, beta2))
    h = _gcn_conv(h, src, dst, W3, b3)
    h = jax.nn.relu(_bn(h, g3, beta3))
    out = _gcn_conv(h, src, dst, W4, b4)
    return out

if __name__ == "__main__":
    import jax
    _d = setup_inputs()
    print(jax.jit(kernel)(*tuple(_d.values())))

</pallas_src>

<mosaic_0001>
#map = affine_map<(d0, d1) -> (0, 0, 0)>
#map1 = affine_map<(d0, d1) -> (0, 0)>
module attributes {stable_mosaic.version = 14 : i64} {
  func.func @body(%arg0: i32, %arg1: i32, %arg2: memref<2x10112x16xf32, #tpu.memory_space<hbm>>, %arg3: memref<16x157x128xi32, #tpu.memory_space<hbm>>, %arg4: memref<16x157x128xi32, #tpu.memory_space<hbm>>, %arg5: memref<10112x16xf32, #tpu.memory_space<hbm>>, %arg6: memref<2x10112x16xf32, #tpu.memory_space<hbm>>, %arg7: memref<157x128xi32, #tpu.memory_space<vmem>>, %arg8: memref<157x128xi32, #tpu.memory_space<vmem>>, %arg9: memref<5x128x16xf32, #tpu.memory_space<vmem>>, %arg10: memref<10112x16xf32, #tpu.memory_space<vmem_shared>>, %arg11: memref<!tpu.dma_semaphore, #tpu.memory_space<semaphore_mem>>, %arg12: memref<!tpu.dma_semaphore, #tpu.memory_space<semaphore_mem>>) attributes {dimension_semantics = [#tpu.dimension_semantics<core_parallel>, #tpu.dimension_semantics<subcore_parallel>], iteration_bounds = array<i64: 2, 16>, scalar_prefetch = 0 : i64, scratch_operands = 6 : i64, tpu.core_type = #tpu.core_type<sc_vector_subcore>, window_params = [{transform_indices = #map}, {transform_indices = #map}, {transform_indices = #map}, {transform_indices = #map1}, {transform_indices = #map}]} {
    "tpu.region"() ({
      %run_scoped3A = tpu.sem_alloc : memref<!tpu.dma_semaphore, #tpu.memory_space<semaphore_mem>>
      %dma_start3A_88 = arith.constant 0 : i32
      %dma_start3A_89 = arith.constant 0 : i32
      %dma_start3A_90 = tpu.memref_slice %arg3[%arg1, %dma_start3A_88, %dma_start3A_89] : memref<16x157x128xi32, #tpu.memory_space<hbm>> -> memref<1x157x128xi32, #tpu.memory_space<hbm>>
      %dma_start3A_91 = tpu.memref_squeeze %dma_start3A_90 : memref<1x157x128xi32, #tpu.memory_space<hbm>> -> memref<157x128xi32, #tpu.memory_space<hbm>>
      %dma_start3A_92 = arith.constant 0 : i32
      %dma_start3A_93 = arith.constant 0 : i32
      %dma_start3A_94 = tpu.memref_slice %arg3[%arg1, %dma_start3A_92, %dma_start3A_93] : memref<16x157x128xi32, #tpu.memory_space<hbm>> -> memref<1x157x128xi32, #tpu.memory_space<hbm>>
      %dma_start3A_95 = tpu.memref_squeeze %dma_start3A_94 : memref<1x157x128xi32, #tpu.memory_space<hbm>> -> memref<157x128xi32, #tpu.memory_space<hbm>>
      tpu.enqueue_dma source(%dma_start3A_95 : memref<157x128xi32, #tpu.memory_space<hbm>>) target(%arg7 : memref<157x128xi32, #tpu.memory_space<vmem>>) target_semaphore(%run_scoped3A : memref<!tpu.dma_semaphore, #tpu.memory_space<semaphore_mem>>)
      %dma_wait3A_96 = arith.constant 0 : i32
      %dma_wait3A_97 = arith.constant 0 : i32
      %dma_wait3A_98 = tpu.memref_slice %arg3[%arg1, %dma_wait3A_96, %dma_wait3A_97] : memref<16x157x128xi32, #tpu.memory_space<hbm>> -> memref<1x157x128xi32, #tpu.memory_space<hbm>>
      %dma_wait3A_99 = tpu.memref_squeeze %dma_wait3A_98 : memref<1x157x128xi32, #tpu.memory_space<hbm>> -> memref<157x128xi32, #tpu.memory_space<hbm>>
      %dma_wait3A_100 = arith.constant 0 : i32
      %dma_wait3A_101 = arith.constant 0 : i32
      %dma_wait3A_102 = tpu.memref_slice %arg3[%arg1, %dma_wait3A_100, %dma_wait3A_101] : memref<16x157x128xi32, #tpu.memory_space<hbm>> -> memref<1x157x128xi32, #tpu.memory_space<hbm>>
      %dma_wait3A_103 = tpu.memref_squeeze %dma_wait3A_102 : memref<1x157x128xi32, #tpu.memory_space<hbm>> -> memref<157x128xi32, #tpu.memory_space<hbm>>
      tpu.wait_dma2 semaphore(%run_scoped3A : memref<!tpu.dma_semaphore, #tpu.memory_space<semaphore_mem>>) src(%dma_wait3A_103 : memref<157x128xi32, #tpu.memory_space<hbm>>) dst(%arg7 : memref<157x128xi32, #tpu.memory_space<vmem>>)
      tpu.yield
    }) : () -> ()
    "tpu.region"() ({
      %run_scoped3A = tpu.sem_alloc : memref<!tpu.dma_semaphore, #tpu.memory_space<semaphore_mem>>
      %dma_start3A_88 = arith.constant 0 : i32
      %dma_start3A_89 = arith.constant 0 : i32
      %dma_start3A_90 = tpu.memref_slice %arg4[%arg1, %dma_start3A_88, %dma_start3A_89] : memref<16x157x128xi32, #tpu.memory_space<hbm>> -> memref<1x157x128xi32, #tpu.memory_space<hbm>>
      %dma_start3A_91 = tpu.memref_squeeze %dma_start3A_90 : memref<1x157x128xi32, #tpu.memory_space<hbm>> -> memref<157x128xi32, #tpu.memory_space<hbm>>
      %dma_start3A_92 = arith.constant 0 : i32
      %dma_start3A_93 = arith.constant 0 : i32
      %dma_start3A_94 = tpu.memref_slice %arg4[%arg1, %dma_start3A_92, %dma_start3A_93] : memref<16x157x128xi32, #tpu.memory_space<hbm>> -> memref<1x157x128xi32, #tpu.memory_space<hbm>>
      %dma_start3A_95 = tpu.memref_squeeze %dma_start3A_94 : memref<1x157x128xi32, #tpu.memory_space<hbm>> -> memref<157x128xi32, #tpu.memory_space<hbm>>
      tpu.enqueue_dma source(%dma_start3A_95 : memref<157x128xi32, #tpu.memory_space<hbm>>) target(%arg8 : memref<157x128xi32, #tpu.memory_space<vmem>>) target_semaphore(%run_scoped3A : memref<!tpu.dma_semaphore, #tpu.memory_space<semaphore_mem>>)
      %dma_wait3A_96 = arith.constant 0 : i32
      %dma_wait3A_97 = arith.constant 0 : i32
      %dma_wait3A_98 = tpu.memref_slice %arg4[%arg1, %dma_wait3A_96, %dma_wait3A_97] : memref<16x157x128xi32, #tpu.memory_space<hbm>> -> memref<1x157x128xi32, #tpu.memory_space<hbm>>
      %dma_wait3A_99 = tpu.memref_squeeze %dma_wait3A_98 : memref<1x157x128xi32, #tpu.memory_space<hbm>> -> memref<157x128xi32, #tpu.memory_space<hbm>>
      %dma_wait3A_100 = arith.constant 0 : i32
      %dma_wait3A_101 = arith.constant 0 : i32
      %dma_wait3A_102 = tpu.memref_slice %arg4[%arg1, %dma_wait3A_100, %dma_wait3A_101] : memref<16x157x128xi32, #tpu.memory_space<hbm>> -> memref<1x157x128xi32, #tpu.memory_space<hbm>>
      %dma_wait3A_103 = tpu.memref_squeeze %dma_wait3A_102 : memref<1x157x128xi32, #tpu.memory_space<hbm>> -> memref<157x128xi32, #tpu.memory_space<hbm>>
      tpu.wait_dma2 semaphore(%run_scoped3A : memref<!tpu.dma_semaphore, #tpu.memory_space<semaphore_mem>>) src(%dma_wait3A_103 : memref<157x128xi32, #tpu.memory_space<hbm>>) dst(%arg8 : memref<157x128xi32, #tpu.memory_space<vmem>>)
      tpu.yield
    }) : () -> ()
    %mul3A = arith.constant 632 : i32
    %mul3A_0 = arith.muli %arg1, %mul3A : i32
    %mul3A_1 = arith.constant 632 : i32
    %mul3A_2 = arith.muli %arg1, %mul3A_1 : i32
    "tpu.region"() ({
      %run_scoped3A = tpu.sem_alloc : memref<!tpu.dma_semaphore, #tpu.memory_space<semaphore_mem>>
      %dma_start3A_88 = arith.constant 0 : i32
      %dma_start3A_89 = tpu.memref_slice %arg10[%mul3A_2, %dma_start3A_88] : memref<10112x16xf32, #tpu.memory_space<vmem_shared>> -> memref<632x16xf32, #tpu.memory_space<vmem_shared>>
      %dma_start3A_90 = arith.constant 0 : i32
      %dma_start3A_91 = tpu.memref_slice %arg5[%mul3A_0, %dma_start3A_90] : memref<10112x16xf32, #tpu.memory_space<hbm>> -> memref<632x16xf32, #tpu.memory_space<hbm>>
      tpu.enqueue_dma source(%dma_start3A_91 : memref<632x16xf32, #tpu.memory_space<hbm>>) target(%dma_start3A_89 : memref<632x16xf32, #tpu.memory_space<vmem_shared>>) target_semaphore(%run_scoped3A : memref<!tpu.dma_semaphore, #tpu.memory_space<semaphore_mem>>)
      %dma_wait3A_92 = arith.constant 0 : i32
      %dma_wait3A_93 = tpu.memref_slice %arg10[%mul3A_2, %dma_wait3A_92] : memref<10112x16xf32, #tpu.memory_space<vmem_shared>> -> memref<632x16xf32, #tpu.memory_space<vmem_shared>>
      %dma_wait3A_94 = arith.constant 0 : i32
      %dma_wait3A_95 = tpu.memref_slice %arg5[%mul3A_0, %dma_wait3A_94] : memref<10112x16xf32, #tpu.memory_space<hbm>> -> memref<632x16xf32, #tpu.memory_space<hbm>>
      tpu.wait_dma2 semaphore(%run_scoped3A : memref<!tpu.dma_semaphore, #tpu.memory_space<semaphore_mem>>) src(%dma_wait3A_95 : memref<632x16xf32, #tpu.memory_space<hbm>>) dst(%dma_wait3A_93 : memref<632x16xf32, #tpu.memory_space<vmem_shared>>)
      tpu.yield
    }) : () -> ()
    %barrier3A = arith.constant 0 : index
    tpu.barrier barrier_id(%barrier3A)
    %rem3A = arith.constant 0 : i32
    %rem3A_3 = arith.constant 5 : i32
    %rem3A_4 = arith.remsi %rem3A, %rem3A_3 : i32
    %dma_start3A = arith.constant 0 : i32
    %dma_start3A_5 = arith.constant 0 : i32
    %dma_start3A_6 = arith.constant 0 : i32
    %dma_start3A_7 = tpu.memref_slice %arg9[%rem3A_4, %dma_start3A_5, %dma_start3A_6] : memref<5x128x16xf32, #tpu.memory_space<vmem>> -> memref<1x128x16xf32, #tpu.memory_space<vmem>>
    %dma_start3A_8 = tpu.memref_squeeze %dma_start3A_7 : memref<1x128x16xf32, #tpu.memory_space<vmem>> -> memref<128x16xf32, #tpu.memory_space<vmem>>
    %dma_start3A_9 = arith.constant 0 : i32
    %dma_start3A_10 = tpu.memref_slice %arg7[%dma_start3A, %dma_start3A_9] : memref<157x128xi32, #tpu.memory_space<vmem>> -> memref<1x128xi32, #tpu.memory_space<vmem>>
    %dma_start3A_11 = tpu.memref_squeeze %dma_start3A_10 : memref<1x128xi32, #tpu.memory_space<vmem>> -> memref<128xi32, #tpu.memory_space<vmem>>
    %dma_start3A_12 = arith.constant 0 : i32
    %dma_start3A_13 = arith.constant 0 : i32
    %dma_start3A_14 = tpu.memref_slice %arg2[%arg0, %dma_start3A_12, %dma_start3A_13] : memref<2x10112x16xf32, #tpu.memory_space<hbm>> -> memref<1x10112x16xf32, #tpu.memory_space<hbm>>
    %dma_start3A_15 = tpu.memref_squeeze %dma_start3A_14 : memref<1x10112x16xf32, #tpu.memory_space<hbm>> -> memref<10112x16xf32, #tpu.memory_space<hbm>>
    %dma_start3A_16 = arith.constant 0 : i32
    %dma_start3A_17 = arith.constant 0 : i32
    %dma_start3A_18 = tpu.memref_slice %dma_start3A_15[%dma_start3A_16, %dma_start3A_17] : memref<10112x16xf32, #tpu.memory_space<hbm>> -> memref<10112x16xf32, #tpu.memory_space<hbm>>
    tpu.enqueue_indirect_dma source(%dma_start3A_18 : memref<10112x16xf32, #tpu.memory_space<hbm>>) target(%dma_start3A_8 : memref<128x16xf32, #tpu.memory_space<vmem>>) offsets(%dma_start3A_11 : memref<128xi32, #tpu.memory_space<vmem>>) semaphore(%arg11 : memref<!tpu.dma_semaphore, #tpu.memory_space<semaphore_mem>>)
    %rem3A_19 = arith.constant 1 : i32
    %rem3A_20 = arith.constant 5 : i32
    %rem3A_21 = arith.remsi %rem3A_19, %rem3A_20 : i32
    %dma_start3A_22 = arith.constant 1 : i32
    %dma_start3A_23 = arith.constant 0 : i32
    %dma_start3A_24 = arith.constant 0 : i32
    %dma_start3A_25 = tpu.memref_slice %arg9[%rem3A_21, %dma_start3A_23, %dma_start3A_24] : memref<5x128x16xf32, #tpu.memory_space<vmem>> -> memref<1x128x16xf32, #tpu.memory_space<vmem>>
    %dma_start3A_26 = tpu.memref_squeeze %dma_start3A_25 : memref<1x128x16xf32, #tpu.memory_space<vmem>> -> memref<128x16xf32, #tpu.memory_space<vmem>>
    %dma_start3A_27 = arith.constant 0 : i32
    %dma_start3A_28 = tpu.memref_slice %arg7[%dma_start3A_22, %dma_start3A_27] : memref<157x128xi32, #tpu.memory_space<vmem>> -> memref<1x128xi32, #tpu.memory_space<vmem>>
    %dma_start3A_29 = tpu.memref_squeeze %dma_start3A_28 : memref<1x128xi32, #tpu.memory_space<vmem>> -> memref<128xi32, #tpu.memory_space<vmem>>
    %dma_start3A_30 = arith.constant 0 : i32
    %dma_start3A_31 = arith.constant 0 : i32
    %dma_start3A_32 = tpu.memref_slice %arg2[%arg0, %dma_start3A_30, %dma_start3A_31] : memref<2x10112x16xf32, #tpu.memory_space<hbm>> -> memref<1x10112x16xf32, #tpu.memory_space<hbm>>
    %dma_start3A_33 = tpu.memref_squeeze %dma_start3A_32 : memref<1x10112x16xf32, #tpu.memory_space<hbm>> -> memref<10112x16xf32, #tpu.memory_space<hbm>>
    %dma_start3A_34 = arith.constant 0 : i32
    %dma_start3A_35 = arith.constant 0 : i32
    %dma_start3A_36 = tpu.memref_slice %dma_start3A_33[%dma_start3A_34, %dma_start3A_35] : memref<10112x16xf32, #tpu.memory_space<hbm>> -> memref<10112x16xf32, #tpu.memory_space<hbm>>
    tpu.enqueue_indirect_dma source(%dma_start3A_36 : memref<10112x16xf32, #tpu.memory_space<hbm>>) target(%dma_start3A_26 : memref<128x16xf32, #tpu.memory_space<vmem>>) offsets(%dma_start3A_29 : memref<128xi32, #tpu.memory_space<vmem>>) semaphore(%arg11 : memref<!tpu.dma_semaphore, #tpu.memory_space<semaphore_mem>>)
    %rem3A_37 = arith.constant 2 : i32
    %rem3A_38 = arith.constant 5 : i32
    %rem3A_39 = arith.remsi %rem3A_37, %rem3A_38 : i32
    %dma_start3A_40 = arith.constant 2 : i32
    %dma_start3A_41 = arith.constant 0 : i32
    %dma_start3A_42 = arith.constant 0 : i32
    %dma_start3A_43 = tpu.memref_slice %arg9[%rem3A_39, %dma_start3A_41, %dma_start3A_42] : memref<5x128x16xf32, #tpu.memory_space<vmem>> -> memref<1x128x16xf32, #tpu.memory_space<vmem>>
    %dma_start3A_44 = tpu.memref_squeeze %dma_start3A_43 : memref<1x128x16xf32, #tpu.memory_space<vmem>> -> memref<128x16xf32, #tpu.memory_space<vmem>>
    %dma_start3A_45 = arith.constant 0 : i32
    %dma_start3A_46 = tpu.memref_slice %arg7[%dma_start3A_40, %dma_start3A_45] : memref<157x128xi32, #tpu.memory_space<vmem>> -> memref<1x128xi32, #tpu.memory_space<vmem>>
    %dma_start3A_47 = tpu.memref_squeeze %dma_start3A_46 : memref<1x128xi32, #tpu.memory_space<vmem>> -> memref<128xi32, #tpu.memory_space<vmem>>
    %dma_start3A_48 = arith.constant 0 : i32
    %dma_start3A_49 = arith.constant 0 : i32
    %dma_start3A_50 = tpu.memref_slice %arg2[%arg0, %dma_start3A_48, %dma_start3A_49] : memref<2x10112x16xf32, #tpu.memory_space<hbm>> -> memref<1x10112x16xf32, #tpu.memory_space<hbm>>
    %dma_start3A_51 = tpu.memref_squeeze %dma_start3A_50 : memref<1x10112x16xf32, #tpu.memory_space<hbm>> -> memref<10112x16xf32, #tpu.memory_space<hbm>>
    %dma_start3A_52 = arith.constant 0 : i32
    %dma_start3A_53 = arith.constant 0 : i32
    %dma_start3A_54 = tpu.memref_slice %dma_start3A_51[%dma_start3A_52, %dma_start3A_53] : memref<10112x16xf32, #tpu.memory_space<hbm>> -> memref<10112x16xf32, #tpu.memory_space<hbm>>
    tpu.enqueue_indirect_dma source(%dma_start3A_54 : memref<10112x16xf32, #tpu.memory_space<hbm>>) target(%dma_start3A_44 : memref<128x16xf32, #tpu.memory_space<vmem>>) offsets(%dma_start3A_47 : memref<128xi32, #tpu.memory_space<vmem>>) semaphore(%arg11 : memref<!tpu.dma_semaphore, #tpu.memory_space<semaphore_mem>>)
    %scan3A = arith.constant 0 : i32
    %scan3A_55 = arith.constant 0 : i32
    %scan3A_56 = arith.constant 157 : i32
    %scan3A_57 = arith.addi %scan3A_55, %scan3A_56 : i32
    %scan3A_58 = arith.constant 1 : i32
    scf.for %scan3A_88 = %scan3A_55 to %scan3A_57 step %scan3A_58  : i32 {
      %rem3A_89 = arith.constant 5 : i32
      %rem3A_90 = arith.remsi %scan3A_88, %rem3A_89 : i32
      %dma_wait3A_91 = arith.constant 0 : i32
      %dma_wait3A_92 = arith.constant 0 : i32
      %dma_wait3A_93 = tpu.memref_slice %arg9[%rem3A_90, %dma_wait3A_91, %dma_wait3A_92] : memref<5x128x16xf32, #tpu.memory_space<vmem>> -> memref<1x128x16xf32, #tpu.memory_space<vmem>>
      %dma_wait3A_94 = tpu.memref_squeeze %dma_wait3A_93 : memref<1x128x16xf32, #tpu.memory_space<vmem>> -> memref<128x16xf32, #tpu.memory_space<vmem>>
      %dma_wait3A_95 = arith.constant 0 : i32
      %dma_wait3A_96 = tpu.memref_slice %arg7[%scan3A_88, %dma_wait3A_95] : memref<157x128xi32, #tpu.memory_space<vmem>> -> memref<1x128xi32, #tpu.memory_space<vmem>>
      %dma_wait3A_97 = tpu.memref_squeeze %dma_wait3A_96 : memref<1x128xi32, #tpu.memory_space<vmem>> -> memref<128xi32, #tpu.memory_space<vmem>>
      %dma_wait3A_98 = arith.constant 0 : i32
      %dma_wait3A_99 = arith.constant 0 : i32
      %dma_wait3A_100 = tpu.memref_slice %arg2[%arg0, %dma_wait3A_98, %dma_wait3A_99] : memref<2x10112x16xf32, #tpu.memory_space<hbm>> -> memref<1x10112x16xf32, #tpu.memory_space<hbm>>
      %dma_wait3A_101 = tpu.memref_squeeze %dma_wait3A_100 : memref<1x10112x16xf32, #tpu.memory_space<hbm>> -> memref<10112x16xf32, #tpu.memory_space<hbm>>
      %dma_wait3A_102 = arith.constant 0 : i32
      %dma_wait3A_103 = arith.constant 0 : i32
      %dma_wait3A_104 = tpu.memref_slice %dma_wait3A_101[%dma_wait3A_102, %dma_wait3A_103] : memref<10112x16xf32, #tpu.memory_space<hbm>> -> memref<10112x16xf32, #tpu.memory_space<hbm>>
      tpu.wait_indirect_dma semaphore(%arg11 : memref<!tpu.dma_semaphore, #tpu.memory_space<semaphore_mem>>) src(%dma_wait3A_104 : memref<10112x16xf32, #tpu.memory_space<hbm>>) dst(%dma_wait3A_94 : memref<128x16xf32, #tpu.memory_space<vmem>>)
      %rem3A_105 = arith.constant 5 : i32
      %rem3A_106 = arith.remsi %scan3A_88, %rem3A_105 : i32
      %dma_start3A_107 = arith.constant 0 : i32
      %dma_start3A_108 = arith.constant 0 : i32
      %dma_start3A_109 = tpu.memref_slice %arg9[%rem3A_106, %dma_start3A_107, %dma_start3A_108] : memref<5x128x16xf32, #tpu.memory_space<vmem>> -> memref<1x128x16xf32, #tpu.memory_space<vmem>>
      %dma_start3A_110 = tpu.memref_squeeze %dma_start3A_109 : memref<1x128x16xf32, #tpu.memory_space<vmem>> -> memref<128x16xf32, #tpu.memory_space<vmem>>
      %dma_start3A_111 = arith.constant 0 : i32
      %dma_start3A_112 = tpu.memref_slice %arg8[%scan3A_88, %dma_start3A_111] : memref<157x128xi32, #tpu.memory_space<vmem>> -> memref<1x128xi32, #tpu.memory_space<vmem>>
      %dma_start3A_113 = tpu.memref_squeeze %dma_start3A_112 : memref<1x128xi32, #tpu.memory_space<vmem>> -> memref<128xi32, #tpu.memory_space<vmem>>
      %dma_start3A_114 = arith.constant 0 : i32
      %dma_start3A_115 = arith.constant 0 : i32
      %dma_start3A_116 = tpu.memref_slice %arg10[%dma_start3A_114, %dma_start3A_115] : memref<10112x16xf32, #tpu.memory_space<vmem_shared>> -> memref<10112x16xf32, #tpu.memory_space<vmem_shared>>
      tpu.enqueue_indirect_dma source(%dma_start3A_110 : memref<128x16xf32, #tpu.memory_space<vmem>>) target(%dma_start3A_116 : memref<10112x16xf32, #tpu.memory_space<vmem_shared>>) offsets(%dma_start3A_113 : memref<128xi32, #tpu.memory_space<vmem>>) semaphore(%arg12 : memref<!tpu.dma_semaphore, #tpu.memory_space<semaphore_mem>>) {add = true}
      %ge3A = arith.constant 2 : i32
      %ge3A_117 = arith.cmpi sge, %scan3A_88, %ge3A : i32
      %convert_element_type3A = arith.extui %ge3A_117 : i1 to i32
      %cond3A = arith.constant 0 : i32
      %cond3A_118 = arith.cmpi ne, %convert_element_type3A, %cond3A : i32
      scf.if %cond3A_118 {
        %dma_wait3A_124 = arith.constant 0 : i32
        %dma_wait3A_125 = arith.constant 0 : i32
        %dma_wait3A_126 = arith.constant 0 : i32
        %dma_wait3A_127 = arith.constant 0 : i32
        %dma_wait3A_128 = tpu.memref_slice %arg9[%dma_wait3A_124, %dma_wait3A_126, %dma_wait3A_127] : memref<5x128x16xf32, #tpu.memory_space<vmem>> -> memref<1x128x16xf32, #tpu.memory_space<vmem>>
        %dma_wait3A_129 = tpu.memref_squeeze %dma_wait3A_128 : memref<1x128x16xf32, #tpu.memory_space<vmem>> -> memref<128x16xf32, #tpu.memory_space<vmem>>
        %dma_wait3A_130 = arith.constant 0 : i32
        %dma_wait3A_131 = tpu.memref_slice %arg8[%dma_wait3A_125, %dma_wait3A_130] : memref<157x128xi32, #tpu.memory_space<vmem>> -> memref<1x128xi32, #tpu.memory_space<vmem>>
        %dma_wait3A_132 = tpu.memref_squeeze %dma_wait3A_131 : memref<1x128xi32, #tpu.memory_space<vmem>> -> memref<128xi32, #tpu.memory_space<vmem>>
        %dma_wait3A_133 = arith.constant 0 : i32
        %dma_wait3A_134 = arith.constant 0 : i32
        %dma_wait3A_135 = tpu.memref_slice %arg10[%dma_wait3A_133, %dma_wait3A_134] : memref<10112x16xf32, #tpu.memory_space<vmem_shared>> -> memref<10112x16xf32, #tpu.memory_space<vmem_shared>>
        tpu.wait_indirect_dma semaphore(%arg12 : memref<!tpu.dma_semaphore, #tpu.memory_space<semaphore_mem>>) src(%dma_wait3A_129 : memref<128x16xf32, #tpu.memory_space<vmem>>) dst(%dma_wait3A_135 : memref<10112x16xf32, #tpu.memory_space<vmem_shared>>)
      } else {
      }
      %add3A = arith.constant 3 : i32
      %add3A_119 = arith.addi %scan3A_88, %add3A : i32
      %lt3A = arith.constant 157 : i32
      %lt3A_120 = arith.cmpi slt, %add3A_119, %lt3A : i32
      %convert_element_type3A_121 = arith.extui %lt3A_120 : i1 to i32
      %cond3A_122 = arith.constant 0 : i32
      %cond3A_123 = arith.cmpi ne, %convert_element_type3A_121, %cond3A_122 : i32
      scf.if %cond3A_123 {
        %add3A_124 = arith.constant 3 : i32
        %add3A_125 = arith.addi %scan3A_88, %add3A_124 : i32
        %rem3A_126 = arith.constant 5 : i32
        %rem3A_127 = arith.remsi %add3A_125, %rem3A_126 : i32
        %dma_start3A_128 = arith.constant 0 : i32
        %dma_start3A_129 = arith.constant 0 : i32
        %dma_start3A_130 = tpu.memref_slice %arg9[%rem3A_127, %dma_start3A_128, %dma_start3A_129] : memref<5x128x16xf32, #tpu.memory_space<vmem>> -> memref<1x128x16xf32, #tpu.memory_space<vmem>>
        %dma_start3A_131 = tpu.memref_squeeze %dma_start3A_130 : memref<1x128x16xf32, #tpu.memory_space<vmem>> -> memref<128x16xf32, #tpu.memory_space<vmem>>
        %dma_start3A_132 = arith.constant 0 : i32
        %dma_start3A_133 = tpu.memref_slice %arg7[%add3A_125, %dma_start3A_132] : memref<157x128xi32, #tpu.memory_space<vmem>> -> memref<1x128xi32, #tpu.memory_space<vmem>>
        %dma_start3A_134 = tpu.memref_squeeze %dma_start3A_133 : memref<1x128xi32, #tpu.memory_space<vmem>> -> memref<128xi32, #tpu.memory_space<vmem>>
        %dma_start3A_135 = arith.constant 0 : i32
        %dma_start3A_136 = arith.constant 0 : i32
        %dma_start3A_137 = tpu.memref_slice %arg2[%arg0, %dma_start3A_135, %dma_start3A_136] : memref<2x10112x16xf32, #tpu.memory_space<hbm>> -> memref<1x10112x16xf32, #tpu.memory_space<hbm>>
        %dma_start3A_138 = tpu.memref_squeeze %dma_start3A_137 : memref<1x10112x16xf32, #tpu.memory_space<hbm>> -> memref<10112x16xf32, #tpu.memory_space<hbm>>
        %dma_start3A_139 = arith.constant 0 : i32
        %dma_start3A_140 = arith.constant 0 : i32
        %dma_start3A_141 = tpu.memref_slice %dma_start3A_138[%dma_start3A_139, %dma_start3A_140] : memref<10112x16xf32, #tpu.memory_space<hbm>> -> memref<10112x16xf32, #tpu.memory_space<hbm>>
        tpu.enqueue_indirect_dma source(%dma_start3A_141 : memref<10112x16xf32, #tpu.memory_space<hbm>>) target(%dma_start3A_131 : memref<128x16xf32, #tpu.memory_space<vmem>>) offsets(%dma_start3A_134 : memref<128xi32, #tpu.memory_space<vmem>>) semaphore(%arg11 : memref<!tpu.dma_semaphore, #tpu.memory_space<semaphore_mem>>)
      } else {
      }
    }
    %scan3A_59 = arith.constant 157 : i32
    %dma_wait3A = arith.constant 0 : i32
    %dma_wait3A_60 = arith.constant 0 : i32
    %dma_wait3A_61 = arith.constant 0 : i32
    %dma_wait3A_62 = arith.constant 0 : i32
    %dma_wait3A_63 = tpu.memref_slice %arg9[%dma_wait3A, %dma_wait3A_61, %dma_wait3A_62] : memref<5x128x16xf32, #tpu.memory_space<vmem>> -> memref<1x128x16xf32, #tpu.memory_space<vmem>>
    %dma_wait3A_64 = tpu.memref_squeeze %dma_wait3A_63 : memref<1x128x16xf32, #tpu.memory_space<vmem>> -> memref<128x16xf32, #tpu.memory_space<vmem>>
    %dma_wait3A_65 = arith.constant 0 : i32
    %dma_wait3A_66 = tpu.memref_slice %arg8[%dma_wait3A_60, %dma_wait3A_65] : memref<157x128xi32, #tpu.memory_space<vmem>> -> memref<1x128xi32, #tpu.memory_space<vmem>>
    %dma_wait3A_67 = tpu.memref_squeeze %dma_wait3A_66 : memref<1x128xi32, #tpu.memory_space<vmem>> -> memref<128xi32, #tpu.memory_space<vmem>>
    %dma_wait3A_68 = arith.constant 0 : i32
    %dma_wait3A_69 = arith.constant 0 : i32
    %dma_wait3A_70 = tpu.memref_slice %arg10[%dma_wait3A_68, %dma_wait3A_69] : memref<10112x16xf32, #tpu.memory_space<vmem_shared>> -> memref<10112x16xf32, #tpu.memory_space<vmem_shared>>
    tpu.wait_indirect_dma semaphore(%arg12 : memref<!tpu.dma_semaphore, #tpu.memory_space<semaphore_mem>>) src(%dma_wait3A_64 : memref<128x16xf32, #tpu.memory_space<vmem>>) dst(%dma_wait3A_70 : memref<10112x16xf32, #tpu.memory_space<vmem_shared>>)
    %dma_wait3A_71 = arith.constant 0 : i32
    %dma_wait3A_72 = arith.constant 0 : i32
    %dma_wait3A_73 = arith.constant 0 : i32
    %dma_wait3A_74 = arith.constant 0 : i32
    %dma_wait3A_75 = tpu.memref_slice %arg9[%dma_wait3A_71, %dma_wait3A_73, %dma_wait3A_74] : memref<5x128x16xf32, #tpu.memory_space<vmem>> -> memref<1x128x16xf32, #tpu.memory_space<vmem>>
    %dma_wait3A_76 = tpu.memref_squeeze %dma_wait3A_75 : memref<1x128x16xf32, #tpu.memory_space<vmem>> -> memref<128x16xf32, #tpu.memory_space<vmem>>
    %dma_wait3A_77 = arith.constant 0 : i32
    %dma_wait3A_78 = tpu.memref_slice %arg8[%dma_wait3A_72, %dma_wait3A_77] : memref<157x128xi32, #tpu.memory_space<vmem>> -> memref<1x128xi32, #tpu.memory_space<vmem>>
    %dma_wait3A_79 = tpu.memref_squeeze %dma_wait3A_78 : memref<1x128xi32, #tpu.memory_space<vmem>> -> memref<128xi32, #tpu.memory_space<vmem>>
    %dma_wait3A_80 = arith.constant 0 : i32
    %dma_wait3A_81 = arith.constant 0 : i32
    %dma_wait3A_82 = tpu.memref_slice %arg10[%dma_wait3A_80, %dma_wait3A_81] : memref<10112x16xf32, #tpu.memory_space<vmem_shared>> -> memref<10112x16xf32, #tpu.memory_space<vmem_shared>>
    tpu.wait_indirect_dma semaphore(%arg12 : memref<!tpu.dma_semaphore, #tpu.memory_space<semaphore_mem>>) src(%dma_wait3A_76 : memref<128x16xf32, #tpu.memory_space<vmem>>) dst(%dma_wait3A_82 : memref<10112x16xf32, #tpu.memory_space<vmem_shared>>)
    %barrier3A_83 = arith.constant 0 : index
    tpu.barrier barrier_id(%barrier3A_83)
    %mul3A_84 = arith.constant 632 : i32
    %mul3A_85 = arith.muli %arg1, %mul3A_84 : i32
    %mul3A_86 = arith.constant 632 : i32
    %mul3A_87 = arith.muli %arg1, %mul3A_86 : i32
    "tpu.region"() ({
      %run_scoped3A = tpu.sem_alloc : memref<!tpu.dma_semaphore, #tpu.memory_space<semaphore_mem>>
      %dma_start3A_88 = arith.constant 0 : i32
      %dma_start3A_89 = tpu.memref_slice %arg6[%arg0, %mul3A_87, %dma_start3A_88] : memref<2x10112x16xf32, #tpu.memory_space<hbm>> -> memref<1x632x16xf32, #tpu.memory_space<hbm>>
      %dma_start3A_90 = tpu.memref_squeeze %dma_start3A_89 : memref<1x632x16xf32, #tpu.memory_space<hbm>> -> memref<632x16xf32, #tpu.memory_space<hbm>>
      %dma_start3A_91 = arith.constant 0 : i32
      %dma_start3A_92 = tpu.memref_slice %arg10[%mul3A_85, %dma_start3A_91] : memref<10112x16xf32, #tpu.memory_space<vmem_shared>> -> memref<632x16xf32, #tpu.memory_space<vmem_shared>>
      tpu.enqueue_dma source(%dma_start3A_92 : memref<632x16xf32, #tpu.memory_space<vmem_shared>>) target(%dma_start3A_90 : memref<632x16xf32, #tpu.memory_space<hbm>>) target_semaphore(%run_scoped3A : memref<!tpu.dma_semaphore, #tpu.memory_space<semaphore_mem>>)
      %dma_wait3A_93 = arith.constant 0 : i32
      %dma_wait3A_94 = tpu.memref_slice %arg6[%arg0, %mul3A_87, %dma_wait3A_93] : memref<2x10112x16xf32, #tpu.memory_space<hbm>> -> memref<1x632x16xf32, #tpu.memory_space<hbm>>
      %dma_wait3A_95 = tpu.memref_squeeze %dma_wait3A_94 : memref<1x632x16xf32, #tpu.memory_space<hbm>> -> memref<632x16xf32, #tpu.memory_space<hbm>>
      %dma_wait3A_96 = arith.constant 0 : i32
      %dma_wait3A_97 = tpu.memref_slice %arg10[%mul3A_85, %dma_wait3A_96] : memref<10112x16xf32, #tpu.memory_space<vmem_shared>> -> memref<632x16xf32, #tpu.memory_space<vmem_shared>>
      tpu.wait_dma2 semaphore(%run_scoped3A : memref<!tpu.dma_semaphore, #tpu.memory_space<semaphore_mem>>) src(%dma_wait3A_97 : memref<632x16xf32, #tpu.memory_space<vmem_shared>>) dst(%dma_wait3A_95 : memref<632x16xf32, #tpu.memory_space<hbm>>)
      tpu.yield
    }) : () -> ()
    return
  }
}

#map = affine_map<(d0, d1) -> (0, 0, 0)>
#map1 = affine_map<(d0, d1) -> (0, 0)>
module attributes {stable_mosaic.version = 14 : i64} {
  func.func @body(%arg0: i32, %arg1: i32, %arg2: memref<2x10112x64xf32, #tpu.memory_space<hbm>>, %arg3: memref<16x157x128xi32, #tpu.memory_space<hbm>>, %arg4: memref<16x157x128xi32, #tpu.memory_space<hbm>>, %arg5: memref<10112x64xf32, #tpu.memory_space<hbm>>, %arg6: memref<2x10112x64xf32, #tpu.memory_space<hbm>>, %arg7: memref<157x128xi32, #tpu.memory_space<vmem>>, %arg8: memref<157x128xi32, #tpu.memory_space<vmem>>, %arg9: memref<5x128x64xf32, #tpu.memory_space<vmem>>, %arg10: memref<10112x64xf32, #tpu.memory_space<vmem_shared>>, %arg11: memref<!tpu.dma_semaphore, #tpu.memory_space<semaphore_mem>>, %arg12: memref<!tpu.dma_semaphore, #tpu.memory_space<semaphore_mem>>) attributes {dimension_semantics = [#tpu.dimension_semantics<core_parallel>, #tpu.dimension_semantics<subcore_parallel>], iteration_bounds = array<i64: 2, 16>, scalar_prefetch = 0 : i64, scratch_operands = 6 : i64, tpu.core_type = #tpu.core_type<sc_vector_subcore>, window_params = [{transform_indices = #map}, {transform_indices = #map}, {transform_indices = #map}, {transform_indices = #map1}, {transform_indices = #map}]} {
    "tpu.region"() ({
      %run_scoped3A = tpu.sem_alloc : memref<!tpu.dma_semaphore, #tpu.memory_space<semaphore_mem>>
      %dma_start3A_88 = arith.constant 0 : i32
      %dma_start3A_89 = arith.constant 0 : i32
      %dma_start3A_90 = tpu.memref_slice %arg3[%arg1, %dma_start3A_88, %dma_start3A_89] : memref<16x157x128xi32, #tpu.memory_space<hbm>> -> memref<1x157x128xi32, #tpu.memory_space<hbm>>
      %dma_start3A_91 = tpu.memref_squeeze %dma_start3A_90 : memref<1x157x128xi32, #tpu.memory_space<hbm>> -> memref<157x128xi32, #tpu.memory_space<hbm>>
      %dma_start3A_92 = arith.constant 0 : i32
      %dma_start3A_93 = arith.constant 0 : i32
      %dma_start3A_94 = tpu.memref_slice %arg3[%arg1, %dma_start3A_92, %dma_start3A_93] : memref<16x157x128xi32, #tpu.memory_space<hbm>> -> memref<1x157x128xi32, #tpu.memory_space<hbm>>
      %dma_start3A_95 = tpu.memref_squeeze %dma_start3A_94 : memref<1x157x128xi32, #tpu.memory_space<hbm>> -> memref<157x128xi32, #tpu.memory_space<hbm>>
      tpu.enqueue_dma source(%dma_start3A_95 : memref<157x128xi32, #tpu.memory_space<hbm>>) target(%arg7 : memref<157x128xi32, #tpu.memory_space<vmem>>) target_semaphore(%run_scoped3A : memref<!tpu.dma_semaphore, #tpu.memory_space<semaphore_mem>>)
      %dma_wait3A_96 = arith.constant 0 : i32
      %dma_wait3A_97 = arith.constant 0 : i32
      %dma_wait3A_98 = tpu.memref_slice %arg3[%arg1, %dma_wait3A_96, %dma_wait3A_97] : memref<16x157x128xi32, #tpu.memory_space<hbm>> -> memref<1x157x128xi32, #tpu.memory_space<hbm>>
      %dma_wait3A_99 = tpu.memref_squeeze %dma_wait3A_98 : memref<1x157x128xi32, #tpu.memory_space<hbm>> -> memref<157x128xi32, #tpu.memory_space<hbm>>
      %dma_wait3A_100 = arith.constant 0 : i32
      %dma_wait3A_101 = arith.constant 0 : i32
      %dma_wait3A_102 = tpu.memref_slice %arg3[%arg1, %dma_wait3A_100, %dma_wait3A_101] : memref<16x157x128xi32, #tpu.memory_space<hbm>> -> memref<1x157x128xi32, #tpu.memory_space<hbm>>
      %dma_wait3A_103 = tpu.memref_squeeze %dma_wait3A_102 : memref<1x157x128xi32, #tpu.memory_space<hbm>> -> memref<157x128xi32, #tpu.memory_space<hbm>>
      tpu.wait_dma2 semaphore(%run_scoped3A : memref<!tpu.dma_semaphore, #tpu.memory_space<semaphore_mem>>) src(%dma_wait3A_103 : memref<157x128xi32, #tpu.memory_space<hbm>>) dst(%arg7 : memref<157x128xi32, #tpu.memory_space<vmem>>)
      tpu.yield
    }) : () -> ()
    "tpu.region"() ({
      %run_scoped3A = tpu.sem_alloc : memref<!tpu.dma_semaphore, #tpu.memory_space<semaphore_mem>>
      %dma_start3A_88 = arith.constant 0 : i32
      %dma_start3A_89 = arith.constant 0 : i32
      %dma_start3A_90 = tpu.memref_slice %arg4[%arg1, %dma_start3A_88, %dma_start3A_89] : memref<16x157x128xi32, #tpu.memory_space<hbm>> -> memref<1x157x128xi32, #tpu.memory_space<hbm>>
      %dma_start3A_91 = tpu.memref_squeeze %dma_start3A_90 : memref<1x157x128xi32, #tpu.memory_space<hbm>> -> memref<157x128xi32, #tpu.memory_space<hbm>>
      %dma_start3A_92 = arith.constant 0 : i32
      %dma_start3A_93 = arith.constant 0 : i32
      %dma_start3A_94 = tpu.memref_slice %arg4[%arg1, %dma_start3A_92, %dma_start3A_93] : memref<16x157x128xi32, #tpu.memory_space<hbm>> -> memref<1x157x128xi32, #tpu.memory_space<hbm>>
      %dma_start3A_95 = tpu.memref_squeeze %dma_start3A_94 : memref<1x157x128xi32, #tpu.memory_space<hbm>> -> memref<157x128xi32, #tpu.memory_space<hbm>>
      tpu.enqueue_dma source(%dma_start3A_95 : memref<157x128xi32, #tpu.memory_space<hbm>>) target(%arg8 : memref<157x128xi32, #tpu.memory_space<vmem>>) target_semaphore(%run_scoped3A : memref<!tpu.dma_semaphore, #tpu.memory_space<semaphore_mem>>)
      %dma_wait3A_96 = arith.constant 0 : i32
      %dma_wait3A_97 = arith.constant 0 : i32
      %dma_wait3A_98 = tpu.memref_slice %arg4[%arg1, %dma_wait3A_96, %dma_wait3A_97] : memref<16x157x128xi32, #tpu.memory_space<hbm>> -> memref<1x157x128xi32, #tpu.memory_space<hbm>>
      %dma_wait3A_99 = tpu.memref_squeeze %dma_wait3A_98 : memref<1x157x128xi32, #tpu.memory_space<hbm>> -> memref<157x128xi32, #tpu.memory_space<hbm>>
      %dma_wait3A_100 = arith.constant 0 : i32
      %dma_wait3A_101 = arith.constant 0 : i32
      %dma_wait3A_102 = tpu.memref_slice %arg4[%arg1, %dma_wait3A_100, %dma_wait3A_101] : memref<16x157x128xi32, #tpu.memory_space<hbm>> -> memref<1x157x128xi32, #tpu.memory_space<hbm>>
      %dma_wait3A_103 = tpu.memref_squeeze %dma_wait3A_102 : memref<1x157x128xi32, #tpu.memory_space<hbm>> -> memref<157x128xi32, #tpu.memory_space<hbm>>
      tpu.wait_dma2 semaphore(%run_scoped3A : memref<!tpu.dma_semaphore, #tpu.memory_space<semaphore_mem>>) src(%dma_wait3A_103 : memref<157x128xi32, #tpu.memory_space<hbm>>) dst(%arg8 : memref<157x128xi32, #tpu.memory_space<vmem>>)
      tpu.yield
    }) : () -> ()
    %mul3A = arith.constant 632 : i32
    %mul3A_0 = arith.muli %arg1, %mul3A : i32
    %mul3A_1 = arith.constant 632 : i32
    %mul3A_2 = arith.muli %arg1, %mul3A_1 : i32
    "tpu.region"() ({
      %run_scoped3A = tpu.sem_alloc : memref<!tpu.dma_semaphore, #tpu.memory_space<semaphore_mem>>
      %dma_start3A_88 = arith.constant 0 : i32
      %dma_start3A_89 = tpu.memref_slice %arg10[%mul3A_2, %dma_start3A_88] : memref<10112x64xf32, #tpu.memory_space<vmem_shared>> -> memref<632x64xf32, #tpu.memory_space<vmem_shared>>
      %dma_start3A_90 = arith.constant 0 : i32
      %dma_start3A_91 = tpu.memref_slice %arg5[%mul3A_0, %dma_start3A_90] : memref<10112x64xf32, #tpu.memory_space<hbm>> -> memref<632x64xf32, #tpu.memory_space<hbm>>
      tpu.enqueue_dma source(%dma_start3A_91 : memref<632x64xf32, #tpu.memory_space<hbm>>) target(%dma_start3A_89 : memref<632x64xf32, #tpu.memory_space<vmem_shared>>) target_semaphore(%run_scoped3A : memref<!tpu.dma_semaphore, #tpu.memory_space<semaphore_mem>>)
      %dma_wait3A_92 = arith.constant 0 : i32
      %dma_wait3A_93 = tpu.memref_slice %arg10[%mul3A_2, %dma_wait3A_92] : memref<10112x64xf32, #tpu.memory_space<vmem_shared>> -> memref<632x64xf32, #tpu.memory_space<vmem_shared>>
      %dma_wait3A_94 = arith.constant 0 : i32
      %dma_wait3A_95 = tpu.memref_slice %arg5[%mul3A_0, %dma_wait3A_94] : memref<10112x64xf32, #tpu.memory_space<hbm>> -> memref<632x64xf32, #tpu.memory_space<hbm>>
      tpu.wait_dma2 semaphore(%run_scoped3A : memref<!tpu.dma_semaphore, #tpu.memory_space<semaphore_mem>>) src(%dma_wait3A_95 : memref<632x64xf32, #tpu.memory_space<hbm>>) dst(%dma_wait3A_93 : memref<632x64xf32, #tpu.memory_space<vmem_shared>>)
      tpu.yield
    }) : () -> ()
    %barrier3A = arith.constant 0 : index
    tpu.barrier barrier_id(%barrier3A)
    %rem3A = arith.constant 0 : i32
    %rem3A_3 = arith.constant 5 : i32
    %rem3A_4 = arith.remsi %rem3A, %rem3A_3 : i32
    %dma_start3A = arith.constant 0 : i32
    %dma_start3A_5 = arith.constant 0 : i32
    %dma_start3A_6 = arith.constant 0 : i32
    %dma_start3A_7 = tpu.memref_slice %arg9[%rem3A_4, %dma_start3A_5, %dma_start3A_6] : memref<5x128x64xf32, #tpu.memory_space<vmem>> -> memref<1x128x64xf32, #tpu.memory_space<vmem>>
    %dma_start3A_8 = tpu.memref_squeeze %dma_start3A_7 : memref<1x128x64xf32, #tpu.memory_space<vmem>> -> memref<128x64xf32, #tpu.memory_space<vmem>>
    %dma_start3A_9 = arith.constant 0 : i32
    %dma_start3A_10 = tpu.memref_slice %arg7[%dma_start3A, %dma_start3A_9] : memref<157x128xi32, #tpu.memory_space<vmem>> -> memref<1x128xi32, #tpu.memory_space<vmem>>
    %dma_start3A_11 = tpu.memref_squeeze %dma_start3A_10 : memref<1x128xi32, #tpu.memory_space<vmem>> -> memref<128xi32, #tpu.memory_space<vmem>>
    %dma_start3A_12 = arith.constant 0 : i32
    %dma_start3A_13 = arith.constant 0 : i32
    %dma_start3A_14 = tpu.memref_slice %arg2[%arg0, %dma_start3A_12, %dma_start3A_13] : memref<2x10112x64xf32, #tpu.memory_space<hbm>> -> memref<1x10112x64xf32, #tpu.memory_space<hbm>>
    %dma_start3A_15 = tpu.memref_squeeze %dma_start3A_14 : memref<1x10112x64xf32, #tpu.memory_space<hbm>> -> memref<10112x64xf32, #tpu.memory_space<hbm>>
    %dma_start3A_16 = arith.constant 0 : i32
    %dma_start3A_17 = arith.constant 0 : i32
    %dma_start3A_18 = tpu.memref_slice %dma_start3A_15[%dma_start3A_16, %dma_start3A_17] : memref<10112x64xf32, #tpu.memory_space<hbm>> -> memref<10112x64xf32, #tpu.memory_space<hbm>>
    tpu.enqueue_indirect_dma source(%dma_start3A_18 : memref<10112x64xf32, #tpu.memory_space<hbm>>) target(%dma_start3A_8 : memref<128x64xf32, #tpu.memory_space<vmem>>) offsets(%dma_start3A_11 : memref<128xi32, #tpu.memory_space<vmem>>) semaphore(%arg11 : memref<!tpu.dma_semaphore, #tpu.memory_space<semaphore_mem>>)
    %rem3A_19 = arith.constant 1 : i32
    %rem3A_20 = arith.constant 5 : i32
    %rem3A_21 = arith.remsi %rem3A_19, %rem3A_20 : i32
    %dma_start3A_22 = arith.constant 1 : i32
    %dma_start3A_23 = arith.constant 0 : i32
    %dma_start3A_24 = arith.constant 0 : i32
    %dma_start3A_25 = tpu.memref_slice %arg9[%rem3A_21, %dma_start3A_23, %dma_start3A_24] : memref<5x128x64xf32, #tpu.memory_space<vmem>> -> memref<1x128x64xf32, #tpu.memory_space<vmem>>
    %dma_start3A_26 = tpu.memref_squeeze %dma_start3A_25 : memref<1x128x64xf32, #tpu.memory_space<vmem>> -> memref<128x64xf32, #tpu.memory_space<vmem>>
    %dma_start3A_27 = arith.constant 0 : i32
    %dma_start3A_28 = tpu.memref_slice %arg7[%dma_start3A_22, %dma_start3A_27] : memref<157x128xi32, #tpu.memory_space<vmem>> -> memref<1x128xi32, #tpu.memory_space<vmem>>
    %dma_start3A_29 = tpu.memref_squeeze %dma_start3A_28 : memref<1x128xi32, #tpu.memory_space<vmem>> -> memref<128xi32, #tpu.memory_space<vmem>>
    %dma_start3A_30 = arith.constant 0 : i32
    %dma_start3A_31 = arith.constant 0 : i32
    %dma_start3A_32 = tpu.memref_slice %arg2[%arg0, %dma_start3A_30, %dma_start3A_31] : memref<2x10112x64xf32, #tpu.memory_space<hbm>> -> memref<1x10112x64xf32, #tpu.memory_space<hbm>>
    %dma_start3A_33 = tpu.memref_squeeze %dma_start3A_32 : memref<1x10112x64xf32, #tpu.memory_space<hbm>> -> memref<10112x64xf32, #tpu.memory_space<hbm>>
    %dma_start3A_34 = arith.constant 0 : i32
    %dma_start3A_35 = arith.constant 0 : i32
    %dma_start3A_36 = tpu.memref_slice %dma_start3A_33[%dma_start3A_34, %dma_start3A_35] : memref<10112x64xf32, #tpu.memory_space<hbm>> -> memref<10112x64xf32, #tpu.memory_space<hbm>>
    tpu.enqueue_indirect_dma source(%dma_start3A_36 : memref<10112x64xf32, #tpu.memory_space<hbm>>) target(%dma_start3A_26 : memref<128x64xf32, #tpu.memory_space<vmem>>) offsets(%dma_start3A_29 : memref<128xi32, #tpu.memory_space<vmem>>) semaphore(%arg11 : memref<!tpu.dma_semaphore, #tpu.memory_space<semaphore_mem>>)
    %rem3A_37 = arith.constant 2 : i32
    %rem3A_38 = arith.constant 5 : i32
    %rem3A_39 = arith.remsi %rem3A_37, %rem3A_38 : i32
    %dma_start3A_40 = arith.constant 2 : i32
    %dma_start3A_41 = arith.constant 0 : i32
    %dma_start3A_42 = arith.constant 0 : i32
    %dma_start3A_43 = tpu.memref_slice %arg9[%rem3A_39, %dma_start3A_41, %dma_start3A_42] : memref<5x128x64xf32, #tpu.memory_space<vmem>> -> memref<1x128x64xf32, #tpu.memory_space<vmem>>
    %dma_start3A_44 = tpu.memref_squeeze %dma_start3A_43 : memref<1x128x64xf32, #tpu.memory_space<vmem>> -> memref<128x64xf32, #tpu.memory_space<vmem>>
    %dma_start3A_45 = arith.constant 0 : i32
    %dma_start3A_46 = tpu.memref_slice %arg7[%dma_start3A_40, %dma_start3A_45] : memref<157x128xi32, #tpu.memory_space<vmem>> -> memref<1x128xi32, #tpu.memory_space<vmem>>
    %dma_start3A_47 = tpu.memref_squeeze %dma_start3A_46 : memref<1x128xi32, #tpu.memory_space<vmem>> -> memref<128xi32, #tpu.memory_space<vmem>>
    %dma_start3A_48 = arith.constant 0 : i32
    %dma_start3A_49 = arith.constant 0 : i32
    %dma_start3A_50 = tpu.memref_slice %arg2[%arg0, %dma_start3A_48, %dma_start3A_49] : memref<2x10112x64xf32, #tpu.memory_space<hbm>> -> memref<1x10112x64xf32, #tpu.memory_space<hbm>>
    %dma_start3A_51 = tpu.memref_squeeze %dma_start3A_50 : memref<1x10112x64xf32, #tpu.memory_space<hbm>> -> memref<10112x64xf32, #tpu.memory_space<hbm>>
    %dma_start3A_52 = arith.constant 0 : i32
    %dma_start3A_53 = arith.constant 0 : i32
    %dma_start3A_54 = tpu.memref_slice %dma_start3A_51[%dma_start3A_52, %dma_start3A_53] : memref<10112x64xf32, #tpu.memory_space<hbm>> -> memref<10112x64xf32, #tpu.memory_space<hbm>>
    tpu.enqueue_indirect_dma source(%dma_start3A_54 : memref<10112x64xf32, #tpu.memory_space<hbm>>) target(%dma_start3A_44 : memref<128x64xf32, #tpu.memory_space<vmem>>) offsets(%dma_start3A_47 : memref<128xi32, #tpu.memory_space<vmem>>) semaphore(%arg11 : memref<!tpu.dma_semaphore, #tpu.memory_space<semaphore_mem>>)
    %scan3A = arith.constant 0 : i32
    %scan3A_55 = arith.constant 0 : i32
    %scan3A_56 = arith.constant 157 : i32
    %scan3A_57 = arith.addi %scan3A_55, %scan3A_56 : i32
    %scan3A_58 = arith.constant 1 : i32
    scf.for %scan3A_88 = %scan3A_55 to %scan3A_57 step %scan3A_58  : i32 {
      %rem3A_89 = arith.constant 5 : i32
      %rem3A_90 = arith.remsi %scan3A_88, %rem3A_89 : i32
      %dma_wait3A_91 = arith.constant 0 : i32
      %dma_wait3A_92 = arith.constant 0 : i32
      %dma_wait3A_93 = tpu.memref_slice %arg9[%rem3A_90, %dma_wait3A_91, %dma_wait3A_92] : memref<5x128x64xf32, #tpu.memory_space<vmem>> -> memref<1x128x64xf32, #tpu.memory_space<vmem>>
      %dma_wait3A_94 = tpu.memref_squeeze %dma_wait3A_93 : memref<1x128x64xf32, #tpu.memory_space<vmem>> -> memref<128x64xf32, #tpu.memory_space<vmem>>
      %dma_wait3A_95 = arith.constant 0 : i32
      %dma_wait3A_96 = tpu.memref_slice %arg7[%scan3A_88, %dma_wait3A_95] : memref<157x128xi32, #tpu.memory_space<vmem>> -> memref<1x128xi32, #tpu.memory_space<vmem>>
      %dma_wait3A_97 = tpu.memref_squeeze %dma_wait3A_96 : memref<1x128xi32, #tpu.memory_space<vmem>> -> memref<128xi32, #tpu.memory_space<vmem>>
      %dma_wait3A_98 = arith.constant 0 : i32
      %dma_wait3A_99 = arith.constant 0 : i32
      %dma_wait3A_100 = tpu.memref_slice %arg2[%arg0, %dma_wait3A_98, %dma_wait3A_99] : memref<2x10112x64xf32, #tpu.memory_space<hbm>> -> memref<1x10112x64xf32, #tpu.memory_space<hbm>>
      %dma_wait3A_101 = tpu.memref_squeeze %dma_wait3A_100 : memref<1x10112x64xf32, #tpu.memory_space<hbm>> -> memref<10112x64xf32, #tpu.memory_space<hbm>>
      %dma_wait3A_102 = arith.constant 0 : i32
      %dma_wait3A_103 = arith.constant 0 : i32
      %dma_wait3A_104 = tpu.memref_slice %dma_wait3A_101[%dma_wait3A_102, %dma_wait3A_103] : memref<10112x64xf32, #tpu.memory_space<hbm>> -> memref<10112x64xf32, #tpu.memory_space<hbm>>
      tpu.wait_indirect_dma semaphore(%arg11 : memref<!tpu.dma_semaphore, #tpu.memory_space<semaphore_mem>>) src(%dma_wait3A_104 : memref<10112x64xf32, #tpu.memory_space<hbm>>) dst(%dma_wait3A_94 : memref<128x64xf32, #tpu.memory_space<vmem>>)
      %rem3A_105 = arith.constant 5 : i32
      %rem3A_106 = arith.remsi %scan3A_88, %rem3A_105 : i32
      %dma_start3A_107 = arith.constant 0 : i32
      %dma_start3A_108 = arith.constant 0 : i32
      %dma_start3A_109 = tpu.memref_slice %arg9[%rem3A_106, %dma_start3A_107, %dma_start3A_108] : memref<5x128x64xf32, #tpu.memory_space<vmem>> -> memref<1x128x64xf32, #tpu.memory_space<vmem>>
      %dma_start3A_110 = tpu.memref_squeeze %dma_start3A_109 : memref<1x128x64xf32, #tpu.memory_space<vmem>> -> memref<128x64xf32, #tpu.memory_space<vmem>>
      %dma_start3A_111 = arith.constant 0 : i32
      %dma_start3A_112 = tpu.memref_slice %arg8[%scan3A_88, %dma_start3A_111] : memref<157x128xi32, #tpu.memory_space<vmem>> -> memref<1x128xi32, #tpu.memory_space<vmem>>
      %dma_start3A_113 = tpu.memref_squeeze %dma_start3A_112 : memref<1x128xi32, #tpu.memory_space<vmem>> -> memref<128xi32, #tpu.memory_space<vmem>>
      %dma_start3A_114 = arith.constant 0 : i32
      %dma_start3A_115 = arith.constant 0 : i32
      %dma_start3A_116 = tpu.memref_slice %arg10[%dma_start3A_114, %dma_start3A_115] : memref<10112x64xf32, #tpu.memory_space<vmem_shared>> -> memref<10112x64xf32, #tpu.memory_space<vmem_shared>>
      tpu.enqueue_indirect_dma source(%dma_start3A_110 : memref<128x64xf32, #tpu.memory_space<vmem>>) target(%dma_start3A_116 : memref<10112x64xf32, #tpu.memory_space<vmem_shared>>) offsets(%dma_start3A_113 : memref<128xi32, #tpu.memory_space<vmem>>) semaphore(%arg12 : memref<!tpu.dma_semaphore, #tpu.memory_space<semaphore_mem>>) {add = true}
      %ge3A = arith.constant 2 : i32
      %ge3A_117 = arith.cmpi sge, %scan3A_88, %ge3A : i32
      %convert_element_type3A = arith.extui %ge3A_117 : i1 to i32
      %cond3A = arith.constant 0 : i32
      %cond3A_118 = arith.cmpi ne, %convert_element_type3A, %cond3A : i32
      scf.if %cond3A_118 {
        %dma_wait3A_124 = arith.constant 0 : i32
        %dma_wait3A_125 = arith.constant 0 : i32
        %dma_wait3A_126 = arith.constant 0 : i32
        %dma_wait3A_127 = arith.constant 0 : i32
        %dma_wait3A_128 = tpu.memref_slice %arg9[%dma_wait3A_124, %dma_wait3A_126, %dma_wait3A_127] : memref<5x128x64xf32, #tpu.memory_space<vmem>> -> memref<1x128x64xf32, #tpu.memory_space<vmem>>
        %dma_wait3A_129 = tpu.memref_squeeze %dma_wait3A_128 : memref<1x128x64xf32, #tpu.memory_space<vmem>> -> memref<128x64xf32, #tpu.memory_space<vmem>>
        %dma_wait3A_130 = arith.constant 0 : i32
        %dma_wait3A_131 = tpu.memref_slice %arg8[%dma_wait3A_125, %dma_wait3A_130] : memref<157x128xi32, #tpu.memory_space<vmem>> -> memref<1x128xi32, #tpu.memory_space<vmem>>
        %dma_wait3A_132 = tpu.memref_squeeze %dma_wait3A_131 : memref<1x128xi32, #tpu.memory_space<vmem>> -> memref<128xi32, #tpu.memory_space<vmem>>
        %dma_wait3A_133 = arith.constant 0 : i32
        %dma_wait3A_134 = arith.constant 0 : i32
        %dma_wait3A_135 = tpu.memref_slice %arg10[%dma_wait3A_133, %dma_wait3A_134] : memref<10112x64xf32, #tpu.memory_space<vmem_shared>> -> memref<10112x64xf32, #tpu.memory_space<vmem_shared>>
        tpu.wait_indirect_dma semaphore(%arg12 : memref<!tpu.dma_semaphore, #tpu.memory_space<semaphore_mem>>) src(%dma_wait3A_129 : memref<128x64xf32, #tpu.memory_space<vmem>>) dst(%dma_wait3A_135 : memref<10112x64xf32, #tpu.memory_space<vmem_shared>>)
      } else {
      }
      %add3A = arith.constant 3 : i32
      %add3A_119 = arith.addi %scan3A_88, %add3A : i32
      %lt3A = arith.constant 157 : i32
      %lt3A_120 = arith.cmpi slt, %add3A_119, %lt3A : i32
      %convert_element_type3A_121 = arith.extui %lt3A_120 : i1 to i32
      %cond3A_122 = arith.constant 0 : i32
      %cond3A_123 = arith.cmpi ne, %convert_element_type3A_121, %cond3A_122 : i32
      scf.if %cond3A_123 {
        %add3A_124 = arith.constant 3 : i32
        %add3A_125 = arith.addi %scan3A_88, %add3A_124 : i32
        %rem3A_126 = arith.constant 5 : i32
        %rem3A_127 = arith.remsi %add3A_125, %rem3A_126 : i32
        %dma_start3A_128 = arith.constant 0 : i32
        %dma_start3A_129 = arith.constant 0 : i32
        %dma_start3A_130 = tpu.memref_slice %arg9[%rem3A_127, %dma_start3A_128, %dma_start3A_129] : memref<5x128x64xf32, #tpu.memory_space<vmem>> -> memref<1x128x64xf32, #tpu.memory_space<vmem>>
        %dma_start3A_131 = tpu.memref_squeeze %dma_start3A_130 : memref<1x128x64xf32, #tpu.memory_space<vmem>> -> memref<128x64xf32, #tpu.memory_space<vmem>>
        %dma_start3A_132 = arith.constant 0 : i32
        %dma_start3A_133 = tpu.memref_slice %arg7[%add3A_125, %dma_start3A_132] : memref<157x128xi32, #tpu.memory_space<vmem>> -> memref<1x128xi32, #tpu.memory_space<vmem>>
        %dma_start3A_134 = tpu.memref_squeeze %dma_start3A_133 : memref<1x128xi32, #tpu.memory_space<vmem>> -> memref<128xi32, #tpu.memory_space<vmem>>
        %dma_start3A_135 = arith.constant 0 : i32
        %dma_start3A_136 = arith.constant 0 : i32
        %dma_start3A_137 = tpu.memref_slice %arg2[%arg0, %dma_start3A_135, %dma_start3A_136] : memref<2x10112x64xf32, #tpu.memory_space<hbm>> -> memref<1x10112x64xf32, #tpu.memory_space<hbm>>
        %dma_start3A_138 = tpu.memref_squeeze %dma_start3A_137 : memref<1x10112x64xf32, #tpu.memory_space<hbm>> -> memref<10112x64xf32, #tpu.memory_space<hbm>>
        %dma_start3A_139 = arith.constant 0 : i32
        %dma_start3A_140 = arith.constant 0 : i32
        %dma_start3A_141 = tpu.memref_slice %dma_start3A_138[%dma_start3A_139, %dma_start3A_140] : memref<10112x64xf32, #tpu.memory_space<hbm>> -> memref<10112x64xf32, #tpu.memory_space<hbm>>
        tpu.enqueue_indirect_dma source(%dma_start3A_141 : memref<10112x64xf32, #tpu.memory_space<hbm>>) target(%dma_start3A_131 : memref<128x64xf32, #tpu.memory_space<vmem>>) offsets(%dma_start3A_134 : memref<128xi32, #tpu.memory_space<vmem>>) semaphore(%arg11 : memref<!tpu.dma_semaphore, #tpu.memory_space<semaphore_mem>>)
      } else {
      }
    }
    %scan3A_59 = arith.constant 157 : i32
    %dma_wait3A = arith.constant 0 : i32
    %dma_wait3A_60 = arith.constant 0 : i32
    %dma_wait3A_61 = arith.constant 0 : i32
    %dma_wait3A_62 = arith.constant 0 : i32
    %dma_wait3A_63 = tpu.memref_slice %arg9[%dma_wait3A, %dma_wait3A_61, %dma_wait3A_62] : memref<5x128x64xf32, #tpu.memory_space<vmem>> -> memref<1x128x64xf32, #tpu.memory_space<vmem>>
    %dma_wait3A_64 = tpu.memref_squeeze %dma_wait3A_63 : memref<1x128x64xf32, #tpu.memory_space<vmem>> -> memref<128x64xf32, #tpu.memory_space<vmem>>
    %dma_wait3A_65 = arith.constant 0 : i32
    %dma_wait3A_66 = tpu.memref_slice %arg8[%dma_wait3A_60, %dma_wait3A_65] : memref<157x128xi32, #tpu.memory_space<vmem>> -> memref<1x128xi32, #tpu.memory_space<vmem>>
    %dma_wait3A_67 = tpu.memref_squeeze %dma_wait3A_66 : memref<1x128xi32, #tpu.memory_space<vmem>> -> memref<128xi32, #tpu.memory_space<vmem>>
    %dma_wait3A_68 = arith.constant 0 : i32
    %dma_wait3A_69 = arith.constant 0 : i32
    %dma_wait3A_70 = tpu.memref_slice %arg10[%dma_wait3A_68, %dma_wait3A_69] : memref<10112x64xf32, #tpu.memory_space<vmem_shared>> -> memref<10112x64xf32, #tpu.memory_space<vmem_shared>>
    tpu.wait_indirect_dma semaphore(%arg12 : memref<!tpu.dma_semaphore, #tpu.memory_space<semaphore_mem>>) src(%dma_wait3A_64 : memref<128x64xf32, #tpu.memory_space<vmem>>) dst(%dma_wait3A_70 : memref<10112x64xf32, #tpu.memory_space<vmem_shared>>)
    %dma_wait3A_71 = arith.constant 0 : i32
    %dma_wait3A_72 = arith.constant 0 : i32
    %dma_wait3A_73 = arith.constant 0 : i32
    %dma_wait3A_74 = arith.constant 0 : i32
    %dma_wait3A_75 = tpu.memref_slice %arg9[%dma_wait3A_71, %dma_wait3A_73, %dma_wait3A_74] : memref<5x128x64xf32, #tpu.memory_space<vmem>> -> memref<1x128x64xf32, #tpu.memory_space<vmem>>
    %dma_wait3A_76 = tpu.memref_squeeze %dma_wait3A_75 : memref<1x128x64xf32, #tpu.memory_space<vmem>> -> memref<128x64xf32, #tpu.memory_space<vmem>>
    %dma_wait3A_77 = arith.constant 0 : i32
    %dma_wait3A_78 = tpu.memref_slice %arg8[%dma_wait3A_72, %dma_wait3A_77] : memref<157x128xi32, #tpu.memory_space<vmem>> -> memref<1x128xi32, #tpu.memory_space<vmem>>
    %dma_wait3A_79 = tpu.memref_squeeze %dma_wait3A_78 : memref<1x128xi32, #tpu.memory_space<vmem>> -> memref<128xi32, #tpu.memory_space<vmem>>
    %dma_wait3A_80 = arith.constant 0 : i32
    %dma_wait3A_81 = arith.constant 0 : i32
    %dma_wait3A_82 = tpu.memref_slice %arg10[%dma_wait3A_80, %dma_wait3A_81] : memref<10112x64xf32, #tpu.memory_space<vmem_shared>> -> memref<10112x64xf32, #tpu.memory_space<vmem_shared>>
    tpu.wait_indirect_dma semaphore(%arg12 : memref<!tpu.dma_semaphore, #tpu.memory_space<semaphore_mem>>) src(%dma_wait3A_76 : memref<128x64xf32, #tpu.memory_space<vmem>>) dst(%dma_wait3A_82 : memref<10112x64xf32, #tpu.memory_space<vmem_shared>>)
    %barrier3A_83 = arith.constant 0 : index
    tpu.barrier barrier_id(%barrier3A_83)
    %mul3A_84 = arith.constant 632 : i32
    %mul3A_85 = arith.muli %arg1, %mul3A_84 : i32
    %mul3A_86 = arith.constant 632 : i32
    %mul3A_87 = arith.muli %arg1, %mul3A_86 : i32
    "tpu.region"() ({
      %run_scoped3A = tpu.sem_alloc : memref<!tpu.dma_semaphore, #tpu.memory_space<semaphore_mem>>
      %dma_start3A_88 = arith.constant 0 : i32
      %dma_start3A_89 = tpu.memref_slice %arg6[%arg0, %mul3A_87, %dma_start3A_88] : memref<2x10112x64xf32, #tpu.memory_space<hbm>> -> memref<1x632x64xf32, #tpu.memory_space<hbm>>
      %dma_start3A_90 = tpu.memref_squeeze %dma_start3A_89 : memref<1x632x64xf32, #tpu.memory_space<hbm>> -> memref<632x64xf32, #tpu.memory_space<hbm>>
      %dma_start3A_91 = arith.constant 0 : i32
      %dma_start3A_92 = tpu.memref_slice %arg10[%mul3A_85, %dma_start3A_91] : memref<10112x64xf32, #tpu.memory_space<vmem_shared>> -> memref<632x64xf32, #tpu.memory_space<vmem_shared>>
      tpu.enqueue_dma source(%dma_start3A_92 : memref<632x64xf32, #tpu.memory_space<vmem_shared>>) target(%dma_start3A_90 : memref<632x64xf32, #tpu.memory_space<hbm>>) target_semaphore(%run_scoped3A : memref<!tpu.dma_semaphore, #tpu.memory_space<semaphore_mem>>)
      %dma_wait3A_93 = arith.constant 0 : i32
      %dma_wait3A_94 = tpu.memref_slice %arg6[%arg0, %mul3A_87, %dma_wait3A_93] : memref<2x10112x64xf32, #tpu.memory_space<hbm>> -> memref<1x632x64xf32, #tpu.memory_space<hbm>>
      %dma_wait3A_95 = tpu.memref_squeeze %dma_wait3A_94 : memref<1x632x64xf32, #tpu.memory_space<hbm>> -> memref<632x64xf32, #tpu.memory_space<hbm>>
      %dma_wait3A_96 = arith.constant 0 : i32
      %dma_wait3A_97 = tpu.memref_slice %arg10[%mul3A_85, %dma_wait3A_96] : memref<10112x64xf32, #tpu.memory_space<vmem_shared>> -> memref<632x64xf32, #tpu.memory_space<vmem_shared>>
      tpu.wait_dma2 semaphore(%run_scoped3A : memref<!tpu.dma_semaphore, #tpu.memory_space<semaphore_mem>>) src(%dma_wait3A_97 : memref<632x64xf32, #tpu.memory_space<vmem_shared>>) dst(%dma_wait3A_95 : memref<632x64xf32, #tpu.memory_space<hbm>>)
      tpu.yield
    }) : () -> ()
    return
  }
}

#map = affine_map<(d0, d1) -> (0, 0, 0)>
#map1 = affine_map<(d0, d1) -> (0, 0)>
module attributes {stable_mosaic.version = 14 : i64} {
  func.func @body(%arg0: i32, %arg1: i32, %arg2: memref<2x10112x64xf32, #tpu.memory_space<hbm>>, %arg3: memref<16x157x128xi32, #tpu.memory_space<hbm>>, %arg4: memref<16x157x128xi32, #tpu.memory_space<hbm>>, %arg5: memref<10112x64xf32, #tpu.memory_space<hbm>>, %arg6: memref<2x10112x64xf32, #tpu.memory_space<hbm>>, %arg7: memref<157x128xi32, #tpu.memory_space<vmem>>, %arg8: memref<157x128xi32, #tpu.memory_space<vmem>>, %arg9: memref<5x128x64xf32, #tpu.memory_space<vmem>>, %arg10: memref<10112x64xf32, #tpu.memory_space<vmem_shared>>, %arg11: memref<!tpu.dma_semaphore, #tpu.memory_space<semaphore_mem>>, %arg12: memref<!tpu.dma_semaphore, #tpu.memory_space<semaphore_mem>>) attributes {dimension_semantics = [#tpu.dimension_semantics<core_parallel>, #tpu.dimension_semantics<subcore_parallel>], iteration_bounds = array<i64: 2, 16>, scalar_prefetch = 0 : i64, scratch_operands = 6 : i64, tpu.core_type = #tpu.core_type<sc_vector_subcore>, window_params = [{transform_indices = #map}, {transform_indices = #map}, {transform_indices = #map}, {transform_indices = #map1}, {transform_indices = #map}]} {
    "tpu.region"() ({
      %run_scoped3A = tpu.sem_alloc : memref<!tpu.dma_semaphore, #tpu.memory_space<semaphore_mem>>
      %dma_start3A_88 = arith.constant 0 : i32
      %dma_start3A_89 = arith.constant 0 : i32
      %dma_start3A_90 = tpu.memref_slice %arg3[%arg1, %dma_start3A_88, %dma_start3A_89] : memref<16x157x128xi32, #tpu.memory_space<hbm>> -> memref<1x157x128xi32, #tpu.memory_space<hbm>>
      %dma_start3A_91 = tpu.memref_squeeze %dma_start3A_90 : memref<1x157x128xi32, #tpu.memory_space<hbm>> -> memref<157x128xi32, #tpu.memory_space<hbm>>
      %dma_start3A_92 = arith.constant 0 : i32
      %dma_start3A_93 = arith.constant 0 : i32
      %dma_start3A_94 = tpu.memref_slice %arg3[%arg1, %dma_start3A_92, %dma_start3A_93] : memref<16x157x128xi32, #tpu.memory_space<hbm>> -> memref<1x157x128xi32, #tpu.memory_space<hbm>>
      %dma_start3A_95 = tpu.memref_squeeze %dma_start3A_94 : memref<1x157x128xi32, #tpu.memory_space<hbm>> -> memref<157x128xi32, #tpu.memory_space<hbm>>
      tpu.enqueue_dma source(%dma_start3A_95 : memref<157x128xi32, #tpu.memory_space<hbm>>) target(%arg7 : memref<157x128xi32, #tpu.memory_space<vmem>>) target_semaphore(%run_scoped3A : memref<!tpu.dma_semaphore, #tpu.memory_space<semaphore_mem>>)
      %dma_wait3A_96 = arith.constant 0 : i32
      %dma_wait3A_97 = arith.constant 0 : i32
      %dma_wait3A_98 = tpu.memref_slice %arg3[%arg1, %dma_wait3A_96, %dma_wait3A_97] : memref<16x157x128xi32, #tpu.memory_space<hbm>> -> memref<1x157x128xi32, #tpu.memory_space<hbm>>
      %dma_wait3A_99 = tpu.memref_squeeze %dma_wait3A_98 : memref<1x157x128xi32, #tpu.memory_space<hbm>> -> memref<157x128xi32, #tpu.memory_space<hbm>>
      %dma_wait3A_100 = arith.constant 0 : i32
      %dma_wait3A_101 = arith.constant 0 : i32
      %dma_wait3A_102 = tpu.memref_slice %arg3[%arg1, %dma_wait3A_100, %dma_wait3A_101] : memref<16x157x128xi32, #tpu.memory_space<hbm>> -> memref<1x157x128xi32, #tpu.memory_space<hbm>>
      %dma_wait3A_103 = tpu.memref_squeeze %dma_wait3A_102 : memref<1x157x128xi32, #tpu.memory_space<hbm>> -> memref<157x128xi32, #tpu.memory_space<hbm>>
      tpu.wait_dma2 semaphore(%run_scoped3A : memref<!tpu.dma_semaphore, #tpu.memory_space<semaphore_mem>>) src(%dma_wait3A_103 : memref<157x128xi32, #tpu.memory_space<hbm>>) dst(%arg7 : memref<157x128xi32, #tpu.memory_space<vmem>>)
      tpu.yield
    }) : () -> ()
    "tpu.region"() ({
      %run_scoped3A = tpu.sem_alloc : memref<!tpu.dma_semaphore, #tpu.memory_space<semaphore_mem>>
      %dma_start3A_88 = arith.constant 0 : i32
      %dma_start3A_89 = arith.constant 0 : i32
      %dma_start3A_90 = tpu.memref_slice %arg4[%arg1, %dma_start3A_88, %dma_start3A_89] : memref<16x157x128xi32, #tpu.memory_space<hbm>> -> memref<1x157x128xi32, #tpu.memory_space<hbm>>
      %dma_start3A_91 = tpu.memref_squeeze %dma_start3A_90 : memref<1x157x128xi32, #tpu.memory_space<hbm>> -> memref<157x128xi32, #tpu.memory_space<hbm>>
      %dma_start3A_92 = arith.constant 0 : i32
      %dma_start3A_93 = arith.constant 0 : i32
      %dma_start3A_94 = tpu.memref_slice %arg4[%arg1, %dma_start3A_92, %dma_start3A_93] : memref<16x157x128xi32, #tpu.memory_space<hbm>> -> memref<1x157x128xi32, #tpu.memory_space<hbm>>
      %dma_start3A_95 = tpu.memref_squeeze %dma_start3A_94 : memref<1x157x128xi32, #tpu.memory_space<hbm>> -> memref<157x128xi32, #tpu.memory_space<hbm>>
      tpu.enqueue_dma source(%dma_start3A_95 : memref<157x128xi32, #tpu.memory_space<hbm>>) target(%arg8 : memref<157x128xi32, #tpu.memory_space<vmem>>) target_semaphore(%run_scoped3A : memref<!tpu.dma_semaphore, #tpu.memory_space<semaphore_mem>>)
      %dma_wait3A_96 = arith.constant 0 : i32
      %dma_wait3A_97 = arith.constant 0 : i32
      %dma_wait3A_98 = tpu.memref_slice %arg4[%arg1, %dma_wait3A_96, %dma_wait3A_97] : memref<16x157x128xi32, #tpu.memory_space<hbm>> -> memref<1x157x128xi32, #tpu.memory_space<hbm>>
      %dma_wait3A_99 = tpu.memref_squeeze %dma_wait3A_98 : memref<1x157x128xi32, #tpu.memory_space<hbm>> -> memref<157x128xi32, #tpu.memory_space<hbm>>
      %dma_wait3A_100 = arith.constant 0 : i32
      %dma_wait3A_101 = arith.constant 0 : i32
      %dma_wait3A_102 = tpu.memref_slice %arg4[%arg1, %dma_wait3A_100, %dma_wait3A_101] : memref<16x157x128xi32, #tpu.memory_space<hbm>> -> memref<1x157x128xi32, #tpu.memory_space<hbm>>
      %dma_wait3A_103 = tpu.memref_squeeze %dma_wait3A_102 : memref<1x157x128xi32, #tpu.memory_space<hbm>> -> memref<157x128xi32, #tpu.memory_space<hbm>>
      tpu.wait_dma2 semaphore(%run_scoped3A : memref<!tpu.dma_semaphore, #tpu.memory_space<semaphore_mem>>) src(%dma_wait3A_103 : memref<157x128xi32, #tpu.memory_space<hbm>>) dst(%arg8 : memref<157x128xi32, #tpu.memory_space<vmem>>)
      tpu.yield
    }) : () -> ()
    %mul3A = arith.constant 632 : i32
    %mul3A_0 = arith.muli %arg1, %mul3A : i32
    %mul3A_1 = arith.constant 632 : i32
    %mul3A_2 = arith.muli %arg1, %mul3A_1 : i32
    "tpu.region"() ({
      %run_scoped3A = tpu.sem_alloc : memref<!tpu.dma_semaphore, #tpu.memory_space<semaphore_mem>>
      %dma_start3A_88 = arith.constant 0 : i32
      %dma_start3A_89 = tpu.memref_slice %arg10[%mul3A_2, %dma_start3A_88] : memref<10112x64xf32, #tpu.memory_space<vmem_shared>> -> memref<632x64xf32, #tpu.memory_space<vmem_shared>>
      %dma_start3A_90 = arith.constant 0 : i32
      %dma_start3A_91 = tpu.memref_slice %arg5[%mul3A_0, %dma_start3A_90] : memref<10112x64xf32, #tpu.memory_space<hbm>> -> memref<632x64xf32, #tpu.memory_space<hbm>>
      tpu.enqueue_dma source(%dma_start3A_91 : memref<632x64xf32, #tpu.memory_space<hbm>>) target(%dma_start3A_89 : memref<632x64xf32, #tpu.memory_space<vmem_shared>>) target_semaphore(%run_scoped3A : memref<!tpu.dma_semaphore, #tpu.memory_space<semaphore_mem>>)
      %dma_wait3A_92 = arith.constant 0 : i32
      %dma_wait3A_93 = tpu.memref_slice %arg10[%mul3A_2, %dma_wait3A_92] : memref<10112x64xf32, #tpu.memory_space<vmem_shared>> -> memref<632x64xf32, #tpu.memory_space<vmem_shared>>
      %dma_wait3A_94 = arith.constant 0 : i32
      %dma_wait3A_95 = tpu.memref_slice %arg5[%mul3A_0, %dma_wait3A_94] : memref<10112x64xf32, #tpu.memory_space<hbm>> -> memref<632x64xf32, #tpu.memory_space<hbm>>
      tpu.wait_dma2 semaphore(%run_scoped3A : memref<!tpu.dma_semaphore, #tpu.memory_space<semaphore_mem>>) src(%dma_wait3A_95 : memref<632x64xf32, #tpu.memory_space<hbm>>) dst(%dma_wait3A_93 : memref<632x64xf32, #tpu.memory_space<vmem_shared>>)
      tpu.yield
    }) : () -> ()
    %barrier3A = arith.constant 0 : index
    tpu.barrier barrier_id(%barrier3A)
    %rem3A = arith.constant 0 : i32
    %rem3A_3 = arith.constant 5 : i32
    %rem3A_4 = arith.remsi %rem3A, %rem3A_3 : i32
    %dma_start3A = arith.constant 0 : i32
    %dma_start3A_5 = arith.constant 0 : i32
    %dma_start3A_6 = arith.constant 0 : i32
    %dma_start3A_7 = tpu.memref_slice %arg9[%rem3A_4, %dma_start3A_5, %dma_start3A_6] : memref<5x128x64xf32, #tpu.memory_space<vmem>> -> memref<1x128x64xf32, #tpu.memory_space<vmem>>
    %dma_start3A_8 = tpu.memref_squeeze %dma_start3A_7 : memref<1x128x64xf32, #tpu.memory_space<vmem>> -> memref<128x64xf32, #tpu.memory_space<vmem>>
    %dma_start3A_9 = arith.constant 0 : i32
    %dma_start3A_10 = tpu.memref_slice %arg7[%dma_start3A, %dma_start3A_9] : memref<157x128xi32, #tpu.memory_space<vmem>> -> memref<1x128xi32, #tpu.memory_space<vmem>>
    %dma_start3A_11 = tpu.memref_squeeze %dma_start3A_10 : memref<1x128xi32, #tpu.memory_space<vmem>> -> memref<128xi32, #tpu.memory_space<vmem>>
    %dma_start3A_12 = arith.constant 0 : i32
    %dma_start3A_13 = arith.constant 0 : i32
    %dma_start3A_14 = tpu.memref_slice %arg2[%arg0, %dma_start3A_12, %dma_start3A_13] : memref<2x10112x64xf32, #tpu.memory_space<hbm>> -> memref<1x10112x64xf32, #tpu.memory_space<hbm>>
    %dma_start3A_15 = tpu.memref_squeeze %dma_start3A_14 : memref<1x10112x64xf32, #tpu.memory_space<hbm>> -> memref<10112x64xf32, #tpu.memory_space<hbm>>
    %dma_start3A_16 = arith.constant 0 : i32
    %dma_start3A_17 = arith.constant 0 : i32
    %dma_start3A_18 = tpu.memref_slice %dma_start3A_15[%dma_start3A_16, %dma_start3A_17] : memref<10112x64xf32, #tpu.memory_space<hbm>> -> memref<10112x64xf32, #tpu.memory_space<hbm>>
    tpu.enqueue_indirect_dma source(%dma_start3A_18 : memref<10112x64xf32, #tpu.memory_space<hbm>>) target(%dma_start3A_8 : memref<128x64xf32, #tpu.memory_space<vmem>>) offsets(%dma_start3A_11 : memref<128xi32, #tpu.memory_space<vmem>>) semaphore(%arg11 : memref<!tpu.dma_semaphore, #tpu.memory_space<semaphore_mem>>)
    %rem3A_19 = arith.constant 1 : i32
    %rem3A_20 = arith.constant 5 : i32
    %rem3A_21 = arith.remsi %rem3A_19, %rem3A_20 : i32
    %dma_start3A_22 = arith.constant 1 : i32
    %dma_start3A_23 = arith.constant 0 : i32
    %dma_start3A_24 = arith.constant 0 : i32
    %dma_start3A_25 = tpu.memref_slice %arg9[%rem3A_21, %dma_start3A_23, %dma_start3A_24] : memref<5x128x64xf32, #tpu.memory_space<vmem>> -> memref<1x128x64xf32, #tpu.memory_space<vmem>>
    %dma_start3A_26 = tpu.memref_squeeze %dma_start3A_25 : memref<1x128x64xf32, #tpu.memory_space<vmem>> -> memref<128x64xf32, #tpu.memory_space<vmem>>
    %dma_start3A_27 = arith.constant 0 : i32
    %dma_start3A_28 = tpu.memref_slice %arg7[%dma_start3A_22, %dma_start3A_27] : memref<157x128xi32, #tpu.memory_space<vmem>> -> memref<1x128xi32, #tpu.memory_space<vmem>>
    %dma_start3A_29 = tpu.memref_squeeze %dma_start3A_28 : memref<1x128xi32, #tpu.memory_space<vmem>> -> memref<128xi32, #tpu.memory_space<vmem>>
    %dma_start3A_30 = arith.constant 0 : i32
    %dma_start3A_31 = arith.constant 0 : i32
    %dma_start3A_32 = tpu.memref_slice %arg2[%arg0, %dma_start3A_30, %dma_start3A_31] : memref<2x10112x64xf32, #tpu.memory_space<hbm>> -> memref<1x10112x64xf32, #tpu.memory_space<hbm>>
    %dma_start3A_33 = tpu.memref_squeeze %dma_start3A_32 : memref<1x10112x64xf32, #tpu.memory_space<hbm>> -> memref<10112x64xf32, #tpu.memory_space<hbm>>
    %dma_start3A_34 = arith.constant 0 : i32
    %dma_start3A_35 = arith.constant 0 : i32
    %dma_start3A_36 = tpu.memref_slice %dma_start3A_33[%dma_start3A_34, %dma_start3A_35] : memref<10112x64xf32, #tpu.memory_space<hbm>> -> memref<10112x64xf32, #tpu.memory_space<hbm>>
    tpu.enqueue_indirect_dma source(%dma_start3A_36 : memref<10112x64xf32, #tpu.memory_space<hbm>>) target(%dma_start3A_26 : memref<128x64xf32, #tpu.memory_space<vmem>>) offsets(%dma_start3A_29 : memref<128xi32, #tpu.memory_space<vmem>>) semaphore(%arg11 : memref<!tpu.dma_semaphore, #tpu.memory_space<semaphore_mem>>)
    %rem3A_37 = arith.constant 2 : i32
    %rem3A_38 = arith.constant 5 : i32
    %rem3A_39 = arith.remsi %rem3A_37, %rem3A_38 : i32
    %dma_start3A_40 = arith.constant 2 : i32
    %dma_start3A_41 = arith.constant 0 : i32
    %dma_start3A_42 = arith.constant 0 : i32
    %dma_start3A_43 = tpu.memref_slice %arg9[%rem3A_39, %dma_start3A_41, %dma_start3A_42] : memref<5x128x64xf32, #tpu.memory_space<vmem>> -> memref<1x128x64xf32, #tpu.memory_space<vmem>>
    %dma_start3A_44 = tpu.memref_squeeze %dma_start3A_43 : memref<1x128x64xf32, #tpu.memory_space<vmem>> -> memref<128x64xf32, #tpu.memory_space<vmem>>
    %dma_start3A_45 = arith.constant 0 : i32
    %dma_start3A_46 = tpu.memref_slice %arg7[%dma_start3A_40, %dma_start3A_45] : memref<157x128xi32, #tpu.memory_space<vmem>> -> memref<1x128xi32, #tpu.memory_space<vmem>>
    %dma_start3A_47 = tpu.memref_squeeze %dma_start3A_46 : memref<1x128xi32, #tpu.memory_space<vmem>> -> memref<128xi32, #tpu.memory_space<vmem>>
    %dma_start3A_48 = arith.constant 0 : i32
    %dma_start3A_49 = arith.constant 0 : i32
    %dma_start3A_50 = tpu.memref_slice %arg2[%arg0, %dma_start3A_48, %dma_start3A_49] : memref<2x10112x64xf32, #tpu.memory_space<hbm>> -> memref<1x10112x64xf32, #tpu.memory_space<hbm>>
    %dma_start3A_51 = tpu.memref_squeeze %dma_start3A_50 : memref<1x10112x64xf32, #tpu.memory_space<hbm>> -> memref<10112x64xf32, #tpu.memory_space<hbm>>
    %dma_start3A_52 = arith.constant 0 : i32
    %dma_start3A_53 = arith.constant 0 : i32
    %dma_start3A_54 = tpu.memref_slice %dma_start3A_51[%dma_start3A_52, %dma_start3A_53] : memref<10112x64xf32, #tpu.memory_space<hbm>> -> memref<10112x64xf32, #tpu.memory_space<hbm>>
    tpu.enqueue_indirect_dma source(%dma_start3A_54 : memref<10112x64xf32, #tpu.memory_space<hbm>>) target(%dma_start3A_44 : memref<128x64xf32, #tpu.memory_space<vmem>>) offsets(%dma_start3A_47 : memref<128xi32, #tpu.memory_space<vmem>>) semaphore(%arg11 : memref<!tpu.dma_semaphore, #tpu.memory_space<semaphore_mem>>)
    %scan3A = arith.constant 0 : i32
    %scan3A_55 = arith.constant 0 : i32
    %scan3A_56 = arith.constant 157 : i32
    %scan3A_57 = arith.addi %scan3A_55, %scan3A_56 : i32
    %scan3A_58 = arith.constant 1 : i32
    scf.for %scan3A_88 = %scan3A_55 to %scan3A_57 step %scan3A_58  : i32 {
      %rem3A_89 = arith.constant 5 : i32
      %rem3A_90 = arith.remsi %scan3A_88, %rem3A_89 : i32
      %dma_wait3A_91 = arith.constant 0 : i32
      %dma_wait3A_92 = arith.constant 0 : i32
      %dma_wait3A_93 = tpu.memref_slice %arg9[%rem3A_90, %dma_wait3A_91, %dma_wait3A_92] : memref<5x128x64xf32, #tpu.memory_space<vmem>> -> memref<1x128x64xf32, #tpu.memory_space<vmem>>
      %dma_wait3A_94 = tpu.memref_squeeze %dma_wait3A_93 : memref<1x128x64xf32, #tpu.memory_space<vmem>> -> memref<128x64xf32, #tpu.memory_space<vmem>>
      %dma_wait3A_95 = arith.constant 0 : i32
      %dma_wait3A_96 = tpu.memref_slice %arg7[%scan3A_88, %dma_wait3A_95] : memref<157x128xi32, #tpu.memory_space<vmem>> -> memref<1x128xi32, #tpu.memory_space<vmem>>
      %dma_wait3A_97 = tpu.memref_squeeze %dma_wait3A_96 : memref<1x128xi32, #tpu.memory_space<vmem>> -> memref<128xi32, #tpu.memory_space<vmem>>
      %dma_wait3A_98 = arith.constant 0 : i32
      %dma_wait3A_99 = arith.constant 0 : i32
      %dma_wait3A_100 = tpu.memref_slice %arg2[%arg0, %dma_wait3A_98, %dma_wait3A_99] : memref<2x10112x64xf32, #tpu.memory_space<hbm>> -> memref<1x10112x64xf32, #tpu.memory_space<hbm>>
      %dma_wait3A_101 = tpu.memref_squeeze %dma_wait3A_100 : memref<1x10112x64xf32, #tpu.memory_space<hbm>> -> memref<10112x64xf32, #tpu.memory_space<hbm>>
      %dma_wait3A_102 = arith.constant 0 : i32
      %dma_wait3A_103 = arith.constant 0 : i32
      %dma_wait3A_104 = tpu.memref_slice %dma_wait3A_101[%dma_wait3A_102, %dma_wait3A_103] : memref<10112x64xf32, #tpu.memory_space<hbm>> -> memref<10112x64xf32, #tpu.memory_space<hbm>>
      tpu.wait_indirect_dma semaphore(%arg11 : memref<!tpu.dma_semaphore, #tpu.memory_space<semaphore_mem>>) src(%dma_wait3A_104 : memref<10112x64xf32, #tpu.memory_space<hbm>>) dst(%dma_wait3A_94 : memref<128x64xf32, #tpu.memory_space<vmem>>)
      %rem3A_105 = arith.constant 5 : i32
      %rem3A_106 = arith.remsi %scan3A_88, %rem3A_105 : i32
      %dma_start3A_107 = arith.constant 0 : i32
      %dma_start3A_108 = arith.constant 0 : i32
      %dma_start3A_109 = tpu.memref_slice %arg9[%rem3A_106, %dma_start3A_107, %dma_start3A_108] : memref<5x128x64xf32, #tpu.memory_space<vmem>> -> memref<1x128x64xf32, #tpu.memory_space<vmem>>
      %dma_start3A_110 = tpu.memref_squeeze %dma_start3A_109 : memref<1x128x64xf32, #tpu.memory_space<vmem>> -> memref<128x64xf32, #tpu.memory_space<vmem>>
      %dma_start3A_111 = arith.constant 0 : i32
      %dma_start3A_112 = tpu.memref_slice %arg8[%scan3A_88, %dma_start3A_111] : memref<157x128xi32, #tpu.memory_space<vmem>> -> memref<1x128xi32, #tpu.memory_space<vmem>>
      %dma_start3A_113 = tpu.memref_squeeze %dma_start3A_112 : memref<1x128xi32, #tpu.memory_space<vmem>> -> memref<128xi32, #tpu.memory_space<vmem>>
      %dma_start3A_114 = arith.constant 0 : i32
      %dma_start3A_115 = arith.constant 0 : i32
      %dma_start3A_116 = tpu.memref_slice %arg10[%dma_start3A_114, %dma_start3A_115] : memref<10112x64xf32, #tpu.memory_space<vmem_shared>> -> memref<10112x64xf32, #tpu.memory_space<vmem_shared>>
      tpu.enqueue_indirect_dma source(%dma_start3A_110 : memref<128x64xf32, #tpu.memory_space<vmem>>) target(%dma_start3A_116 : memref<10112x64xf32, #tpu.memory_space<vmem_shared>>) offsets(%dma_start3A_113 : memref<128xi32, #tpu.memory_space<vmem>>) semaphore(%arg12 : memref<!tpu.dma_semaphore, #tpu.memory_space<semaphore_mem>>) {add = true}
      %ge3A = arith.constant 2 : i32
      %ge3A_117 = arith.cmpi sge, %scan3A_88, %ge3A : i32
      %convert_element_type3A = arith.extui %ge3A_117 : i1 to i32
      %cond3A = arith.constant 0 : i32
      %cond3A_118 = arith.cmpi ne, %convert_element_type3A, %cond3A : i32
      scf.if %cond3A_118 {
        %dma_wait3A_124 = arith.constant 0 : i32
        %dma_wait3A_125 = arith.constant 0 : i32
        %dma_wait3A_126 = arith.constant 0 : i32
        %dma_wait3A_127 = arith.constant 0 : i32
        %dma_wait3A_128 = tpu.memref_slice %arg9[%dma_wait3A_124, %dma_wait3A_126, %dma_wait3A_127] : memref<5x128x64xf32, #tpu.memory_space<vmem>> -> memref<1x128x64xf32, #tpu.memory_space<vmem>>
        %dma_wait3A_129 = tpu.memref_squeeze %dma_wait3A_128 : memref<1x128x64xf32, #tpu.memory_space<vmem>> -> memref<128x64xf32, #tpu.memory_space<vmem>>
        %dma_wait3A_130 = arith.constant 0 : i32
        %dma_wait3A_131 = tpu.memref_slice %arg8[%dma_wait3A_125, %dma_wait3A_130] : memref<157x128xi32, #tpu.memory_space<vmem>> -> memref<1x128xi32, #tpu.memory_space<vmem>>
        %dma_wait3A_132 = tpu.memref_squeeze %dma_wait3A_131 : memref<1x128xi32, #tpu.memory_space<vmem>> -> memref<128xi32, #tpu.memory_space<vmem>>
        %dma_wait3A_133 = arith.constant 0 : i32
        %dma_wait3A_134 = arith.constant 0 : i32
        %dma_wait3A_135 = tpu.memref_slice %arg10[%dma_wait3A_133, %dma_wait3A_134] : memref<10112x64xf32, #tpu.memory_space<vmem_shared>> -> memref<10112x64xf32, #tpu.memory_space<vmem_shared>>
        tpu.wait_indirect_dma semaphore(%arg12 : memref<!tpu.dma_semaphore, #tpu.memory_space<semaphore_mem>>) src(%dma_wait3A_129 : memref<128x64xf32, #tpu.memory_space<vmem>>) dst(%dma_wait3A_135 : memref<10112x64xf32, #tpu.memory_space<vmem_shared>>)
      } else {
      }
      %add3A = arith.constant 3 : i32
      %add3A_119 = arith.addi %scan3A_88, %add3A : i32
      %lt3A = arith.constant 157 : i32
      %lt3A_120 = arith.cmpi slt, %add3A_119, %lt3A : i32
      %convert_element_type3A_121 = arith.extui %lt3A_120 : i1 to i32
      %cond3A_122 = arith.constant 0 : i32
      %cond3A_123 = arith.cmpi ne, %convert_element_type3A_121, %cond3A_122 : i32
      scf.if %cond3A_123 {
        %add3A_124 = arith.constant 3 : i32
        %add3A_125 = arith.addi %scan3A_88, %add3A_124 : i32
        %rem3A_126 = arith.constant 5 : i32
        %rem3A_127 = arith.remsi %add3A_125, %rem3A_126 : i32
        %dma_start3A_128 = arith.constant 0 : i32
        %dma_start3A_129 = arith.constant 0 : i32
        %dma_start3A_130 = tpu.memref_slice %arg9[%rem3A_127, %dma_start3A_128, %dma_start3A_129] : memref<5x128x64xf32, #tpu.memory_space<vmem>> -> memref<1x128x64xf32, #tpu.memory_space<vmem>>
        %dma_start3A_131 = tpu.memref_squeeze %dma_start3A_130 : memref<1x128x64xf32, #tpu.memory_space<vmem>> -> memref<128x64xf32, #tpu.memory_space<vmem>>
        %dma_start3A_132 = arith.constant 0 : i32
        %dma_start3A_133 = tpu.memref_slice %arg7[%add3A_125, %dma_start3A_132] : memref<157x128xi32, #tpu.memory_space<vmem>> -> memref<1x128xi32, #tpu.memory_space<vmem>>
        %dma_start3A_134 = tpu.memref_squeeze %dma_start3A_133 : memref<1x128xi32, #tpu.memory_space<vmem>> -> memref<128xi32, #tpu.memory_space<vmem>>
        %dma_start3A_135 = arith.constant 0 : i32
        %dma_start3A_136 = arith.constant 0 : i32
        %dma_start3A_137 = tpu.memref_slice %arg2[%arg0, %dma_start3A_135, %dma_start3A_136] : memref<2x10112x64xf32, #tpu.memory_space<hbm>> -> memref<1x10112x64xf32, #tpu.memory_space<hbm>>
        %dma_start3A_138 = tpu.memref_squeeze %dma_start3A_137 : memref<1x10112x64xf32, #tpu.memory_space<hbm>> -> memref<10112x64xf32, #tpu.memory_space<hbm>>
        %dma_start3A_139 = arith.constant 0 : i32
        %dma_start3A_140 = arith.constant 0 : i32
        %dma_start3A_141 = tpu.memref_slice %dma_start3A_138[%dma_start3A_139, %dma_start3A_140] : memref<10112x64xf32, #tpu.memory_space<hbm>> -> memref<10112x64xf32, #tpu.memory_space<hbm>>
        tpu.enqueue_indirect_dma source(%dma_start3A_141 : memref<10112x64xf32, #tpu.memory_space<hbm>>) target(%dma_start3A_131 : memref<128x64xf32, #tpu.memory_space<vmem>>) offsets(%dma_start3A_134 : memref<128xi32, #tpu.memory_space<vmem>>) semaphore(%arg11 : memref<!tpu.dma_semaphore, #tpu.memory_space<semaphore_mem>>)
      } else {
      }
    }
    %scan3A_59 = arith.constant 157 : i32
    %dma_wait3A = arith.constant 0 : i32
    %dma_wait3A_60 = arith.constant 0 : i32
    %dma_wait3A_61 = arith.constant 0 : i32
    %dma_wait3A_62 = arith.constant 0 : i32
    %dma_wait3A_63 = tpu.memref_slice %arg9[%dma_wait3A, %dma_wait3A_61, %dma_wait3A_62] : memref<5x128x64xf32, #tpu.memory_space<vmem>> -> memref<1x128x64xf32, #tpu.memory_space<vmem>>
    %dma_wait3A_64 = tpu.memref_squeeze %dma_wait3A_63 : memref<1x128x64xf32, #tpu.memory_space<vmem>> -> memref<128x64xf32, #tpu.memory_space<vmem>>
    %dma_wait3A_65 = arith.constant 0 : i32
    %dma_wait3A_66 = tpu.memref_slice %arg8[%dma_wait3A_60, %dma_wait3A_65] : memref<157x128xi32, #tpu.memory_space<vmem>> -> memref<1x128xi32, #tpu.memory_space<vmem>>
    %dma_wait3A_67 = tpu.memref_squeeze %dma_wait3A_66 : memref<1x128xi32, #tpu.memory_space<vmem>> -> memref<128xi32, #tpu.memory_space<vmem>>
    %dma_wait3A_68 = arith.constant 0 : i32
    %dma_wait3A_69 = arith.constant 0 : i32
    %dma_wait3A_70 = tpu.memref_slice %arg10[%dma_wait3A_68, %dma_wait3A_69] : memref<10112x64xf32, #tpu.memory_space<vmem_shared>> -> memref<10112x64xf32, #tpu.memory_space<vmem_shared>>
    tpu.wait_indirect_dma semaphore(%arg12 : memref<!tpu.dma_semaphore, #tpu.memory_space<semaphore_mem>>) src(%dma_wait3A_64 : memref<128x64xf32, #tpu.memory_space<vmem>>) dst(%dma_wait3A_70 : memref<10112x64xf32, #tpu.memory_space<vmem_shared>>)
    %dma_wait3A_71 = arith.constant 0 : i32
    %dma_wait3A_72 = arith.constant 0 : i32
    %dma_wait3A_73 = arith.constant 0 : i32
    %dma_wait3A_74 = arith.constant 0 : i32
    %dma_wait3A_75 = tpu.memref_slice %arg9[%dma_wait3A_71, %dma_wait3A_73, %dma_wait3A_74] : memref<5x128x64xf32, #tpu.memory_space<vmem>> -> memref<1x128x64xf32, #tpu.memory_space<vmem>>
    %dma_wait3A_76 = tpu.memref_squeeze %dma_wait3A_75 : memref<1x128x64xf32, #tpu.memory_space<vmem>> -> memref<128x64xf32, #tpu.memory_space<vmem>>
    %dma_wait3A_77 = arith.constant 0 : i32
    %dma_wait3A_78 = tpu.memref_slice %arg8[%dma_wait3A_72, %dma_wait3A_77] : memref<157x128xi32, #tpu.memory_space<vmem>> -> memref<1x128xi32, #tpu.memory_space<vmem>>
    %dma_wait3A_79 = tpu.memref_squeeze %dma_wait3A_78 : memref<1x128xi32, #tpu.memory_space<vmem>> -> memref<128xi32, #tpu.memory_space<vmem>>
    %dma_wait3A_80 = arith.constant 0 : i32
    %dma_wait3A_81 = arith.constant 0 : i32
    %dma_wait3A_82 = tpu.memref_slice %arg10[%dma_wait3A_80, %dma_wait3A_81] : memref<10112x64xf32, #tpu.memory_space<vmem_shared>> -> memref<10112x64xf32, #tpu.memory_space<vmem_shared>>
    tpu.wait_indirect_dma semaphore(%arg12 : memref<!tpu.dma_semaphore, #tpu.memory_space<semaphore_mem>>) src(%dma_wait3A_76 : memref<128x64xf32, #tpu.memory_space<vmem>>) dst(%dma_wait3A_82 : memref<10112x64xf32, #tpu.memory_space<vmem_shared>>)
    %barrier3A_83 = arith.constant 0 : index
    tpu.barrier barrier_id(%barrier3A_83)
    %mul3A_84 = arith.constant 632 : i32
    %mul3A_85 = arith.muli %arg1, %mul3A_84 : i32
    %mul3A_86 = arith.constant 632 : i32
    %mul3A_87 = arith.muli %arg1, %mul3A_86 : i32
    "tpu.region"() ({
      %run_scoped3A = tpu.sem_alloc : memref<!tpu.dma_semaphore, #tpu.memory_space<semaphore_mem>>
      %dma_start3A_88 = arith.constant 0 : i32
      %dma_start3A_89 = tpu.memref_slice %arg6[%arg0, %mul3A_87, %dma_start3A_88] : memref<2x10112x64xf32, #tpu.memory_space<hbm>> -> memref<1x632x64xf32, #tpu.memory_space<hbm>>
      %dma_start3A_90 = tpu.memref_squeeze %dma_start3A_89 : memref<1x632x64xf32, #tpu.memory_space<hbm>> -> memref<632x64xf32, #tpu.memory_space<hbm>>
      %dma_start3A_91 = arith.constant 0 : i32
      %dma_start3A_92 = tpu.memref_slice %arg10[%mul3A_85, %dma_start3A_91] : memref<10112x64xf32, #tpu.memory_space<vmem_shared>> -> memref<632x64xf32, #tpu.memory_space<vmem_shared>>
      tpu.enqueue_dma source(%dma_start3A_92 : memref<632x64xf32, #tpu.memory_space<vmem_shared>>) target(%dma_start3A_90 : memref<632x64xf32, #tpu.memory_space<hbm>>) target_semaphore(%run_scoped3A : memref<!tpu.dma_semaphore, #tpu.memory_space<semaphore_mem>>)
      %dma_wait3A_93 = arith.constant 0 : i32
      %dma_wait3A_94 = tpu.memref_slice %arg6[%arg0, %mul3A_87, %dma_wait3A_93] : memref<2x10112x64xf32, #tpu.memory_space<hbm>> -> memref<1x632x64xf32, #tpu.memory_space<hbm>>
      %dma_wait3A_95 = tpu.memref_squeeze %dma_wait3A_94 : memref<1x632x64xf32, #tpu.memory_space<hbm>> -> memref<632x64xf32, #tpu.memory_space<hbm>>
      %dma_wait3A_96 = arith.constant 0 : i32
      %dma_wait3A_97 = tpu.memref_slice %arg10[%mul3A_85, %dma_wait3A_96] : memref<10112x64xf32, #tpu.memory_space<vmem_shared>> -> memref<632x64xf32, #tpu.memory_space<vmem_shared>>
      tpu.wait_dma2 semaphore(%run_scoped3A : memref<!tpu.dma_semaphore, #tpu.memory_space<semaphore_mem>>) src(%dma_wait3A_97 : memref<632x64xf32, #tpu.memory_space<vmem_shared>>) dst(%dma_wait3A_95 : memref<632x64xf32, #tpu.memory_space<hbm>>)
      tpu.yield
    }) : () -> ()
    return
  }
}

#map = affine_map<(d0, d1) -> (0, 0, 0)>
#map1 = affine_map<(d0, d1) -> (0, 0)>
module attributes {stable_mosaic.version = 14 : i64} {
  func.func @body(%arg0: i32, %arg1: i32, %arg2: memref<2x10112x64xf32, #tpu.memory_space<hbm>>, %arg3: memref<16x157x128xi32, #tpu.memory_space<hbm>>, %arg4: memref<16x157x128xi32, #tpu.memory_space<hbm>>, %arg5: memref<10112x64xf32, #tpu.memory_space<hbm>>, %arg6: memref<2x10112x64xf32, #tpu.memory_space<hbm>>, %arg7: memref<157x128xi32, #tpu.memory_space<vmem>>, %arg8: memref<157x128xi32, #tpu.memory_space<vmem>>, %arg9: memref<5x128x64xf32, #tpu.memory_space<vmem>>, %arg10: memref<10112x64xf32, #tpu.memory_space<vmem_shared>>, %arg11: memref<!tpu.dma_semaphore, #tpu.memory_space<semaphore_mem>>, %arg12: memref<!tpu.dma_semaphore, #tpu.memory_space<semaphore_mem>>) attributes {dimension_semantics = [#tpu.dimension_semantics<core_parallel>, #tpu.dimension_semantics<subcore_parallel>], iteration_bounds = array<i64: 2, 16>, scalar_prefetch = 0 : i64, scratch_operands = 6 : i64, tpu.core_type = #tpu.core_type<sc_vector_subcore>, window_params = [{transform_indices = #map}, {transform_indices = #map}, {transform_indices = #map}, {transform_indices = #map1}, {transform_indices = #map}]} {
    "tpu.region"() ({
      %run_scoped3A = tpu.sem_alloc : memref<!tpu.dma_semaphore, #tpu.memory_space<semaphore_mem>>
      %dma_start3A_88 = arith.constant 0 : i32
      %dma_start3A_89 = arith.constant 0 : i32
      %dma_start3A_90 = tpu.memref_slice %arg3[%arg1, %dma_start3A_88, %dma_start3A_89] : memref<16x157x128xi32, #tpu.memory_space<hbm>> -> memref<1x157x128xi32, #tpu.memory_space<hbm>>
      %dma_start3A_91 = tpu.memref_squeeze %dma_start3A_90 : memref<1x157x128xi32, #tpu.memory_space<hbm>> -> memref<157x128xi32, #tpu.memory_space<hbm>>
      %dma_start3A_92 = arith.constant 0 : i32
      %dma_start3A_93 = arith.constant 0 : i32
      %dma_start3A_94 = tpu.memref_slice %arg3[%arg1, %dma_start3A_92, %dma_start3A_93] : memref<16x157x128xi32, #tpu.memory_space<hbm>> -> memref<1x157x128xi32, #tpu.memory_space<hbm>>
      %dma_start3A_95 = tpu.memref_squeeze %dma_start3A_94 : memref<1x157x128xi32, #tpu.memory_space<hbm>> -> memref<157x128xi32, #tpu.memory_space<hbm>>
      tpu.enqueue_dma source(%dma_start3A_95 : memref<157x128xi32, #tpu.memory_space<hbm>>) target(%arg7 : memref<157x128xi32, #tpu.memory_space<vmem>>) target_semaphore(%run_scoped3A : memref<!tpu.dma_semaphore, #tpu.memory_space<semaphore_mem>>)
      %dma_wait3A_96 = arith.constant 0 : i32
      %dma_wait3A_97 = arith.constant 0 : i32
      %dma_wait3A_98 = tpu.memref_slice %arg3[%arg1, %dma_wait3A_96, %dma_wait3A_97] : memref<16x157x128xi32, #tpu.memory_space<hbm>> -> memref<1x157x128xi32, #tpu.memory_space<hbm>>
      %dma_wait3A_99 = tpu.memref_squeeze %dma_wait3A_98 : memref<1x157x128xi32, #tpu.memory_space<hbm>> -> memref<157x128xi32, #tpu.memory_space<hbm>>
      %dma_wait3A_100 = arith.constant 0 : i32
      %dma_wait3A_101 = arith.constant 0 : i32
      %dma_wait3A_102 = tpu.memref_slice %arg3[%arg1, %dma_wait3A_100, %dma_wait3A_101] : memref<16x157x128xi32, #tpu.memory_space<hbm>> -> memref<1x157x128xi32, #tpu.memory_space<hbm>>
      %dma_wait3A_103 = tpu.memref_squeeze %dma_wait3A_102 : memref<1x157x128xi32, #tpu.memory_space<hbm>> -> memref<157x128xi32, #tpu.memory_space<hbm>>
      tpu.wait_dma2 semaphore(%run_scoped3A : memref<!tpu.dma_semaphore, #tpu.memory_space<semaphore_mem>>) src(%dma_wait3A_103 : memref<157x128xi32, #tpu.memory_space<hbm>>) dst(%arg7 : memref<157x128xi32, #tpu.memory_space<vmem>>)
      tpu.yield
    }) : () -> ()
    "tpu.region"() ({
      %run_scoped3A = tpu.sem_alloc : memref<!tpu.dma_semaphore, #tpu.memory_space<semaphore_mem>>
      %dma_start3A_88 = arith.constant 0 : i32
      %dma_start3A_89 = arith.constant 0 : i32
      %dma_start3A_90 = tpu.memref_slice %arg4[%arg1, %dma_start3A_88, %dma_start3A_89] : memref<16x157x128xi32, #tpu.memory_space<hbm>> -> memref<1x157x128xi32, #tpu.memory_space<hbm>>
      %dma_start3A_91 = tpu.memref_squeeze %dma_start3A_90 : memref<1x157x128xi32, #tpu.memory_space<hbm>> -> memref<157x128xi32, #tpu.memory_space<hbm>>
      %dma_start3A_92 = arith.constant 0 : i32
      %dma_start3A_93 = arith.constant 0 : i32
      %dma_start3A_94 = tpu.memref_slice %arg4[%arg1, %dma_start3A_92, %dma_start3A_93] : memref<16x157x128xi32, #tpu.memory_space<hbm>> -> memref<1x157x128xi32, #tpu.memory_space<hbm>>
      %dma_start3A_95 = tpu.memref_squeeze %dma_start3A_94 : memref<1x157x128xi32, #tpu.memory_space<hbm>> -> memref<157x128xi32, #tpu.memory_space<hbm>>
      tpu.enqueue_dma source(%dma_start3A_95 : memref<157x128xi32, #tpu.memory_space<hbm>>) target(%arg8 : memref<157x128xi32, #tpu.memory_space<vmem>>) target_semaphore(%run_scoped3A : memref<!tpu.dma_semaphore, #tpu.memory_space<semaphore_mem>>)
      %dma_wait3A_96 = arith.constant 0 : i32
      %dma_wait3A_97 = arith.constant 0 : i32
      %dma_wait3A_98 = tpu.memref_slice %arg4[%arg1, %dma_wait3A_96, %dma_wait3A_97] : memref<16x157x128xi32, #tpu.memory_space<hbm>> -> memref<1x157x128xi32, #tpu.memory_space<hbm>>
      %dma_wait3A_99 = tpu.memref_squeeze %dma_wait3A_98 : memref<1x157x128xi32, #tpu.memory_space<hbm>> -> memref<157x128xi32, #tpu.memory_space<hbm>>
      %dma_wait3A_100 = arith.constant 0 : i32
      %dma_wait3A_101 = arith.constant 0 : i32
      %dma_wait3A_102 = tpu.memref_slice %arg4[%arg1, %dma_wait3A_100, %dma_wait3A_101] : memref<16x157x128xi32, #tpu.memory_space<hbm>> -> memref<1x157x128xi32, #tpu.memory_space<hbm>>
      %dma_wait3A_103 = tpu.memref_squeeze %dma_wait3A_102 : memref<1x157x128xi32, #tpu.memory_space<hbm>> -> memref<157x128xi32, #tpu.memory_space<hbm>>
      tpu.wait_dma2 semaphore(%run_scoped3A : memref<!tpu.dma_semaphore, #tpu.memory_space<semaphore_mem>>) src(%dma_wait3A_103 : memref<157x128xi32, #tpu.memory_space<hbm>>) dst(%arg8 : memref<157x128xi32, #tpu.memory_space<vmem>>)
      tpu.yield
    }) : () -> ()
    %mul3A = arith.constant 632 : i32
    %mul3A_0 = arith.muli %arg1, %mul3A : i32
    %mul3A_1 = arith.constant 632 : i32
    %mul3A_2 = arith.muli %arg1, %mul3A_1 : i32
    "tpu.region"() ({
      %run_scoped3A = tpu.sem_alloc : memref<!tpu.dma_semaphore, #tpu.memory_space<semaphore_mem>>
      %dma_start3A_88 = arith.constant 0 : i32
      %dma_start3A_89 = tpu.memref_slice %arg10[%mul3A_2, %dma_start3A_88] : memref<10112x64xf32, #tpu.memory_space<vmem_shared>> -> memref<632x64xf32, #tpu.memory_space<vmem_shared>>
      %dma_start3A_90 = arith.constant 0 : i32
      %dma_start3A_91 = tpu.memref_slice %arg5[%mul3A_0, %dma_start3A_90] : memref<10112x64xf32, #tpu.memory_space<hbm>> -> memref<632x64xf32, #tpu.memory_space<hbm>>
      tpu.enqueue_dma source(%dma_start3A_91 : memref<632x64xf32, #tpu.memory_space<hbm>>) target(%dma_start3A_89 : memref<632x64xf32, #tpu.memory_space<vmem_shared>>) target_semaphore(%run_scoped3A : memref<!tpu.dma_semaphore, #tpu.memory_space<semaphore_mem>>)
      %dma_wait3A_92 = arith.constant 0 : i32
      %dma_wait3A_93 = tpu.memref_slice %arg10[%mul3A_2, %dma_wait3A_92] : memref<10112x64xf32, #tpu.memory_space<vmem_shared>> -> memref<632x64xf32, #tpu.memory_space<vmem_shared>>
      %dma_wait3A_94 = arith.constant 0 : i32
      %dma_wait3A_95 = tpu.memref_slice %arg5[%mul3A_0, %dma_wait3A_94] : memref<10112x64xf32, #tpu.memory_space<hbm>> -> memref<632x64xf32, #tpu.memory_space<hbm>>
      tpu.wait_dma2 semaphore(%run_scoped3A : memref<!tpu.dma_semaphore, #tpu.memory_space<semaphore_mem>>) src(%dma_wait3A_95 : memref<632x64xf32, #tpu.memory_space<hbm>>) dst(%dma_wait3A_93 : memref<632x64xf32, #tpu.memory_space<vmem_shared>>)
      tpu.yield
    }) : () -> ()
    %barrier3A = arith.constant 0 : index
    tpu.barrier barrier_id(%barrier3A)
    %rem3A = arith.constant 0 : i32
    %rem3A_3 = arith.constant 5 : i32
    %rem3A_4 = arith.remsi %rem3A, %rem3A_3 : i32
    %dma_start3A = arith.constant 0 : i32
    %dma_start3A_5 = arith.constant 0 : i32
    %dma_start3A_6 = arith.constant 0 : i32
    %dma_start3A_7 = tpu.memref_slice %arg9[%rem3A_4, %dma_start3A_5, %dma_start3A_6] : memref<5x128x64xf32, #tpu.memory_space<vmem>> -> memref<1x128x64xf32, #tpu.memory_space<vmem>>
    %dma_start3A_8 = tpu.memref_squeeze %dma_start3A_7 : memref<1x128x64xf32, #tpu.memory_space<vmem>> -> memref<128x64xf32, #tpu.memory_space<vmem>>
    %dma_start3A_9 = arith.constant 0 : i32
    %dma_start3A_10 = tpu.memref_slice %arg7[%dma_start3A, %dma_start3A_9] : memref<157x128xi32, #tpu.memory_space<vmem>> -> memref<1x128xi32, #tpu.memory_space<vmem>>
    %dma_start3A_11 = tpu.memref_squeeze %dma_start3A_10 : memref<1x128xi32, #tpu.memory_space<vmem>> -> memref<128xi32, #tpu.memory_space<vmem>>
    %dma_start3A_12 = arith.constant 0 : i32
    %dma_start3A_13 = arith.constant 0 : i32
    %dma_start3A_14 = tpu.memref_slice %arg2[%arg0, %dma_start3A_12, %dma_start3A_13] : memref<2x10112x64xf32, #tpu.memory_space<hbm>> -> memref<1x10112x64xf32, #tpu.memory_space<hbm>>
    %dma_start3A_15 = tpu.memref_squeeze %dma_start3A_14 : memref<1x10112x64xf32, #tpu.memory_space<hbm>> -> memref<10112x64xf32, #tpu.memory_space<hbm>>
    %dma_start3A_16 = arith.constant 0 : i32
    %dma_start3A_17 = arith.constant 0 : i32
    %dma_start3A_18 = tpu.memref_slice %dma_start3A_15[%dma_start3A_16, %dma_start3A_17] : memref<10112x64xf32, #tpu.memory_space<hbm>> -> memref<10112x64xf32, #tpu.memory_space<hbm>>
    tpu.enqueue_indirect_dma source(%dma_start3A_18 : memref<10112x64xf32, #tpu.memory_space<hbm>>) target(%dma_start3A_8 : memref<128x64xf32, #tpu.memory_space<vmem>>) offsets(%dma_start3A_11 : memref<128xi32, #tpu.memory_space<vmem>>) semaphore(%arg11 : memref<!tpu.dma_semaphore, #tpu.memory_space<semaphore_mem>>)
    %rem3A_19 = arith.constant 1 : i32
    %rem3A_20 = arith.constant 5 : i32
    %rem3A_21 = arith.remsi %rem3A_19, %rem3A_20 : i32
    %dma_start3A_22 = arith.constant 1 : i32
    %dma_start3A_23 = arith.constant 0 : i32
    %dma_start3A_24 = arith.constant 0 : i32
    %dma_start3A_25 = tpu.memref_slice %arg9[%rem3A_21, %dma_start3A_23, %dma_start3A_24] : memref<5x128x64xf32, #tpu.memory_space<vmem>> -> memref<1x128x64xf32, #tpu.memory_space<vmem>>
    %dma_start3A_26 = tpu.memref_squeeze %dma_start3A_25 : memref<1x128x64xf32, #tpu.memory_space<vmem>> -> memref<128x64xf32, #tpu.memory_space<vmem>>
    %dma_start3A_27 = arith.constant 0 : i32
    %dma_start3A_28 = tpu.memref_slice %arg7[%dma_start3A_22, %dma_start3A_27] : memref<157x128xi32, #tpu.memory_space<vmem>> -> memref<1x128xi32, #tpu.memory_space<vmem>>
    %dma_start3A_29 = tpu.memref_squeeze %dma_start3A_28 : memref<1x128xi32, #tpu.memory_space<vmem>> -> memref<128xi32, #tpu.memory_space<vmem>>
    %dma_start3A_30 = arith.constant 0 : i32
    %dma_start3A_31 = arith.constant 0 : i32
    %dma_start3A_32 = tpu.memref_slice %arg2[%arg0, %dma_start3A_30, %dma_start3A_31] : memref<2x10112x64xf32, #tpu.memory_space<hbm>> -> memref<1x10112x64xf32, #tpu.memory_space<hbm>>
    %dma_start3A_33 = tpu.memref_squeeze %dma_start3A_32 : memref<1x10112x64xf32, #tpu.memory_space<hbm>> -> memref<10112x64xf32, #tpu.memory_space<hbm>>
    %dma_start3A_34 = arith.constant 0 : i32
    %dma_start3A_35 = arith.constant 0 : i32
    %dma_start3A_36 = tpu.memref_slice %dma_start3A_33[%dma_start3A_34, %dma_start3A_35] : memref<10112x64xf32, #tpu.memory_space<hbm>> -> memref<10112x64xf32, #tpu.memory_space<hbm>>
    tpu.enqueue_indirect_dma source(%dma_start3A_36 : memref<10112x64xf32, #tpu.memory_space<hbm>>) target(%dma_start3A_26 : memref<128x64xf32, #tpu.memory_space<vmem>>) offsets(%dma_start3A_29 : memref<128xi32, #tpu.memory_space<vmem>>) semaphore(%arg11 : memref<!tpu.dma_semaphore, #tpu.memory_space<semaphore_mem>>)
    %rem3A_37 = arith.constant 2 : i32
    %rem3A_38 = arith.constant 5 : i32
    %rem3A_39 = arith.remsi %rem3A_37, %rem3A_38 : i32
    %dma_start3A_40 = arith.constant 2 : i32
    %dma_start3A_41 = arith.constant 0 : i32
    %dma_start3A_42 = arith.constant 0 : i32
    %dma_start3A_43 = tpu.memref_slice %arg9[%rem3A_39, %dma_start3A_41, %dma_start3A_42] : memref<5x128x64xf32, #tpu.memory_space<vmem>> -> memref<1x128x64xf32, #tpu.memory_space<vmem>>
    %dma_start3A_44 = tpu.memref_squeeze %dma_start3A_43 : memref<1x128x64xf32, #tpu.memory_space<vmem>> -> memref<128x64xf32, #tpu.memory_space<vmem>>
    %dma_start3A_45 = arith.constant 0 : i32
    %dma_start3A_46 = tpu.memref_slice %arg7[%dma_start3A_40, %dma_start3A_45] : memref<157x128xi32, #tpu.memory_space<vmem>> -> memref<1x128xi32, #tpu.memory_space<vmem>>
    %dma_start3A_47 = tpu.memref_squeeze %dma_start3A_46 : memref<1x128xi32, #tpu.memory_space<vmem>> -> memref<128xi32, #tpu.memory_space<vmem>>
    %dma_start3A_48 = arith.constant 0 : i32
    %dma_start3A_49 = arith.constant 0 : i32
    %dma_start3A_50 = tpu.memref_slice %arg2[%arg0, %dma_start3A_48, %dma_start3A_49] : memref<2x10112x64xf32, #tpu.memory_space<hbm>> -> memref<1x10112x64xf32, #tpu.memory_space<hbm>>
    %dma_start3A_51 = tpu.memref_squeeze %dma_start3A_50 : memref<1x10112x64xf32, #tpu.memory_space<hbm>> -> memref<10112x64xf32, #tpu.memory_space<hbm>>
    %dma_start3A_52 = arith.constant 0 : i32
    %dma_start3A_53 = arith.constant 0 : i32
    %dma_start3A_54 = tpu.memref_slice %dma_start3A_51[%dma_start3A_52, %dma_start3A_53] : memref<10112x64xf32, #tpu.memory_space<hbm>> -> memref<10112x64xf32, #tpu.memory_space<hbm>>
    tpu.enqueue_indirect_dma source(%dma_start3A_54 : memref<10112x64xf32, #tpu.memory_space<hbm>>) target(%dma_start3A_44 : memref<128x64xf32, #tpu.memory_space<vmem>>) offsets(%dma_start3A_47 : memref<128xi32, #tpu.memory_space<vmem>>) semaphore(%arg11 : memref<!tpu.dma_semaphore, #tpu.memory_space<semaphore_mem>>)
    %scan3A = arith.constant 0 : i32
    %scan3A_55 = arith.constant 0 : i32
    %scan3A_56 = arith.constant 157 : i32
    %scan3A_57 = arith.addi %scan3A_55, %scan3A_56 : i32
    %scan3A_58 = arith.constant 1 : i32
    scf.for %scan3A_88 = %scan3A_55 to %scan3A_57 step %scan3A_58  : i32 {
      %rem3A_89 = arith.constant 5 : i32
      %rem3A_90 = arith.remsi %scan3A_88, %rem3A_89 : i32
      %dma_wait3A_91 = arith.constant 0 : i32
      %dma_wait3A_92 = arith.constant 0 : i32
      %dma_wait3A_93 = tpu.memref_slice %arg9[%rem3A_90, %dma_wait3A_91, %dma_wait3A_92] : memref<5x128x64xf32, #tpu.memory_space<vmem>> -> memref<1x128x64xf32, #tpu.memory_space<vmem>>
      %dma_wait3A_94 = tpu.memref_squeeze %dma_wait3A_93 : memref<1x128x64xf32, #tpu.memory_space<vmem>> -> memref<128x64xf32, #tpu.memory_space<vmem>>
      %dma_wait3A_95 = arith.constant 0 : i32
      %dma_wait3A_96 = tpu.memref_slice %arg7[%scan3A_88, %dma_wait3A_95] : memref<157x128xi32, #tpu.memory_space<vmem>> -> memref<1x128xi32, #tpu.memory_space<vmem>>
      %dma_wait3A_97 = tpu.memref_squeeze %dma_wait3A_96 : memref<1x128xi32, #tpu.memory_space<vmem>> -> memref<128xi32, #tpu.memory_space<vmem>>
      %dma_wait3A_98 = arith.constant 0 : i32
      %dma_wait3A_99 = arith.constant 0 : i32
      %dma_wait3A_100 = tpu.memref_slice %arg2[%arg0, %dma_wait3A_98, %dma_wait3A_99] : memref<2x10112x64xf32, #tpu.memory_space<hbm>> -> memref<1x10112x64xf32, #tpu.memory_space<hbm>>
      %dma_wait3A_101 = tpu.memref_squeeze %dma_wait3A_100 : memref<1x10112x64xf32, #tpu.memory_space<hbm>> -> memref<10112x64xf32, #tpu.memory_space<hbm>>
      %dma_wait3A_102 = arith.constant 0 : i32
      %dma_wait3A_103 = arith.constant 0 : i32
      %dma_wait3A_104 = tpu.memref_slice %dma_wait3A_101[%dma_wait3A_102, %dma_wait3A_103] : memref<10112x64xf32, #tpu.memory_space<hbm>> -> memref<10112x64xf32, #tpu.memory_space<hbm>>
      tpu.wait_indirect_dma semaphore(%arg11 : memref<!tpu.dma_semaphore, #tpu.memory_space<semaphore_mem>>) src(%dma_wait3A_104 : memref<10112x64xf32, #tpu.memory_space<hbm>>) dst(%dma_wait3A_94 : memref<128x64xf32, #tpu.memory_space<vmem>>)
      %rem3A_105 = arith.constant 5 : i32
      %rem3A_106 = arith.remsi %scan3A_88, %rem3A_105 : i32
      %dma_start3A_107 = arith.constant 0 : i32
      %dma_start3A_108 = arith.constant 0 : i32
      %dma_start3A_109 = tpu.memref_slice %arg9[%rem3A_106, %dma_start3A_107, %dma_start3A_108] : memref<5x128x64xf32, #tpu.memory_space<vmem>> -> memref<1x128x64xf32, #tpu.memory_space<vmem>>
      %dma_start3A_110 = tpu.memref_squeeze %dma_start3A_109 : memref<1x128x64xf32, #tpu.memory_space<vmem>> -> memref<128x64xf32, #tpu.memory_space<vmem>>
      %dma_start3A_111 = arith.constant 0 : i32
      %dma_start3A_112 = tpu.memref_slice %arg8[%scan3A_88, %dma_start3A_111] : memref<157x128xi32, #tpu.memory_space<vmem>> -> memref<1x128xi32, #tpu.memory_space<vmem>>
      %dma_start3A_113 = tpu.memref_squeeze %dma_start3A_112 : memref<1x128xi32, #tpu.memory_space<vmem>> -> memref<128xi32, #tpu.memory_space<vmem>>
      %dma_start3A_114 = arith.constant 0 : i32
      %dma_start3A_115 = arith.constant 0 : i32
      %dma_start3A_116 = tpu.memref_slice %arg10[%dma_start3A_114, %dma_start3A_115] : memref<10112x64xf32, #tpu.memory_space<vmem_shared>> -> memref<10112x64xf32, #tpu.memory_space<vmem_shared>>
      tpu.enqueue_indirect_dma source(%dma_start3A_110 : memref<128x64xf32, #tpu.memory_space<vmem>>) target(%dma_start3A_116 : memref<10112x64xf32, #tpu.memory_space<vmem_shared>>) offsets(%dma_start3A_113 : memref<128xi32, #tpu.memory_space<vmem>>) semaphore(%arg12 : memref<!tpu.dma_semaphore, #tpu.memory_space<semaphore_mem>>) {add = true}
      %ge3A = arith.constant 2 : i32
      %ge3A_117 = arith.cmpi sge, %scan3A_88, %ge3A : i32
      %convert_element_type3A = arith.extui %ge3A_117 : i1 to i32
      %cond3A = arith.constant 0 : i32
      %cond3A_118 = arith.cmpi ne, %convert_element_type3A, %cond3A : i32
      scf.if %cond3A_118 {
        %dma_wait3A_124 = arith.constant 0 : i32
        %dma_wait3A_125 = arith.constant 0 : i32
        %dma_wait3A_126 = arith.constant 0 : i32
        %dma_wait3A_127 = arith.constant 0 : i32
        %dma_wait3A_128 = tpu.memref_slice %arg9[%dma_wait3A_124, %dma_wait3A_126, %dma_wait3A_127] : memref<5x128x64xf32, #tpu.memory_space<vmem>> -> memref<1x128x64xf32, #tpu.memory_space<vmem>>
        %dma_wait3A_129 = tpu.memref_squeeze %dma_wait3A_128 : memref<1x128x64xf32, #tpu.memory_space<vmem>> -> memref<128x64xf32, #tpu.memory_space<vmem>>
        %dma_wait3A_130 = arith.constant 0 : i32
        %dma_wait3A_131 = tpu.memref_slice %arg8[%dma_wait3A_125, %dma_wait3A_130] : memref<157x128xi32, #tpu.memory_space<vmem>> -> memref<1x128xi32, #tpu.memory_space<vmem>>
        %dma_wait3A_132 = tpu.memref_squeeze %dma_wait3A_131 : memref<1x128xi32, #tpu.memory_space<vmem>> -> memref<128xi32, #tpu.memory_space<vmem>>
        %dma_wait3A_133 = arith.constant 0 : i32
        %dma_wait3A_134 = arith.constant 0 : i32
        %dma_wait3A_135 = tpu.memref_slice %arg10[%dma_wait3A_133, %dma_wait3A_134] : memref<10112x64xf32, #tpu.memory_space<vmem_shared>> -> memref<10112x64xf32, #tpu.memory_space<vmem_shared>>
        tpu.wait_indirect_dma semaphore(%arg12 : memref<!tpu.dma_semaphore, #tpu.memory_space<semaphore_mem>>) src(%dma_wait3A_129 : memref<128x64xf32, #tpu.memory_space<vmem>>) dst(%dma_wait3A_135 : memref<10112x64xf32, #tpu.memory_space<vmem_shared>>)
      } else {
      }
      %add3A = arith.constant 3 : i32
      %add3A_119 = arith.addi %scan3A_88, %add3A : i32
      %lt3A = arith.constant 157 : i32
      %lt3A_120 = arith.cmpi slt, %add3A_119, %lt3A : i32
      %convert_element_type3A_121 = arith.extui %lt3A_120 : i1 to i32
      %cond3A_122 = arith.constant 0 : i32
      %cond3A_123 = arith.cmpi ne, %convert_element_type3A_121, %cond3A_122 : i32
      scf.if %cond3A_123 {
        %add3A_124 = arith.constant 3 : i32
        %add3A_125 = arith.addi %scan3A_88, %add3A_124 : i32
        %rem3A_126 = arith.constant 5 : i32
        %rem3A_127 = arith.remsi %add3A_125, %rem3A_126 : i32
        %dma_start3A_128 = arith.constant 0 : i32
        %dma_start3A_129 = arith.constant 0 : i32
        %dma_start3A_130 = tpu.memref_slice %arg9[%rem3A_127, %dma_start3A_128, %dma_start3A_129] : memref<5x128x64xf32, #tpu.memory_space<vmem>> -> memref<1x128x64xf32, #tpu.memory_space<vmem>>
        %dma_start3A_131 = tpu.memref_squeeze %dma_start3A_130 : memref<1x128x64xf32, #tpu.memory_space<vmem>> -> memref<128x64xf32, #tpu.memory_space<vmem>>
        %dma_start3A_132 = arith.constant 0 : i32
        %dma_start3A_133 = tpu.memref_slice %arg7[%add3A_125, %dma_start3A_132] : memref<157x128xi32, #tpu.memory_space<vmem>> -> memref<1x128xi32, #tpu.memory_space<vmem>>
        %dma_start3A_134 = tpu.memref_squeeze %dma_start3A_133 : memref<1x128xi32, #tpu.memory_space<vmem>> -> memref<128xi32, #tpu.memory_space<vmem>>
        %dma_start3A_135 = arith.constant 0 : i32
        %dma_start3A_136 = arith.constant 0 : i32
        %dma_start3A_137 = tpu.memref_slice %arg2[%arg0, %dma_start3A_135, %dma_start3A_136] : memref<2x10112x64xf32, #tpu.memory_space<hbm>> -> memref<1x10112x64xf32, #tpu.memory_space<hbm>>
        %dma_start3A_138 = tpu.memref_squeeze %dma_start3A_137 : memref<1x10112x64xf32, #tpu.memory_space<hbm>> -> memref<10112x64xf32, #tpu.memory_space<hbm>>
        %dma_start3A_139 = arith.constant 0 : i32
        %dma_start3A_140 = arith.constant 0 : i32
        %dma_start3A_141 = tpu.memref_slice %dma_start3A_138[%dma_start3A_139, %dma_start3A_140] : memref<10112x64xf32, #tpu.memory_space<hbm>> -> memref<10112x64xf32, #tpu.memory_space<hbm>>
        tpu.enqueue_indirect_dma source(%dma_start3A_141 : memref<10112x64xf32, #tpu.memory_space<hbm>>) target(%dma_start3A_131 : memref<128x64xf32, #tpu.memory_space<vmem>>) offsets(%dma_start3A_134 : memref<128xi32, #tpu.memory_space<vmem>>) semaphore(%arg11 : memref<!tpu.dma_semaphore, #tpu.memory_space<semaphore_mem>>)
      } else {
      }
    }
    %scan3A_59 = arith.constant 157 : i32
    %dma_wait3A = arith.constant 0 : i32
    %dma_wait3A_60 = arith.constant 0 : i32
    %dma_wait3A_61 = arith.constant 0 : i32
    %dma_wait3A_62 = arith.constant 0 : i32
    %dma_wait3A_63 = tpu.memref_slice %arg9[%dma_wait3A, %dma_wait3A_61, %dma_wait3A_62] : memref<5x128x64xf32, #tpu.memory_space<vmem>> -> memref<1x128x64xf32, #tpu.memory_space<vmem>>
    %dma_wait3A_64 = tpu.memref_squeeze %dma_wait3A_63 : memref<1x128x64xf32, #tpu.memory_space<vmem>> -> memref<128x64xf32, #tpu.memory_space<vmem>>
    %dma_wait3A_65 = arith.constant 0 : i32
    %dma_wait3A_66 = tpu.memref_slice %arg8[%dma_wait3A_60, %dma_wait3A_65] : memref<157x128xi32, #tpu.memory_space<vmem>> -> memref<1x128xi32, #tpu.memory_space<vmem>>
    %dma_wait3A_67 = tpu.memref_squeeze %dma_wait3A_66 : memref<1x128xi32, #tpu.memory_space<vmem>> -> memref<128xi32, #tpu.memory_space<vmem>>
    %dma_wait3A_68 = arith.constant 0 : i32
    %dma_wait3A_69 = arith.constant 0 : i32
    %dma_wait3A_70 = tpu.memref_slice %arg10[%dma_wait3A_68, %dma_wait3A_69] : memref<10112x64xf32, #tpu.memory_space<vmem_shared>> -> memref<10112x64xf32, #tpu.memory_space<vmem_shared>>
    tpu.wait_indirect_dma semaphore(%arg12 : memref<!tpu.dma_semaphore, #tpu.memory_space<semaphore_mem>>) src(%dma_wait3A_64 : memref<128x64xf32, #tpu.memory_space<vmem>>) dst(%dma_wait3A_70 : memref<10112x64xf32, #tpu.memory_space<vmem_shared>>)
    %dma_wait3A_71 = arith.constant 0 : i32
    %dma_wait3A_72 = arith.constant 0 : i32
    %dma_wait3A_73 = arith.constant 0 : i32
    %dma_wait3A_74 = arith.constant 0 : i32
    %dma_wait3A_75 = tpu.memref_slice %arg9[%dma_wait3A_71, %dma_wait3A_73, %dma_wait3A_74] : memref<5x128x64xf32, #tpu.memory_space<vmem>> -> memref<1x128x64xf32, #tpu.memory_space<vmem>>
    %dma_wait3A_76 = tpu.memref_squeeze %dma_wait3A_75 : memref<1x128x64xf32, #tpu.memory_space<vmem>> -> memref<128x64xf32, #tpu.memory_space<vmem>>
    %dma_wait3A_77 = arith.constant 0 : i32
    %dma_wait3A_78 = tpu.memref_slice %arg8[%dma_wait3A_72, %dma_wait3A_77] : memref<157x128xi32, #tpu.memory_space<vmem>> -> memref<1x128xi32, #tpu.memory_space<vmem>>
    %dma_wait3A_79 = tpu.memref_squeeze %dma_wait3A_78 : memref<1x128xi32, #tpu.memory_space<vmem>> -> memref<128xi32, #tpu.memory_space<vmem>>
    %dma_wait3A_80 = arith.constant 0 : i32
    %dma_wait3A_81 = arith.constant 0 : i32
    %dma_wait3A_82 = tpu.memref_slice %arg10[%dma_wait3A_80, %dma_wait3A_81] : memref<10112x64xf32, #tpu.memory_space<vmem_shared>> -> memref<10112x64xf32, #tpu.memory_space<vmem_shared>>
    tpu.wait_indirect_dma semaphore(%arg12 : memref<!tpu.dma_semaphore, #tpu.memory_space<semaphore_mem>>) src(%dma_wait3A_76 : memref<128x64xf32, #tpu.memory_space<vmem>>) dst(%dma_wait3A_82 : memref<10112x64xf32, #tpu.memory_space<vmem_shared>>)
    %barrier3A_83 = arith.constant 0 : index
    tpu.barrier barrier_id(%barrier3A_83)
    %mul3A_84 = arith.constant 632 : i32
    %mul3A_85 = arith.muli %arg1, %mul3A_84 : i32
    %mul3A_86 = arith.constant 632 : i32
    %mul3A_87 = arith.muli %arg1, %mul3A_86 : i32
    "tpu.region"() ({
      %run_scoped3A = tpu.sem_alloc : memref<!tpu.dma_semaphore, #tpu.memory_space<semaphore_mem>>
      %dma_start3A_88 = arith.constant 0 : i32
      %dma_start3A_89 = tpu.memref_slice %arg6[%arg0, %mul3A_87, %dma_start3A_88] : memref<2x10112x64xf32, #tpu.memory_space<hbm>> -> memref<1x632x64xf32, #tpu.memory_space<hbm>>
      %dma_start3A_90 = tpu.memref_squeeze %dma_start3A_89 : memref<1x632x64xf32, #tpu.memory_space<hbm>> -> memref<632x64xf32, #tpu.memory_space<hbm>>
      %dma_start3A_91 = arith.constant 0 : i32
      %dma_start3A_92 = tpu.memref_slice %arg10[%mul3A_85, %dma_start3A_91] : memref<10112x64xf32, #tpu.memory_space<vmem_shared>> -> memref<632x64xf32, #tpu.memory_space<vmem_shared>>
      tpu.enqueue_dma source(%dma_start3A_92 : memref<632x64xf32, #tpu.memory_space<vmem_shared>>) target(%dma_start3A_90 : memref<632x64xf32, #tpu.memory_space<hbm>>) target_semaphore(%run_scoped3A : memref<!tpu.dma_semaphore, #tpu.memory_space<semaphore_mem>>)
      %dma_wait3A_93 = arith.constant 0 : i32
      %dma_wait3A_94 = tpu.memref_slice %arg6[%arg0, %mul3A_87, %dma_wait3A_93] : memref<2x10112x64xf32, #tpu.memory_space<hbm>> -> memref<1x632x64xf32, #tpu.memory_space<hbm>>
      %dma_wait3A_95 = tpu.memref_squeeze %dma_wait3A_94 : memref<1x632x64xf32, #tpu.memory_space<hbm>> -> memref<632x64xf32, #tpu.memory_space<hbm>>
      %dma_wait3A_96 = arith.constant 0 : i32
      %dma_wait3A_97 = tpu.memref_slice %arg10[%mul3A_85, %dma_wait3A_96] : memref<10112x64xf32, #tpu.memory_space<vmem_shared>> -> memref<632x64xf32, #tpu.memory_space<vmem_shared>>
      tpu.wait_dma2 semaphore(%run_scoped3A : memref<!tpu.dma_semaphore, #tpu.memory_space<semaphore_mem>>) src(%dma_wait3A_97 : memref<632x64xf32, #tpu.memory_space<vmem_shared>>) dst(%dma_wait3A_95 : memref<632x64xf32, #tpu.memory_space<hbm>>)
      tpu.yield
    }) : () -> ()
    return
  }
}

#map = affine_map<(d0, d1) -> (0, 0, 0)>
#map1 = affine_map<(d0, d1) -> (0, 0)>
module attributes {stable_mosaic.version = 14 : i64} {
  func.func @body(%arg0: i32, %arg1: i32, %arg2: memref<2x10112x32xf32, #tpu.memory_space<hbm>>, %arg3: memref<16x157x128xi32, #tpu.memory_space<hbm>>, %arg4: memref<16x157x128xi32, #tpu.memory_space<hbm>>, %arg5: memref<10112x32xf32, #tpu.memory_space<hbm>>, %arg6: memref<2x10112x32xf32, #tpu.memory_space<hbm>>, %arg7: memref<157x128xi32, #tpu.memory_space<vmem>>, %arg8: memref<157x128xi32, #tpu.memory_space<vmem>>, %arg9: memref<5x128x32xf32, #tpu.memory_space<vmem>>, %arg10: memref<10112x32xf32, #tpu.memory_space<vmem_shared>>, %arg11: memref<!tpu.dma_semaphore, #tpu.memory_space<semaphore_mem>>, %arg12: memref<!tpu.dma_semaphore, #tpu.memory_space<semaphore_mem>>) attributes {dimension_semantics = [#tpu.dimension_semantics<core_parallel>, #tpu.dimension_semantics<subcore_parallel>], iteration_bounds = array<i64: 2, 16>, scalar_prefetch = 0 : i64, scratch_operands = 6 : i64, tpu.core_type = #tpu.core_type<sc_vector_subcore>, window_params = [{transform_indices = #map}, {transform_indices = #map}, {transform_indices = #map}, {transform_indices = #map1}, {transform_indices = #map}]} {
    "tpu.region"() ({
      %run_scoped3A = tpu.sem_alloc : memref<!tpu.dma_semaphore, #tpu.memory_space<semaphore_mem>>
      %dma_start3A_88 = arith.constant 0 : i32
      %dma_start3A_89 = arith.constant 0 : i32
      %dma_start3A_90 = tpu.memref_slice %arg3[%arg1, %dma_start3A_88, %dma_start3A_89] : memref<16x157x128xi32, #tpu.memory_space<hbm>> -> memref<1x157x128xi32, #tpu.memory_space<hbm>>
      %dma_start3A_91 = tpu.memref_squeeze %dma_start3A_90 : memref<1x157x128xi32, #tpu.memory_space<hbm>> -> memref<157x128xi32, #tpu.memory_space<hbm>>
      %dma_start3A_92 = arith.constant 0 : i32
      %dma_start3A_93 = arith.constant 0 : i32
      %dma_start3A_94 = tpu.memref_slice %arg3[%arg1, %dma_start3A_92, %dma_start3A_93] : memref<16x157x128xi32, #tpu.memory_space<hbm>> -> memref<1x157x128xi32, #tpu.memory_space<hbm>>
      %dma_start3A_95 = tpu.memref_squeeze %dma_start3A_94 : memref<1x157x128xi32, #tpu.memory_space<hbm>> -> memref<157x128xi32, #tpu.memory_space<hbm>>
      tpu.enqueue_dma source(%dma_start3A_95 : memref<157x128xi32, #tpu.memory_space<hbm>>) target(%arg7 : memref<157x128xi32, #tpu.memory_space<vmem>>) target_semaphore(%run_scoped3A : memref<!tpu.dma_semaphore, #tpu.memory_space<semaphore_mem>>)
      %dma_wait3A_96 = arith.constant 0 : i32
      %dma_wait3A_97 = arith.constant 0 : i32
      %dma_wait3A_98 = tpu.memref_slice %arg3[%arg1, %dma_wait3A_96, %dma_wait3A_97] : memref<16x157x128xi32, #tpu.memory_space<hbm>> -> memref<1x157x128xi32, #tpu.memory_space<hbm>>
      %dma_wait3A_99 = tpu.memref_squeeze %dma_wait3A_98 : memref<1x157x128xi32, #tpu.memory_space<hbm>> -> memref<157x128xi32, #tpu.memory_space<hbm>>
      %dma_wait3A_100 = arith.constant 0 : i32
      %dma_wait3A_101 = arith.constant 0 : i32
      %dma_wait3A_102 = tpu.memref_slice %arg3[%arg1, %dma_wait3A_100, %dma_wait3A_101] : memref<16x157x128xi32, #tpu.memory_space<hbm>> -> memref<1x157x128xi32, #tpu.memory_space<hbm>>
      %dma_wait3A_103 = tpu.memref_squeeze %dma_wait3A_102 : memref<1x157x128xi32, #tpu.memory_space<hbm>> -> memref<157x128xi32, #tpu.memory_space<hbm>>
      tpu.wait_dma2 semaphore(%run_scoped3A : memref<!tpu.dma_semaphore, #tpu.memory_space<semaphore_mem>>) src(%dma_wait3A_103 : memref<157x128xi32, #tpu.memory_space<hbm>>) dst(%arg7 : memref<157x128xi32, #tpu.memory_space<vmem>>)
      tpu.yield
    }) : () -> ()
    "tpu.region"() ({
      %run_scoped3A = tpu.sem_alloc : memref<!tpu.dma_semaphore, #tpu.memory_space<semaphore_mem>>
      %dma_start3A_88 = arith.constant 0 : i32
      %dma_start3A_89 = arith.constant 0 : i32
      %dma_start3A_90 = tpu.memref_slice %arg4[%arg1, %dma_start3A_88, %dma_start3A_89] : memref<16x157x128xi32, #tpu.memory_space<hbm>> -> memref<1x157x128xi32, #tpu.memory_space<hbm>>
      %dma_start3A_91 = tpu.memref_squeeze %dma_start3A_90 : memref<1x157x128xi32, #tpu.memory_space<hbm>> -> memref<157x128xi32, #tpu.memory_space<hbm>>
      %dma_start3A_92 = arith.constant 0 : i32
      %dma_start3A_93 = arith.constant 0 : i32
      %dma_start3A_94 = tpu.memref_slice %arg4[%arg1, %dma_start3A_92, %dma_start3A_93] : memref<16x157x128xi32, #tpu.memory_space<hbm>> -> memref<1x157x128xi32, #tpu.memory_space<hbm>>
      %dma_start3A_95 = tpu.memref_squeeze %dma_start3A_94 : memref<1x157x128xi32, #tpu.memory_space<hbm>> -> memref<157x128xi32, #tpu.memory_space<hbm>>
      tpu.enqueue_dma source(%dma_start3A_95 : memref<157x128xi32, #tpu.memory_space<hbm>>) target(%arg8 : memref<157x128xi32, #tpu.memory_space<vmem>>) target_semaphore(%run_scoped3A : memref<!tpu.dma_semaphore, #tpu.memory_space<semaphore_mem>>)
      %dma_wait3A_96 = arith.constant 0 : i32
      %dma_wait3A_97 = arith.constant 0 : i32
      %dma_wait3A_98 = tpu.memref_slice %arg4[%arg1, %dma_wait3A_96, %dma_wait3A_97] : memref<16x157x128xi32, #tpu.memory_space<hbm>> -> memref<1x157x128xi32, #tpu.memory_space<hbm>>
      %dma_wait3A_99 = tpu.memref_squeeze %dma_wait3A_98 : memref<1x157x128xi32, #tpu.memory_space<hbm>> -> memref<157x128xi32, #tpu.memory_space<hbm>>
      %dma_wait3A_100 = arith.constant 0 : i32
      %dma_wait3A_101 = arith.constant 0 : i32
      %dma_wait3A_102 = tpu.memref_slice %arg4[%arg1, %dma_wait3A_100, %dma_wait3A_101] : memref<16x157x128xi32, #tpu.memory_space<hbm>> -> memref<1x157x128xi32, #tpu.memory_space<hbm>>
      %dma_wait3A_103 = tpu.memref_squeeze %dma_wait3A_102 : memref<1x157x128xi32, #tpu.memory_space<hbm>> -> memref<157x128xi32, #tpu.memory_space<hbm>>
      tpu.wait_dma2 semaphore(%run_scoped3A : memref<!tpu.dma_semaphore, #tpu.memory_space<semaphore_mem>>) src(%dma_wait3A_103 : memref<157x128xi32, #tpu.memory_space<hbm>>) dst(%arg8 : memref<157x128xi32, #tpu.memory_space<vmem>>)
      tpu.yield
    }) : () -> ()
    %mul3A = arith.constant 632 : i32
    %mul3A_0 = arith.muli %arg1, %mul3A : i32
    %mul3A_1 = arith.constant 632 : i32
    %mul3A_2 = arith.muli %arg1, %mul3A_1 : i32
    "tpu.region"() ({
      %run_scoped3A = tpu.sem_alloc : memref<!tpu.dma_semaphore, #tpu.memory_space<semaphore_mem>>
      %dma_start3A_88 = arith.constant 0 : i32
      %dma_start3A_89 = tpu.memref_slice %arg10[%mul3A_2, %dma_start3A_88] : memref<10112x32xf32, #tpu.memory_space<vmem_shared>> -> memref<632x32xf32, #tpu.memory_space<vmem_shared>>
      %dma_start3A_90 = arith.constant 0 : i32
      %dma_start3A_91 = tpu.memref_slice %arg5[%mul3A_0, %dma_start3A_90] : memref<10112x32xf32, #tpu.memory_space<hbm>> -> memref<632x32xf32, #tpu.memory_space<hbm>>
      tpu.enqueue_dma source(%dma_start3A_91 : memref<632x32xf32, #tpu.memory_space<hbm>>) target(%dma_start3A_89 : memref<632x32xf32, #tpu.memory_space<vmem_shared>>) target_semaphore(%run_scoped3A : memref<!tpu.dma_semaphore, #tpu.memory_space<semaphore_mem>>)
      %dma_wait3A_92 = arith.constant 0 : i32
      %dma_wait3A_93 = tpu.memref_slice %arg10[%mul3A_2, %dma_wait3A_92] : memref<10112x32xf32, #tpu.memory_space<vmem_shared>> -> memref<632x32xf32, #tpu.memory_space<vmem_shared>>
      %dma_wait3A_94 = arith.constant 0 : i32
      %dma_wait3A_95 = tpu.memref_slice %arg5[%mul3A_0, %dma_wait3A_94] : memref<10112x32xf32, #tpu.memory_space<hbm>> -> memref<632x32xf32, #tpu.memory_space<hbm>>
      tpu.wait_dma2 semaphore(%run_scoped3A : memref<!tpu.dma_semaphore, #tpu.memory_space<semaphore_mem>>) src(%dma_wait3A_95 : memref<632x32xf32, #tpu.memory_space<hbm>>) dst(%dma_wait3A_93 : memref<632x32xf32, #tpu.memory_space<vmem_shared>>)
      tpu.yield
    }) : () -> ()
    %barrier3A = arith.constant 0 : index
    tpu.barrier barrier_id(%barrier3A)
    %rem3A = arith.constant 0 : i32
    %rem3A_3 = arith.constant 5 : i32
    %rem3A_4 = arith.remsi %rem3A, %rem3A_3 : i32
    %dma_start3A = arith.constant 0 : i32
    %dma_start3A_5 = arith.constant 0 : i32
    %dma_start3A_6 = arith.constant 0 : i32
    %dma_start3A_7 = tpu.memref_slice %arg9[%rem3A_4, %dma_start3A_5, %dma_start3A_6] : memref<5x128x32xf32, #tpu.memory_space<vmem>> -> memref<1x128x32xf32, #tpu.memory_space<vmem>>
    %dma_start3A_8 = tpu.memref_squeeze %dma_start3A_7 : memref<1x128x32xf32, #tpu.memory_space<vmem>> -> memref<128x32xf32, #tpu.memory_space<vmem>>
    %dma_start3A_9 = arith.constant 0 : i32
    %dma_start3A_10 = tpu.memref_slice %arg7[%dma_start3A, %dma_start3A_9] : memref<157x128xi32, #tpu.memory_space<vmem>> -> memref<1x128xi32, #tpu.memory_space<vmem>>
    %dma_start3A_11 = tpu.memref_squeeze %dma_start3A_10 : memref<1x128xi32, #tpu.memory_space<vmem>> -> memref<128xi32, #tpu.memory_space<vmem>>
    %dma_start3A_12 = arith.constant 0 : i32
    %dma_start3A_13 = arith.constant 0 : i32
    %dma_start3A_14 = tpu.memref_slice %arg2[%arg0, %dma_start3A_12, %dma_start3A_13] : memref<2x10112x32xf32, #tpu.memory_space<hbm>> -> memref<1x10112x32xf32, #tpu.memory_space<hbm>>
    %dma_start3A_15 = tpu.memref_squeeze %dma_start3A_14 : memref<1x10112x32xf32, #tpu.memory_space<hbm>> -> memref<10112x32xf32, #tpu.memory_space<hbm>>
    %dma_start3A_16 = arith.constant 0 : i32
    %dma_start3A_17 = arith.constant 0 : i32
    %dma_start3A_18 = tpu.memref_slice %dma_start3A_15[%dma_start3A_16, %dma_start3A_17] : memref<10112x32xf32, #tpu.memory_space<hbm>> -> memref<10112x32xf32, #tpu.memory_space<hbm>>
    tpu.enqueue_indirect_dma source(%dma_start3A_18 : memref<10112x32xf32, #tpu.memory_space<hbm>>) target(%dma_start3A_8 : memref<128x32xf32, #tpu.memory_space<vmem>>) offsets(%dma_start3A_11 : memref<128xi32, #tpu.memory_space<vmem>>) semaphore(%arg11 : memref<!tpu.dma_semaphore, #tpu.memory_space<semaphore_mem>>)
    %rem3A_19 = arith.constant 1 : i32
    %rem3A_20 = arith.constant 5 : i32
    %rem3A_21 = arith.remsi %rem3A_19, %rem3A_20 : i32
    %dma_start3A_22 = arith.constant 1 : i32
    %dma_start3A_23 = arith.constant 0 : i32
    %dma_start3A_24 = arith.constant 0 : i32
    %dma_start3A_25 = tpu.memref_slice %arg9[%rem3A_21, %dma_start3A_23, %dma_start3A_24] : memref<5x128x32xf32, #tpu.memory_space<vmem>> -> memref<1x128x32xf32, #tpu.memory_space<vmem>>
    %dma_start3A_26 = tpu.memref_squeeze %dma_start3A_25 : memref<1x128x32xf32, #tpu.memory_space<vmem>> -> memref<128x32xf32, #tpu.memory_space<vmem>>
    %dma_start3A_27 = arith.constant 0 : i32
    %dma_start3A_28 = tpu.memref_slice %arg7[%dma_start3A_22, %dma_start3A_27] : memref<157x128xi32, #tpu.memory_space<vmem>> -> memref<1x128xi32, #tpu.memory_space<vmem>>
    %dma_start3A_29 = tpu.memref_squeeze %dma_start3A_28 : memref<1x128xi32, #tpu.memory_space<vmem>> -> memref<128xi32, #tpu.memory_space<vmem>>
    %dma_start3A_30 = arith.constant 0 : i32
    %dma_start3A_31 = arith.constant 0 : i32
    %dma_start3A_32 = tpu.memref_slice %arg2[%arg0, %dma_start3A_30, %dma_start3A_31] : memref<2x10112x32xf32, #tpu.memory_space<hbm>> -> memref<1x10112x32xf32, #tpu.memory_space<hbm>>
    %dma_start3A_33 = tpu.memref_squeeze %dma_start3A_32 : memref<1x10112x32xf32, #tpu.memory_space<hbm>> -> memref<10112x32xf32, #tpu.memory_space<hbm>>
    %dma_start3A_34 = arith.constant 0 : i32
    %dma_start3A_35 = arith.constant 0 : i32
    %dma_start3A_36 = tpu.memref_slice %dma_start3A_33[%dma_start3A_34, %dma_start3A_35] : memref<10112x32xf32, #tpu.memory_space<hbm>> -> memref<10112x32xf32, #tpu.memory_space<hbm>>
    tpu.enqueue_indirect_dma source(%dma_start3A_36 : memref<10112x32xf32, #tpu.memory_space<hbm>>) target(%dma_start3A_26 : memref<128x32xf32, #tpu.memory_space<vmem>>) offsets(%dma_start3A_29 : memref<128xi32, #tpu.memory_space<vmem>>) semaphore(%arg11 : memref<!tpu.dma_semaphore, #tpu.memory_space<semaphore_mem>>)
    %rem3A_37 = arith.constant 2 : i32
    %rem3A_38 = arith.constant 5 : i32
    %rem3A_39 = arith.remsi %rem3A_37, %rem3A_38 : i32
    %dma_start3A_40 = arith.constant 2 : i32
    %dma_start3A_41 = arith.constant 0 : i32
    %dma_start3A_42 = arith.constant 0 : i32
    %dma_start3A_43 = tpu.memref_slice %arg9[%rem3A_39, %dma_start3A_41, %dma_start3A_42] : memref<5x128x32xf32, #tpu.memory_space<vmem>> -> memref<1x128x32xf32, #tpu.memory_space<vmem>>
    %dma_start3A_44 = tpu.memref_squeeze %dma_start3A_43 : memref<1x128x32xf32, #tpu.memory_space<vmem>> -> memref<128x32xf32, #tpu.memory_space<vmem>>
    %dma_start3A_45 = arith.constant 0 : i32
    %dma_start3A_46 = tpu.memref_slice %arg7[%dma_start3A_40, %dma_start3A_45] : memref<157x128xi32, #tpu.memory_space<vmem>> -> memref<1x128xi32, #tpu.memory_space<vmem>>
    %dma_start3A_47 = tpu.memref_squeeze %dma_start3A_46 : memref<1x128xi32, #tpu.memory_space<vmem>> -> memref<128xi32, #tpu.memory_space<vmem>>
    %dma_start3A_48 = arith.constant 0 : i32
    %dma_start3A_49 = arith.constant 0 : i32
    %dma_start3A_50 = tpu.memref_slice %arg2[%arg0, %dma_start3A_48, %dma_start3A_49] : memref<2x10112x32xf32, #tpu.memory_space<hbm>> -> memref<1x10112x32xf32, #tpu.memory_space<hbm>>
    %dma_start3A_51 = tpu.memref_squeeze %dma_start3A_50 : memref<1x10112x32xf32, #tpu.memory_space<hbm>> -> memref<10112x32xf32, #tpu.memory_space<hbm>>
    %dma_start3A_52 = arith.constant 0 : i32
    %dma_start3A_53 = arith.constant 0 : i32
    %dma_start3A_54 = tpu.memref_slice %dma_start3A_51[%dma_start3A_52, %dma_start3A_53] : memref<10112x32xf32, #tpu.memory_space<hbm>> -> memref<10112x32xf32, #tpu.memory_space<hbm>>
    tpu.enqueue_indirect_dma source(%dma_start3A_54 : memref<10112x32xf32, #tpu.memory_space<hbm>>) target(%dma_start3A_44 : memref<128x32xf32, #tpu.memory_space<vmem>>) offsets(%dma_start3A_47 : memref<128xi32, #tpu.memory_space<vmem>>) semaphore(%arg11 : memref<!tpu.dma_semaphore, #tpu.memory_space<semaphore_mem>>)
    %scan3A = arith.constant 0 : i32
    %scan3A_55 = arith.constant 0 : i32
    %scan3A_56 = arith.constant 157 : i32
    %scan3A_57 = arith.addi %scan3A_55, %scan3A_56 : i32
    %scan3A_58 = arith.constant 1 : i32
    scf.for %scan3A_88 = %scan3A_55 to %scan3A_57 step %scan3A_58  : i32 {
      %rem3A_89 = arith.constant 5 : i32
      %rem3A_90 = arith.remsi %scan3A_88, %rem3A_89 : i32
      %dma_wait3A_91 = arith.constant 0 : i32
      %dma_wait3A_92 = arith.constant 0 : i32
      %dma_wait3A_93 = tpu.memref_slice %arg9[%rem3A_90, %dma_wait3A_91, %dma_wait3A_92] : memref<5x128x32xf32, #tpu.memory_space<vmem>> -> memref<1x128x32xf32, #tpu.memory_space<vmem>>
      %dma_wait3A_94 = tpu.memref_squeeze %dma_wait3A_93 : memref<1x128x32xf32, #tpu.memory_space<vmem>> -> memref<128x32xf32, #tpu.memory_space<vmem>>
      %dma_wait3A_95 = arith.constant 0 : i32
      %dma_wait3A_96 = tpu.memref_slice %arg7[%scan3A_88, %dma_wait3A_95] : memref<157x128xi32, #tpu.memory_space<vmem>> -> memref<1x128xi32, #tpu.memory_space<vmem>>
      %dma_wait3A_97 = tpu.memref_squeeze %dma_wait3A_96 : memref<1x128xi32, #tpu.memory_space<vmem>> -> memref<128xi32, #tpu.memory_space<vmem>>
      %dma_wait3A_98 = arith.constant 0 : i32
      %dma_wait3A_99 = arith.constant 0 : i32
      %dma_wait3A_100 = tpu.memref_slice %arg2[%arg0, %dma_wait3A_98, %dma_wait3A_99] : memref<2x10112x32xf32, #tpu.memory_space<hbm>> -> memref<1x10112x32xf32, #tpu.memory_space<hbm>>
      %dma_wait3A_101 = tpu.memref_squeeze %dma_wait3A_100 : memref<1x10112x32xf32, #tpu.memory_space<hbm>> -> memref<10112x32xf32, #tpu.memory_space<hbm>>
      %dma_wait3A_102 = arith.constant 0 : i32
      %dma_wait3A_103 = arith.constant 0 : i32
      %dma_wait3A_104 = tpu.memref_slice %dma_wait3A_101[%dma_wait3A_102, %dma_wait3A_103] : memref<10112x32xf32, #tpu.memory_space<hbm>> -> memref<10112x32xf32, #tpu.memory_space<hbm>>
      tpu.wait_indirect_dma semaphore(%arg11 : memref<!tpu.dma_semaphore, #tpu.memory_space<semaphore_mem>>) src(%dma_wait3A_104 : memref<10112x32xf32, #tpu.memory_space<hbm>>) dst(%dma_wait3A_94 : memref<128x32xf32, #tpu.memory_space<vmem>>)
      %rem3A_105 = arith.constant 5 : i32
      %rem3A_106 = arith.remsi %scan3A_88, %rem3A_105 : i32
      %dma_start3A_107 = arith.constant 0 : i32
      %dma_start3A_108 = arith.constant 0 : i32
      %dma_start3A_109 = tpu.memref_slice %arg9[%rem3A_106, %dma_start3A_107, %dma_start3A_108] : memref<5x128x32xf32, #tpu.memory_space<vmem>> -> memref<1x128x32xf32, #tpu.memory_space<vmem>>
      %dma_start3A_110 = tpu.memref_squeeze %dma_start3A_109 : memref<1x128x32xf32, #tpu.memory_space<vmem>> -> memref<128x32xf32, #tpu.memory_space<vmem>>
      %dma_start3A_111 = arith.constant 0 : i32
      %dma_start3A_112 = tpu.memref_slice %arg8[%scan3A_88, %dma_start3A_111] : memref<157x128xi32, #tpu.memory_space<vmem>> -> memref<1x128xi32, #tpu.memory_space<vmem>>
      %dma_start3A_113 = tpu.memref_squeeze %dma_start3A_112 : memref<1x128xi32, #tpu.memory_space<vmem>> -> memref<128xi32, #tpu.memory_space<vmem>>
      %dma_start3A_114 = arith.constant 0 : i32
      %dma_start3A_115 = arith.constant 0 : i32
      %dma_start3A_116 = tpu.memref_slice %arg10[%dma_start3A_114, %dma_start3A_115] : memref<10112x32xf32, #tpu.memory_space<vmem_shared>> -> memref<10112x32xf32, #tpu.memory_space<vmem_shared>>
      tpu.enqueue_indirect_dma source(%dma_start3A_110 : memref<128x32xf32, #tpu.memory_space<vmem>>) target(%dma_start3A_116 : memref<10112x32xf32, #tpu.memory_space<vmem_shared>>) offsets(%dma_start3A_113 : memref<128xi32, #tpu.memory_space<vmem>>) semaphore(%arg12 : memref<!tpu.dma_semaphore, #tpu.memory_space<semaphore_mem>>) {add = true}
      %ge3A = arith.constant 2 : i32
      %ge3A_117 = arith.cmpi sge, %scan3A_88, %ge3A : i32
      %convert_element_type3A = arith.extui %ge3A_117 : i1 to i32
      %cond3A = arith.constant 0 : i32
      %cond3A_118 = arith.cmpi ne, %convert_element_type3A, %cond3A : i32
      scf.if %cond3A_118 {
        %dma_wait3A_124 = arith.constant 0 : i32
        %dma_wait3A_125 = arith.constant 0 : i32
        %dma_wait3A_126 = arith.constant 0 : i32
        %dma_wait3A_127 = arith.constant 0 : i32
        %dma_wait3A_128 = tpu.memref_slice %arg9[%dma_wait3A_124, %dma_wait3A_126, %dma_wait3A_127] : memref<5x128x32xf32, #tpu.memory_space<vmem>> -> memref<1x128x32xf32, #tpu.memory_space<vmem>>
        %dma_wait3A_129 = tpu.memref_squeeze %dma_wait3A_128 : memref<1x128x32xf32, #tpu.memory_space<vmem>> -> memref<128x32xf32, #tpu.memory_space<vmem>>
        %dma_wait3A_130 = arith.constant 0 : i32
        %dma_wait3A_131 = tpu.memref_slice %arg8[%dma_wait3A_125, %dma_wait3A_130] : memref<157x128xi32, #tpu.memory_space<vmem>> -> memref<1x128xi32, #tpu.memory_space<vmem>>
        %dma_wait3A_132 = tpu.memref_squeeze %dma_wait3A_131 : memref<1x128xi32, #tpu.memory_space<vmem>> -> memref<128xi32, #tpu.memory_space<vmem>>
        %dma_wait3A_133 = arith.constant 0 : i32
        %dma_wait3A_134 = arith.constant 0 : i32
        %dma_wait3A_135 = tpu.memref_slice %arg10[%dma_wait3A_133, %dma_wait3A_134] : memref<10112x32xf32, #tpu.memory_space<vmem_shared>> -> memref<10112x32xf32, #tpu.memory_space<vmem_shared>>
        tpu.wait_indirect_dma semaphore(%arg12 : memref<!tpu.dma_semaphore, #tpu.memory_space<semaphore_mem>>) src(%dma_wait3A_129 : memref<128x32xf32, #tpu.memory_space<vmem>>) dst(%dma_wait3A_135 : memref<10112x32xf32, #tpu.memory_space<vmem_shared>>)
      } else {
      }
      %add3A = arith.constant 3 : i32
      %add3A_119 = arith.addi %scan3A_88, %add3A : i32
      %lt3A = arith.constant 157 : i32
      %lt3A_120 = arith.cmpi slt, %add3A_119, %lt3A : i32
      %convert_element_type3A_121 = arith.extui %lt3A_120 : i1 to i32
      %cond3A_122 = arith.constant 0 : i32
      %cond3A_123 = arith.cmpi ne, %convert_element_type3A_121, %cond3A_122 : i32
      scf.if %cond3A_123 {
        %add3A_124 = arith.constant 3 : i32
        %add3A_125 = arith.addi %scan3A_88, %add3A_124 : i32
        %rem3A_126 = arith.constant 5 : i32
        %rem3A_127 = arith.remsi %add3A_125, %rem3A_126 : i32
        %dma_start3A_128 = arith.constant 0 : i32
        %dma_start3A_129 = arith.constant 0 : i32
        %dma_start3A_130 = tpu.memref_slice %arg9[%rem3A_127, %dma_start3A_128, %dma_start3A_129] : memref<5x128x32xf32, #tpu.memory_space<vmem>> -> memref<1x128x32xf32, #tpu.memory_space<vmem>>
        %dma_start3A_131 = tpu.memref_squeeze %dma_start3A_130 : memref<1x128x32xf32, #tpu.memory_space<vmem>> -> memref<128x32xf32, #tpu.memory_space<vmem>>
        %dma_start3A_132 = arith.constant 0 : i32
        %dma_start3A_133 = tpu.memref_slice %arg7[%add3A_125, %dma_start3A_132] : memref<157x128xi32, #tpu.memory_space<vmem>> -> memref<1x128xi32, #tpu.memory_space<vmem>>
        %dma_start3A_134 = tpu.memref_squeeze %dma_start3A_133 : memref<1x128xi32, #tpu.memory_space<vmem>> -> memref<128xi32, #tpu.memory_space<vmem>>
        %dma_start3A_135 = arith.constant 0 : i32
        %dma_start3A_136 = arith.constant 0 : i32
        %dma_start3A_137 = tpu.memref_slice %arg2[%arg0, %dma_start3A_135, %dma_start3A_136] : memref<2x10112x32xf32, #tpu.memory_space<hbm>> -> memref<1x10112x32xf32, #tpu.memory_space<hbm>>
        %dma_start3A_138 = tpu.memref_squeeze %dma_start3A_137 : memref<1x10112x32xf32, #tpu.memory_space<hbm>> -> memref<10112x32xf32, #tpu.memory_space<hbm>>
        %dma_start3A_139 = arith.constant 0 : i32
        %dma_start3A_140 = arith.constant 0 : i32
        %dma_start3A_141 = tpu.memref_slice %dma_start3A_138[%dma_start3A_139, %dma_start3A_140] : memref<10112x32xf32, #tpu.memory_space<hbm>> -> memref<10112x32xf32, #tpu.memory_space<hbm>>
        tpu.enqueue_indirect_dma source(%dma_start3A_141 : memref<10112x32xf32, #tpu.memory_space<hbm>>) target(%dma_start3A_131 : memref<128x32xf32, #tpu.memory_space<vmem>>) offsets(%dma_start3A_134 : memref<128xi32, #tpu.memory_space<vmem>>) semaphore(%arg11 : memref<!tpu.dma_semaphore, #tpu.memory_space<semaphore_mem>>)
      } else {
      }
    }
    %scan3A_59 = arith.constant 157 : i32
    %dma_wait3A = arith.constant 0 : i32
    %dma_wait3A_60 = arith.constant 0 : i32
    %dma_wait3A_61 = arith.constant 0 : i32
    %dma_wait3A_62 = arith.constant 0 : i32
    %dma_wait3A_63 = tpu.memref_slice %arg9[%dma_wait3A, %dma_wait3A_61, %dma_wait3A_62] : memref<5x128x32xf32, #tpu.memory_space<vmem>> -> memref<1x128x32xf32, #tpu.memory_space<vmem>>
    %dma_wait3A_64 = tpu.memref_squeeze %dma_wait3A_63 : memref<1x128x32xf32, #tpu.memory_space<vmem>> -> memref<128x32xf32, #tpu.memory_space<vmem>>
    %dma_wait3A_65 = arith.constant 0 : i32
    %dma_wait3A_66 = tpu.memref_slice %arg8[%dma_wait3A_60, %dma_wait3A_65] : memref<157x128xi32, #tpu.memory_space<vmem>> -> memref<1x128xi32, #tpu.memory_space<vmem>>
    %dma_wait3A_67 = tpu.memref_squeeze %dma_wait3A_66 : memref<1x128xi32, #tpu.memory_space<vmem>> -> memref<128xi32, #tpu.memory_space<vmem>>
    %dma_wait3A_68 = arith.constant 0 : i32
    %dma_wait3A_69 = arith.constant 0 : i32
    %dma_wait3A_70 = tpu.memref_slice %arg10[%dma_wait3A_68, %dma_wait3A_69] : memref<10112x32xf32, #tpu.memory_space<vmem_shared>> -> memref<10112x32xf32, #tpu.memory_space<vmem_shared>>
    tpu.wait_indirect_dma semaphore(%arg12 : memref<!tpu.dma_semaphore, #tpu.memory_space<semaphore_mem>>) src(%dma_wait3A_64 : memref<128x32xf32, #tpu.memory_space<vmem>>) dst(%dma_wait3A_70 : memref<10112x32xf32, #tpu.memory_space<vmem_shared>>)
    %dma_wait3A_71 = arith.constant 0 : i32
    %dma_wait3A_72 = arith.constant 0 : i32
    %dma_wait3A_73 = arith.constant 0 : i32
    %dma_wait3A_74 = arith.constant 0 : i32
    %dma_wait3A_75 = tpu.memref_slice %arg9[%dma_wait3A_71, %dma_wait3A_73, %dma_wait3A_74] : memref<5x128x32xf32, #tpu.memory_space<vmem>> -> memref<1x128x32xf32, #tpu.memory_space<vmem>>
    %dma_wait3A_76 = tpu.memref_squeeze %dma_wait3A_75 : memref<1x128x32xf32, #tpu.memory_space<vmem>> -> memref<128x32xf32, #tpu.memory_space<vmem>>
    %dma_wait3A_77 = arith.constant 0 : i32
    %dma_wait3A_78 = tpu.memref_slice %arg8[%dma_wait3A_72, %dma_wait3A_77] : memref<157x128xi32, #tpu.memory_space<vmem>> -> memref<1x128xi32, #tpu.memory_space<vmem>>
    %dma_wait3A_79 = tpu.memref_squeeze %dma_wait3A_78 : memref<1x128xi32, #tpu.memory_space<vmem>> -> memref<128xi32, #tpu.memory_space<vmem>>
    %dma_wait3A_80 = arith.constant 0 : i32
    %dma_wait3A_81 = arith.constant 0 : i32
    %dma_wait3A_82 = tpu.memref_slice %arg10[%dma_wait3A_80, %dma_wait3A_81] : memref<10112x32xf32, #tpu.memory_space<vmem_shared>> -> memref<10112x32xf32, #tpu.memory_space<vmem_shared>>
    tpu.wait_indirect_dma semaphore(%arg12 : memref<!tpu.dma_semaphore, #tpu.memory_space<semaphore_mem>>) src(%dma_wait3A_76 : memref<128x32xf32, #tpu.memory_space<vmem>>) dst(%dma_wait3A_82 : memref<10112x32xf32, #tpu.memory_space<vmem_shared>>)
    %barrier3A_83 = arith.constant 0 : index
    tpu.barrier barrier_id(%barrier3A_83)
    %mul3A_84 = arith.constant 632 : i32
    %mul3A_85 = arith.muli %arg1, %mul3A_84 : i32
    %mul3A_86 = arith.constant 632 : i32
    %mul3A_87 = arith.muli %arg1, %mul3A_86 : i32
    "tpu.region"() ({
      %run_scoped3A = tpu.sem_alloc : memref<!tpu.dma_semaphore, #tpu.memory_space<semaphore_mem>>
      %dma_start3A_88 = arith.constant 0 : i32
      %dma_start3A_89 = tpu.memref_slice %arg6[%arg0, %mul3A_87, %dma_start3A_88] : memref<2x10112x32xf32, #tpu.memory_space<hbm>> -> memref<1x632x32xf32, #tpu.memory_space<hbm>>
      %dma_start3A_90 = tpu.memref_squeeze %dma_start3A_89 : memref<1x632x32xf32, #tpu.memory_space<hbm>> -> memref<632x32xf32, #tpu.memory_space<hbm>>
      %dma_start3A_91 = arith.constant 0 : i32
      %dma_start3A_92 = tpu.memref_slice %arg10[%mul3A_85, %dma_start3A_91] : memref<10112x32xf32, #tpu.memory_space<vmem_shared>> -> memref<632x32xf32, #tpu.memory_space<vmem_shared>>
      tpu.enqueue_dma source(%dma_start3A_92 : memref<632x32xf32, #tpu.memory_space<vmem_shared>>) target(%dma_start3A_90 : memref<632x32xf32, #tpu.memory_space<hbm>>) target_semaphore(%run_scoped3A : memref<!tpu.dma_semaphore, #tpu.memory_space<semaphore_mem>>)
      %dma_wait3A_93 = arith.constant 0 : i32
      %dma_wait3A_94 = tpu.memref_slice %arg6[%arg0, %mul3A_87, %dma_wait3A_93] : memref<2x10112x32xf32, #tpu.memory_space<hbm>> -> memref<1x632x32xf32, #tpu.memory_space<hbm>>
      %dma_wait3A_95 = tpu.memref_squeeze %dma_wait3A_94 : memref<1x632x32xf32, #tpu.memory_space<hbm>> -> memref<632x32xf32, #tpu.memory_space<hbm>>
      %dma_wait3A_96 = arith.constant 0 : i32
      %dma_wait3A_97 = tpu.memref_slice %arg10[%mul3A_85, %dma_wait3A_96] : memref<10112x32xf32, #tpu.memory_space<vmem_shared>> -> memref<632x32xf32, #tpu.memory_space<vmem_shared>>
      tpu.wait_dma2 semaphore(%run_scoped3A : memref<!tpu.dma_semaphore, #tpu.memory_space<semaphore_mem>>) src(%dma_wait3A_97 : memref<632x32xf32, #tpu.memory_space<vmem_shared>>) dst(%dma_wait3A_95 : memref<632x32xf32, #tpu.memory_space<hbm>>)
      tpu.yield
    }) : () -> ()
    return
  }
}

module attributes {stable_mosaic.version = 14 : i64} {
  func.func @body(%arg0: memref<2x10112x16xf32, #tpu.memory_space<vmem>>, %arg1: memref<10000x128xf32, #tpu.memory_space<vmem>>, %arg2: memref<128x128xf32, #tpu.memory_space<vmem>>, %arg3: memref<10112x1xf32, #tpu.memory_space<vmem>>, %arg4: memref<2x10112x64xf32, #tpu.memory_space<vmem>>) attributes {dimension_semantics = [], scalar_prefetch = 0 : i64, scratch_operands = 0 : i64, tpu.core_type = #tpu.core_type<tc>} {
    %get3A = arith.constant 0 : index
    %get3A_0 = arith.constant 0 : index
    %get3A_1 = arith.constant 0 : index
    %get3A_2 = vector.load %arg0[%get3A, %get3A_0, %get3A_1] : memref<2x10112x16xf32, #tpu.memory_space<vmem>>, vector<1x10112x1xf32>
    %get3A_3 = vector.shape_cast %get3A_2 : vector<1x10112x1xf32> to vector<10112xf32>
    %add3A = arith.constant 1.000000e+00 : f32
    %add3A_4 = vector.broadcast %add3A : f32 to vector<10112xf32>
    %add3A_5 = arith.addf %get3A_3, %add3A_4 : vector<10112xf32>
    %rsqrt3A = math.rsqrt %add3A_5 : vector<10112xf32>
    %broadcast_in_dim3A = vector.shape_cast %rsqrt3A : vector<10112xf32> to vector<10112x1xf32>
    %swap3A = arith.constant 0 : index
    %swap3A_6 = arith.constant 0 : index
    %swap3A_7 = vector.load %arg3[%swap3A, %swap3A_6] : memref<10112x1xf32, #tpu.memory_space<vmem>>, vector<10112x1xf32>
    tpu.vector_store %arg3[%swap3A, %swap3A_6], %broadcast_in_dim3A {strides = array<i32>} : memref<10112x1xf32, #tpu.memory_space<vmem>>, vector<10112x1xf32>,
    %get3A_8 = arith.constant 0 : index
    %get3A_9 = arith.constant 0 : index
    %get3A_10 = vector.load %arg1[%get3A_8, %get3A_9] : memref<10000x128xf32, #tpu.memory_space<vmem>>, vector<10000x128xf32>
    %get3A_11 = arith.constant 0 : index
    %get3A_12 = arith.constant 0 : index
    %get3A_13 = vector.load %arg2[%get3A_11, %get3A_12] : memref<128x128xf32, #tpu.memory_space<vmem>>, vector<128x128xf32>
    %dot_general3A = arith.constant dense<0.000000e+00> : vector<10000x128xf32>
    %dot_general3A_14 = tpu.matmul %get3A_10, %get3A_13, %dot_general3A {dimension_numbers = #tpu.dot_dimension_numbers<[1], [0], [0], [1], [0, 0, 1, 1], [], []>, transpose_lhs_hint = false} : vector<10000x128xf32>, vector<128x128xf32>, vector<10000x128xf32> -> vector<10000x128xf32>
    %slice3A = vector.extract_strided_slice %rsqrt3A {offsets = [0], sizes = [10000], strides = [1]} : vector<10112xf32> to vector<10000xf32>
    %broadcast_in_dim3A_15 = vector.shape_cast %slice3A : vector<10000xf32> to vector<10000x1xf32>
    %mul3A = vector.broadcast %broadcast_in_dim3A_15 : vector<10000x1xf32> to vector<10000x128xf32>
    %mul3A_16 = arith.mulf %dot_general3A_14, %mul3A : vector<10000x128xf32>
    %broadcast_in_dim3A_17 = arith.constant 0.000000e+00 : f32
    %broadcast_in_dim3A_18 = vector.broadcast %broadcast_in_dim3A_17 : f32 to vector<112x128xf32>
    %concatenate3A = tpu.concatenate %mul3A_16, %broadcast_in_dim3A_18 in 0 : vector<10000x128xf32>, vector<112x128xf32> -> vector<10112x128xf32>
    %slice3A_19 = vector.extract_strided_slice %concatenate3A {offsets = [0, 0], sizes = [10112, 64], strides = [1, 1]} : vector<10112x128xf32> to vector<10112x64xf32>
    %slice3A_20 = vector.extract_strided_slice %concatenate3A {offsets = [0, 64], sizes = [10112, 64], strides = [1, 1]} : vector<10112x128xf32> to vector<10112x64xf32>
    %stack3A = vector.shape_cast %slice3A_19 : vector<10112x64xf32> to vector<1x10112x64xf32>
    %stack3A_21 = vector.shape_cast %slice3A_20 : vector<10112x64xf32> to vector<1x10112x64xf32>
    %stack3A_22 = tpu.concatenate %stack3A, %stack3A_21 in 0 : vector<1x10112x64xf32>, vector<1x10112x64xf32> -> vector<2x10112x64xf32>
    %swap3A_23 = arith.constant 0 : index
    %swap3A_24 = arith.constant 0 : index
    %swap3A_25 = arith.constant 0 : index
    %swap3A_26 = vector.load %arg4[%swap3A_23, %swap3A_24, %swap3A_25] : memref<2x10112x64xf32, #tpu.memory_space<vmem>>, vector<2x10112x64xf32>
    tpu.vector_store %arg4[%swap3A_23, %swap3A_24, %swap3A_25], %stack3A_22 {strides = array<i32>} : memref<2x10112x64xf32, #tpu.memory_space<vmem>>, vector<2x10112x64xf32>,
    return
  }
}

module attributes {stable_mosaic.version = 14 : i64} {
  func.func @body(%arg0: memref<2x10112x64xf32, #tpu.memory_space<vmem>>, %arg1: memref<2x10112x64xf32, #tpu.memory_space<vmem>>, %arg2: memref<10112x1xf32, #tpu.memory_space<vmem>>, %arg3: memref<128xf32, #tpu.memory_space<vmem>>, %arg4: memref<128xf32, #tpu.memory_space<vmem>>, %arg5: memref<128xf32, #tpu.memory_space<vmem>>, %arg6: memref<128x128xf32, #tpu.memory_space<vmem>>, %arg7: memref<2x10112x64xf32, #tpu.memory_space<vmem>>) attributes {dimension_semantics = [], scalar_prefetch = 0 : i64, scratch_operands = 0 : i64, tpu.core_type = #tpu.core_type<tc>} {
    %get3A = arith.constant 0 : index
    %get3A_0 = arith.constant 0 : index
    %get3A_1 = arith.constant 0 : index
    %get3A_2 = vector.load %arg0[%get3A, %get3A_0, %get3A_1] : memref<2x10112x64xf32, #tpu.memory_space<vmem>>, vector<2x10112x64xf32>
    %get3A_3 = arith.constant 0 : index
    %get3A_4 = arith.constant 0 : index
    %get3A_5 = arith.constant 0 : index
    %get3A_6 = vector.load %arg1[%get3A_3, %get3A_4, %get3A_5] : memref<2x10112x64xf32, #tpu.memory_space<vmem>>, vector<2x10112x64xf32>
    %get3A_7 = arith.constant 0 : index
    %get3A_8 = arith.constant 0 : index
    %get3A_9 = vector.load %arg2[%get3A_7, %get3A_8] : memref<10112x1xf32, #tpu.memory_space<vmem>>, vector<10112x1xf32>
    %slice3A = vector.extract_strided_slice %get3A_2 {offsets = [0, 0, 0], sizes = [1, 10112, 64], strides = [1, 1, 1]} : vector<2x10112x64xf32> to vector<1x10112x64xf32>
    %squeeze3A = vector.shape_cast %slice3A : vector<1x10112x64xf32> to vector<10112x64xf32>
    %slice3A_10 = vector.extract_strided_slice %get3A_6 {offsets = [0, 0, 0], sizes = [1, 10112, 64], strides = [1, 1, 1]} : vector<2x10112x64xf32> to vector<1x10112x64xf32>
    %squeeze3A_11 = vector.shape_cast %slice3A_10 : vector<1x10112x64xf32> to vector<10112x64xf32>
    %add3A = arith.addf %squeeze3A, %squeeze3A_11 : vector<10112x64xf32>
    %slice3A_12 = vector.extract_strided_slice %get3A_2 {offsets = [1, 0, 0], sizes = [1, 10112, 64], strides = [1, 1, 1]} : vector<2x10112x64xf32> to vector<1x10112x64xf32>
    %squeeze3A_13 = vector.shape_cast %slice3A_12 : vector<1x10112x64xf32> to vector<10112x64xf32>
    %slice3A_14 = vector.extract_strided_slice %get3A_6 {offsets = [1, 0, 0], sizes = [1, 10112, 64], strides = [1, 1, 1]} : vector<2x10112x64xf32> to vector<1x10112x64xf32>
    %squeeze3A_15 = vector.shape_cast %slice3A_14 : vector<1x10112x64xf32> to vector<10112x64xf32>
    %add3A_16 = arith.addf %squeeze3A_13, %squeeze3A_15 : vector<10112x64xf32>
    %concatenate3A = tpu.concatenate %add3A, %add3A_16 in 1 : vector<10112x64xf32>, vector<10112x64xf32> -> vector<10112x128xf32>
    %mul3A = vector.broadcast %get3A_9 : vector<10112x1xf32> to vector<10112x128xf32>
    %mul3A_17 = arith.mulf %concatenate3A, %mul3A : vector<10112x128xf32>
    %get3A_18 = arith.constant 0 : index
    %get3A_19 = vector.load %arg3[%get3A_18] : memref<128xf32, #tpu.memory_space<vmem>>, vector<128xf32>
    %broadcast_in_dim3A = vector.shape_cast %get3A_19 : vector<128xf32> to vector<1x128xf32>
    %add3A_20 = vector.broadcast %broadcast_in_dim3A : vector<1x128xf32> to vector<10112x128xf32>
    %add3A_21 = arith.addf %mul3A_17, %add3A_20 : vector<10112x128xf32>
    %iota3A = tpu.iota {dimensions = array<i32: 0>} : vector<10112x1xi32>
    %lt3A = arith.constant 10000 : i32
    %lt3A_22 = vector.broadcast %lt3A : i32 to vector<10112x1xi32>
    %lt3A_23 = arith.cmpi slt, %iota3A, %lt3A_22 : vector<10112x1xi32>
    %jit3A = arith.constant 0.000000e+00 : f32
    %broadcast_in_dim3A_24 = vector.shape_cast %lt3A_23 : vector<10112x1xi1> to vector<10112x1xi1>
    %broadcast_in_dim3A_25 = vector.broadcast %broadcast_in_dim3A_24 : vector<10112x1xi1> to vector<10112x128xi1>
    %broadcast_in_dim3A_26 = vector.broadcast %jit3A : f32 to vector<10112x128xf32>
    %select_n3A = arith.select %broadcast_in_dim3A_25, %add3A_21, %broadcast_in_dim3A_26 : vector<10112x128xi1>, vector<10112x128xf32>
    %reduce_sum3A = arith.constant dense<0.000000e+00> : vector<128xf32>
    %reduce_sum3A_27 = vector.multi_reduction <add>, %select_n3A, %reduce_sum3A [0] : vector<10112x128xf32> to vector<128xf32>
    %broadcast_in_dim3A_28 = vector.shape_cast %reduce_sum3A_27 : vector<128xf32> to vector<1x128xf32>
    %div3A = arith.constant 1.000000e+04 : f32
    %div3A_29 = vector.broadcast %div3A : f32 to vector<1x128xf32>
    %div3A_30 = arith.divf %broadcast_in_dim3A_28, %div3A_29 : vector<1x128xf32>
    %mul3A_31 = arith.mulf %select_n3A, %select_n3A : vector<10112x128xf32>
    %reduce_sum3A_32 = arith.constant dense<0.000000e+00> : vector<128xf32>
    %reduce_sum3A_33 = vector.multi_reduction <add>, %mul3A_31, %reduce_sum3A_32 [0] : vector<10112x128xf32> to vector<128xf32>
    %broadcast_in_dim3A_34 = vector.shape_cast %reduce_sum3A_33 : vector<128xf32> to vector<1x128xf32>
    %div3A_35 = arith.constant 1.000000e+04 : f32
    %div3A_36 = vector.broadcast %div3A_35 : f32 to vector<1x128xf32>
    %div3A_37 = arith.divf %broadcast_in_dim3A_34, %div3A_36 : vector<1x128xf32>
    %mul3A_38 = arith.mulf %div3A_30, %div3A_30 : vector<1x128xf32>
    %sub3A = arith.subf %div3A_37, %mul3A_38 : vector<1x128xf32>
    %sub3A_39 = vector.broadcast %div3A_30 : vector<1x128xf32> to vector<10112x128xf32>
    %sub3A_40 = arith.subf %select_n3A, %sub3A_39 : vector<10112x128xf32>
    %add3A_41 = arith.constant 9.99999974E-6 : f32
    %add3A_42 = vector.broadcast %add3A_41 : f32 to vector<1x128xf32>
    %add3A_43 = arith.addf %sub3A, %add3A_42 : vector<1x128xf32>
    %rsqrt3A = math.rsqrt %add3A_43 : vector<1x128xf32>
    %mul3A_44 = vector.broadcast %rsqrt3A : vector<1x128xf32> to vector<10112x128xf32>
    %mul3A_45 = arith.mulf %sub3A_40, %mul3A_44 : vector<10112x128xf32>
    %get3A_46 = arith.constant 0 : index
    %get3A_47 = vector.load %arg4[%get3A_46] : memref<128xf32, #tpu.memory_space<vmem>>, vector<128xf32>
    %broadcast_in_dim3A_48 = vector.shape_cast %get3A_47 : vector<128xf32> to vector<1x128xf32>
    %mul3A_49 = vector.broadcast %broadcast_in_dim3A_48 : vector<1x128xf32> to vector<10112x128xf32>
    %mul3A_50 = arith.mulf %mul3A_45, %mul3A_49 : vector<10112x128xf32>
    %get3A_51 = arith.constant 0 : index
    %get3A_52 = vector.load %arg5[%get3A_51] : memref<128xf32, #tpu.memory_space<vmem>>, vector<128xf32>
    %broadcast_in_dim3A_53 = vector.shape_cast %get3A_52 : vector<128xf32> to vector<1x128xf32>
    %add3A_54 = vector.broadcast %broadcast_in_dim3A_53 : vector<1x128xf32> to vector<10112x128xf32>
    %add3A_55 = arith.addf %mul3A_50, %add3A_54 : vector<10112x128xf32>
    %max3A = arith.constant 0.000000e+00 : f32
    %max3A_56 = vector.broadcast %max3A : f32 to vector<10112x128xf32>
    %max3A_57 = arith.maximumf %add3A_55, %max3A_56 : vector<10112x128xf32>
    %jit3A_58 = arith.constant 0.000000e+00 : f32
    %broadcast_in_dim3A_59 = vector.shape_cast %lt3A_23 : vector<10112x1xi1> to vector<10112x1xi1>
    %broadcast_in_dim3A_60 = vector.broadcast %broadcast_in_dim3A_59 : vector<10112x1xi1> to vector<10112x128xi1>
    %broadcast_in_dim3A_61 = vector.broadcast %jit3A_58 : f32 to vector<10112x128xf32>
    %select_n3A_62 = arith.select %broadcast_in_dim3A_60, %max3A_57, %broadcast_in_dim3A_61 : vector<10112x128xi1>, vector<10112x128xf32>
    %get3A_63 = arith.constant 0 : index
    %get3A_64 = arith.constant 0 : index
    %get3A_65 = vector.load %arg6[%get3A_63, %get3A_64] : memref<128x128xf32, #tpu.memory_space<vmem>>, vector<128x128xf32>
    %dot_general3A = arith.constant dense<0.000000e+00> : vector<10112x128xf32>
    %dot_general3A_66 = tpu.matmul %select_n3A_62, %get3A_65, %dot_general3A {dimension_numbers = #tpu.dot_dimension_numbers<[1], [0], [0], [1], [0, 0, 1, 1], [], []>, transpose_lhs_hint = false} : vector<10112x128xf32>, vector<128x128xf32>, vector<10112x128xf32> -> vector<10112x128xf32>
    %mul3A_67 = vector.broadcast %get3A_9 : vector<10112x1xf32> to vector<10112x128xf32>
    %mul3A_68 = arith.mulf %dot_general3A_66, %mul3A_67 : vector<10112x128xf32>
    %slice3A_69 = vector.extract_strided_slice %mul3A_68 {offsets = [0, 0], sizes = [10112, 64], strides = [1, 1]} : vector<10112x128xf32> to vector<10112x64xf32>
    %slice3A_70 = vector.extract_strided_slice %mul3A_68 {offsets = [0, 64], sizes = [10112, 64], strides = [1, 1]} : vector<10112x128xf32> to vector<10112x64xf32>
    %stack3A = vector.shape_cast %slice3A_69 : vector<10112x64xf32> to vector<1x10112x64xf32>
    %stack3A_71 = vector.shape_cast %slice3A_70 : vector<10112x64xf32> to vector<1x10112x64xf32>
    %stack3A_72 = tpu.concatenate %stack3A, %stack3A_71 in 0 : vector<1x10112x64xf32>, vector<1x10112x64xf32> -> vector<2x10112x64xf32>
    %swap3A = arith.constant 0 : index
    %swap3A_73 = arith.constant 0 : index
    %swap3A_74 = arith.constant 0 : index
    %swap3A_75 = vector.load %arg7[%swap3A, %swap3A_73, %swap3A_74] : memref<2x10112x64xf32, #tpu.memory_space<vmem>>, vector<2x10112x64xf32>
    tpu.vector_store %arg7[%swap3A, %swap3A_73, %swap3A_74], %stack3A_72 {strides = array<i32>} : memref<2x10112x64xf32, #tpu.memory_space<vmem>>, vector<2x10112x64xf32>,
    return
  }
}

module attributes {stable_mosaic.version = 14 : i64} {
  func.func @body(%arg0: memref<2x10112x64xf32, #tpu.memory_space<vmem>>, %arg1: memref<2x10112x64xf32, #tpu.memory_space<vmem>>, %arg2: memref<10112x1xf32, #tpu.memory_space<vmem>>, %arg3: memref<128xf32, #tpu.memory_space<vmem>>, %arg4: memref<128xf32, #tpu.memory_space<vmem>>, %arg5: memref<128xf32, #tpu.memory_space<vmem>>, %arg6: memref<128x64xf32, #tpu.memory_space<vmem>>, %arg7: memref<2x10112x32xf32, #tpu.memory_space<vmem>>) attributes {dimension_semantics = [], scalar_prefetch = 0 : i64, scratch_operands = 0 : i64, tpu.core_type = #tpu.core_type<tc>} {
    %get3A = arith.constant 0 : index
    %get3A_0 = arith.constant 0 : index
    %get3A_1 = arith.constant 0 : index
    %get3A_2 = vector.load %arg0[%get3A, %get3A_0, %get3A_1] : memref<2x10112x64xf32, #tpu.memory_space<vmem>>, vector<2x10112x64xf32>
    %get3A_3 = arith.constant 0 : index
    %get3A_4 = arith.constant 0 : index
    %get3A_5 = arith.constant 0 : index
    %get3A_6 = vector.load %arg1[%get3A_3, %get3A_4, %get3A_5] : memref<2x10112x64xf32, #tpu.memory_space<vmem>>, vector<2x10112x64xf32>
    %get3A_7 = arith.constant 0 : index
    %get3A_8 = arith.constant 0 : index
    %get3A_9 = vector.load %arg2[%get3A_7, %get3A_8] : memref<10112x1xf32, #tpu.memory_space<vmem>>, vector<10112x1xf32>
    %slice3A = vector.extract_strided_slice %get3A_2 {offsets = [0, 0, 0], sizes = [1, 10112, 64], strides = [1, 1, 1]} : vector<2x10112x64xf32> to vector<1x10112x64xf32>
    %squeeze3A = vector.shape_cast %slice3A : vector<1x10112x64xf32> to vector<10112x64xf32>
    %slice3A_10 = vector.extract_strided_slice %get3A_6 {offsets = [0, 0, 0], sizes = [1, 10112, 64], strides = [1, 1, 1]} : vector<2x10112x64xf32> to vector<1x10112x64xf32>
    %squeeze3A_11 = vector.shape_cast %slice3A_10 : vector<1x10112x64xf32> to vector<10112x64xf32>
    %add3A = arith.addf %squeeze3A, %squeeze3A_11 : vector<10112x64xf32>
    %slice3A_12 = vector.extract_strided_slice %get3A_2 {offsets = [1, 0, 0], sizes = [1, 10112, 64], strides = [1, 1, 1]} : vector<2x10112x64xf32> to vector<1x10112x64xf32>
    %squeeze3A_13 = vector.shape_cast %slice3A_12 : vector<1x10112x64xf32> to vector<10112x64xf32>
    %slice3A_14 = vector.extract_strided_slice %get3A_6 {offsets = [1, 0, 0], sizes = [1, 10112, 64], strides = [1, 1, 1]} : vector<2x10112x64xf32> to vector<1x10112x64xf32>
    %squeeze3A_15 = vector.shape_cast %slice3A_14 : vector<1x10112x64xf32> to vector<10112x64xf32>
    %add3A_16 = arith.addf %squeeze3A_13, %squeeze3A_15 : vector<10112x64xf32>
    %concatenate3A = tpu.concatenate %add3A, %add3A_16 in 1 : vector<10112x64xf32>, vector<10112x64xf32> -> vector<10112x128xf32>
    %mul3A = vector.broadcast %get3A_9 : vector<10112x1xf32> to vector<10112x128xf32>
    %mul3A_17 = arith.mulf %concatenate3A, %mul3A : vector<10112x128xf32>
    %get3A_18 = arith.constant 0 : index
    %get3A_19 = vector.load %arg3[%get3A_18] : memref<128xf32, #tpu.memory_space<vmem>>, vector<128xf32>
    %broadcast_in_dim3A = vector.shape_cast %get3A_19 : vector<128xf32> to vector<1x128xf32>
    %add3A_20 = vector.broadcast %broadcast_in_dim3A : vector<1x128xf32> to vector<10112x128xf32>
    %add3A_21 = arith.addf %mul3A_17, %add3A_20 : vector<10112x128xf32>
    %iota3A = tpu.iota {dimensions = array<i32: 0>} : vector<10112x1xi32>
    %lt3A = arith.constant 10000 : i32
    %lt3A_22 = vector.broadcast %lt3A : i32 to vector<10112x1xi32>
    %lt3A_23 = arith.cmpi slt, %iota3A, %lt3A_22 : vector<10112x1xi32>
    %jit3A = arith.constant 0.000000e+00 : f32
    %broadcast_in_dim3A_24 = vector.shape_cast %lt3A_23 : vector<10112x1xi1> to vector<10112x1xi1>
    %broadcast_in_dim3A_25 = vector.broadcast %broadcast_in_dim3A_24 : vector<10112x1xi1> to vector<10112x128xi1>
    %broadcast_in_dim3A_26 = vector.broadcast %jit3A : f32 to vector<10112x128xf32>
    %select_n3A = arith.select %broadcast_in_dim3A_25, %add3A_21, %broadcast_in_dim3A_26 : vector<10112x128xi1>, vector<10112x128xf32>
    %reduce_sum3A = arith.constant dense<0.000000e+00> : vector<128xf32>
    %reduce_sum3A_27 = vector.multi_reduction <add>, %select_n3A, %reduce_sum3A [0] : vector<10112x128xf32> to vector<128xf32>
    %broadcast_in_dim3A_28 = vector.shape_cast %reduce_sum3A_27 : vector<128xf32> to vector<1x128xf32>
    %div3A = arith.constant 1.000000e+04 : f32
    %div3A_29 = vector.broadcast %div3A : f32 to vector<1x128xf32>
    %div3A_30 = arith.divf %broadcast_in_dim3A_28, %div3A_29 : vector<1x128xf32>
    %mul3A_31 = arith.mulf %select_n3A, %select_n3A : vector<10112x128xf32>
    %reduce_sum3A_32 = arith.constant dense<0.000000e+00> : vector<128xf32>
    %reduce_sum3A_33 = vector.multi_reduction <add>, %mul3A_31, %reduce_sum3A_32 [0] : vector<10112x128xf32> to vector<128xf32>
    %broadcast_in_dim3A_34 = vector.shape_cast %reduce_sum3A_33 : vector<128xf32> to vector<1x128xf32>
    %div3A_35 = arith.constant 1.000000e+04 : f32
    %div3A_36 = vector.broadcast %div3A_35 : f32 to vector<1x128xf32>
    %div3A_37 = arith.divf %broadcast_in_dim3A_34, %div3A_36 : vector<1x128xf32>
    %mul3A_38 = arith.mulf %div3A_30, %div3A_30 : vector<1x128xf32>
    %sub3A = arith.subf %div3A_37, %mul3A_38 : vector<1x128xf32>
    %sub3A_39 = vector.broadcast %div3A_30 : vector<1x128xf32> to vector<10112x128xf32>
    %sub3A_40 = arith.subf %select_n3A, %sub3A_39 : vector<10112x128xf32>
    %add3A_41 = arith.constant 9.99999974E-6 : f32
    %add3A_42 = vector.broadcast %add3A_41 : f32 to vector<1x128xf32>
    %add3A_43 = arith.addf %sub3A, %add3A_42 : vector<1x128xf32>
    %rsqrt3A = math.rsqrt %add3A_43 : vector<1x128xf32>
    %mul3A_44 = vector.broadcast %rsqrt3A : vector<1x128xf32> to vector<10112x128xf32>
    %mul3A_45 = arith.mulf %sub3A_40, %mul3A_44 : vector<10112x128xf32>
    %get3A_46 = arith.constant 0 : index
    %get3A_47 = vector.load %arg4[%get3A_46] : memref<128xf32, #tpu.memory_space<vmem>>, vector<128xf32>
    %broadcast_in_dim3A_48 = vector.shape_cast %get3A_47 : vector<128xf32> to vector<1x128xf32>
    %mul3A_49 = vector.broadcast %broadcast_in_dim3A_48 : vector<1x128xf32> to vector<10112x128xf32>
    %mul3A_50 = arith.mulf %mul3A_45, %mul3A_49 : vector<10112x128xf32>
    %get3A_51 = arith.constant 0 : index
    %get3A_52 = vector.load %arg5[%get3A_51] : memref<128xf32, #tpu.memory_space<vmem>>, vector<128xf32>
    %broadcast_in_dim3A_53 = vector.shape_cast %get3A_52 : vector<128xf32> to vector<1x128xf32>
    %add3A_54 = vector.broadcast %broadcast_in_dim3A_53 : vector<1x128xf32> to vector<10112x128xf32>
    %add3A_55 = arith.addf %mul3A_50, %add3A_54 : vector<10112x128xf32>
    %max3A = arith.constant 0.000000e+00 : f32
    %max3A_56 = vector.broadcast %max3A : f32 to vector<10112x128xf32>
    %max3A_57 = arith.maximumf %add3A_55, %max3A_56 : vector<10112x128xf32>
    %jit3A_58 = arith.constant 0.000000e+00 : f32
    %broadcast_in_dim3A_59 = vector.shape_cast %lt3A_23 : vector<10112x1xi1> to vector<10112x1xi1>
    %broadcast_in_dim3A_60 = vector.broadcast %broadcast_in_dim3A_59 : vector<10112x1xi1> to vector<10112x128xi1>
    %broadcast_in_dim3A_61 = vector.broadcast %jit3A_58 : f32 to vector<10112x128xf32>
    %select_n3A_62 = arith.select %broadcast_in_dim3A_60, %max3A_57, %broadcast_in_dim3A_61 : vector<10112x128xi1>, vector<10112x128xf32>
    %get3A_63 = arith.constant 0 : index
    %get3A_64 = arith.constant 0 : index
    %get3A_65 = vector.load %arg6[%get3A_63, %get3A_64] : memref<128x64xf32, #tpu.memory_space<vmem>>, vector<128x64xf32>
    %dot_general3A = arith.constant dense<0.000000e+00> : vector<10112x64xf32>
    %dot_general3A_66 = tpu.matmul %select_n3A_62, %get3A_65, %dot_general3A {dimension_numbers = #tpu.dot_dimension_numbers<[1], [0], [0], [1], [0, 0, 1, 1], [], []>, transpose_lhs_hint = false} : vector<10112x128xf32>, vector<128x64xf32>, vector<10112x64xf32> -> vector<10112x64xf32>
    %mul3A_67 = vector.broadcast %get3A_9 : vector<10112x1xf32> to vector<10112x64xf32>
    %mul3A_68 = arith.mulf %dot_general3A_66, %mul3A_67 : vector<10112x64xf32>
    %slice3A_69 = vector.extract_strided_slice %mul3A_68 {offsets = [0, 0], sizes = [10112, 32], strides = [1, 1]} : vector<10112x64xf32> to vector<10112x32xf32>
    %slice3A_70 = vector.extract_strided_slice %mul3A_68 {offsets = [0, 32], sizes = [10112, 32], strides = [1, 1]} : vector<10112x64xf32> to vector<10112x32xf32>
    %stack3A = vector.shape_cast %slice3A_69 : vector<10112x32xf32> to vector<1x10112x32xf32>
    %stack3A_71 = vector.shape_cast %slice3A_70 : vector<10112x32xf32> to vector<1x10112x32xf32>
    %stack3A_72 = tpu.concatenate %stack3A, %stack3A_71 in 0 : vector<1x10112x32xf32>, vector<1x10112x32xf32> -> vector<2x10112x32xf32>
    %swap3A = arith.constant 0 : index
    %swap3A_73 = arith.constant 0 : index
    %swap3A_74 = arith.constant 0 : index
    %swap3A_75 = vector.load %arg7[%swap3A, %swap3A_73, %swap3A_74] : memref<2x10112x32xf32, #tpu.memory_space<vmem>>, vector<2x10112x32xf32>
    tpu.vector_store %arg7[%swap3A, %swap3A_73, %swap3A_74], %stack3A_72 {strides = array<i32>} : memref<2x10112x32xf32, #tpu.memory_space<vmem>>, vector<2x10112x32xf32>,
    return
  }
}

module attributes {stable_mosaic.version = 14 : i64} {
  func.func @body(%arg0: memref<2x10112x32xf32, #tpu.memory_space<vmem>>, %arg1: memref<2x10112x32xf32, #tpu.memory_space<vmem>>, %arg2: memref<10112x1xf32, #tpu.memory_space<vmem>>, %arg3: memref<64xf32, #tpu.memory_space<vmem>>, %arg4: memref<10112x64xf32, #tpu.memory_space<vmem>>) attributes {dimension_semantics = [], scalar_prefetch = 0 : i64, scratch_operands = 0 : i64, tpu.core_type = #tpu.core_type<tc>} {
    %get3A = arith.constant 0 : index
    %get3A_0 = arith.constant 0 : index
    %get3A_1 = arith.constant 0 : index
    %get3A_2 = vector.load %arg0[%get3A, %get3A_0, %get3A_1] : memref<2x10112x32xf32, #tpu.memory_space<vmem>>, vector<2x10112x32xf32>
    %get3A_3 = arith.constant 0 : index
    %get3A_4 = arith.constant 0 : index
    %get3A_5 = arith.constant 0 : index
    %get3A_6 = vector.load %arg1[%get3A_3, %get3A_4, %get3A_5] : memref<2x10112x32xf32, #tpu.memory_space<vmem>>, vector<2x10112x32xf32>
    %slice3A = vector.extract_strided_slice %get3A_2 {offsets = [0, 0, 0], sizes = [1, 10112, 32], strides = [1, 1, 1]} : vector<2x10112x32xf32> to vector<1x10112x32xf32>
    %squeeze3A = vector.shape_cast %slice3A : vector<1x10112x32xf32> to vector<10112x32xf32>
    %slice3A_7 = vector.extract_strided_slice %get3A_6 {offsets = [0, 0, 0], sizes = [1, 10112, 32], strides = [1, 1, 1]} : vector<2x10112x32xf32> to vector<1x10112x32xf32>
    %squeeze3A_8 = vector.shape_cast %slice3A_7 : vector<1x10112x32xf32> to vector<10112x32xf32>
    %add3A = arith.addf %squeeze3A, %squeeze3A_8 : vector<10112x32xf32>
    %slice3A_9 = vector.extract_strided_slice %get3A_2 {offsets = [1, 0, 0], sizes = [1, 10112, 32], strides = [1, 1, 1]} : vector<2x10112x32xf32> to vector<1x10112x32xf32>
    %squeeze3A_10 = vector.shape_cast %slice3A_9 : vector<1x10112x32xf32> to vector<10112x32xf32>
    %slice3A_11 = vector.extract_strided_slice %get3A_6 {offsets = [1, 0, 0], sizes = [1, 10112, 32], strides = [1, 1, 1]} : vector<2x10112x32xf32> to vector<1x10112x32xf32>
    %squeeze3A_12 = vector.shape_cast %slice3A_11 : vector<1x10112x32xf32> to vector<10112x32xf32>
    %add3A_13 = arith.addf %squeeze3A_10, %squeeze3A_12 : vector<10112x32xf32>
    %concatenate3A = tpu.concatenate %add3A, %add3A_13 in 1 : vector<10112x32xf32>, vector<10112x32xf32> -> vector<10112x64xf32>
    %get3A_14 = arith.constant 0 : index
    %get3A_15 = arith.constant 0 : index
    %get3A_16 = vector.load %arg2[%get3A_14, %get3A_15] : memref<10112x1xf32, #tpu.memory_space<vmem>>, vector<10112x1xf32>
    %mul3A = vector.broadcast %get3A_16 : vector<10112x1xf32> to vector<10112x64xf32>
    %mul3A_17 = arith.mulf %concatenate3A, %mul3A : vector<10112x64xf32>
    %get3A_18 = arith.constant 0 : index
    %get3A_19 = vector.load %arg3[%get3A_18] : memref<64xf32, #tpu.memory_space<vmem>>, vector<64xf32>
    %broadcast_in_dim3A = vector.shape_cast %get3A_19 : vector<64xf32> to vector<1x64xf32>
    %add3A_20 = vector.broadcast %broadcast_in_dim3A : vector<1x64xf32> to vector<10112x64xf32>
    %add3A_21 = arith.addf %mul3A_17, %add3A_20 : vector<10112x64xf32>
    %swap3A = arith.constant 0 : index
    %swap3A_22 = arith.constant 0 : index
    %swap3A_23 = vector.load %arg4[%swap3A, %swap3A_22] : memref<10112x64xf32, #tpu.memory_space<vmem>>, vector<10112x64xf32>
    tpu.vector_store %arg4[%swap3A, %swap3A_22], %add3A_21 {strides = array<i32>} : memref<10112x64xf32, #tpu.memory_space<vmem>>, vector<10112x64xf32>,
    return
  }
}

</mosaic_0001>

<sc_bundles>
// kernel: kernel.12.cloned.1.call-start
scs
__scs_entry_jumppad:
0x0: {  	(pc) =	sbr.rel $0x88, $3  }
0x1: {  	(tag) =	ssettag $0x0;
	lr =	simm.s32 $0x1  }
0x2: {  	[smem:$0x3F91] =	sst lr;
	_ =	strace $0xD0000000  }
0x3: {  	_ = 	snop  }
0x4: {  	_ = 	snop  }
0x5: {  	_ = 	snop  }
0x6: {  	_ = 	snop  }
0x7: {  	_ = 	snop  }
__scs_overlays_trampoline_lowered:
0x8: {  	[smem:$0x3FA0] =	sst s0  }
0x9: {  	[smem:$0x3FA1] =	sst s1  }
0xa: {  	[smem:$0x3FA2] =	sst s2  }
0xb: {  	[smem:$0x3FA3] =	sst s3  }
0xc: {  	[smem:$0x3FA4] =	sst s4  }
0xd: {  	[smem:$0x3FA5] =	sst s5  }
0xe: {  	[smem:$0x3FA6] =	sst s6  }
0xf: {  	[smem:$0x3FA7] =	sst s7  }
0x10: {  	[smem:$0x3FA8] =	sst s8  }
0x11: {  	[smem:$0x3FA9] =	sst s9;
	s0 =	simm.s32 @!p0 $0x0  }
0x12: {  	s1 =	sld [smem:$0x3F8F];
	s0 =	simm.s32 @p0 $0x1  }
0x13: {  	[smem:$0x3FAA] =	sst s0;
	s0 =	simm.s32 @!p1 $0x0  }
0x14: {  	s2 =	sld [smem:$0x3F8E];
	s0 =	simm.s32 @p1 $0x1  }
0x15: {  	[smem:$0x3FAB] =	sst s0;
	s0 =	simm.s32 @!p2 $0x0  }
0x16: {  	s3 =	sld [smem:$0x3FDB];
	s0 =	simm.s32 @p2 $0x1  }
0x17: {  	s4 =	simm.s32 $0x1BF5;
	[smem:$0x3FAD] =	sst s0  }
0x18: {  	s0 =	sld [smem:$0x3F90];
	_ =	swait.ge [sflag:s4], $0x0  }
0x19: {  	s7 =	sld [smem:$0x3F91]  }
0x1a: {  	s8 =	sadd.s32 $0xFFFFE003, lr  }
0x1b: {  	s9 =	sadd.s32 $0xFFFFFEF7, lr;
	s5 =	simm.s32 $0xFFFFFFFF;
	p2 =	slt.u32 s8, $0xFFFFF086  }
0x1c: {  	p1 =	slt.u32 s9, $0xF7A;
	s5 =	simm.s32 @!p2 $0x0  }
0x1d: {  	s5 =	simm.s32 @p1 $0x1;
	p0 =	seq.s32 s7, s2  }
0x1e: {  	s7 =	smul.u32 @!p0 $0xF7A, s2;
	p2 =	seq.s32 @!p0 s5, $0x0  }
0x1f: {  	s9 =	smul.u32 $0xF7A, s1;
	s8 =	simm.s32 @!p0 $0x1BF5;
	p2 =	por !p2, p0  }
0x20: {  	[sflag:s8] =	ssyncset.s32 @!p0 $0xFFFFF086;
	s6 =	sadd.s32 @!p0 s3, s7;
	s7 =	simm.s32 @!p0 $0x108  }
0x21: {  	s3 =	sadd.s32 s3, s9;
	s6 =	sadd.s32 @!p0 $0x88, s6;
	s7 =	simm.s32 @p2 $0x1082  }
0x22: {  	[simem:s7], [sflag:s8] =	dma.local @!p0 [hbm:s6], $0xF7A  }
0x23: {  	s9 =	sor.u32 $0xD0000000, s2;
	s6 =	simm.s32 $0x108;
	_ =	swait.ge @!p0 [sflag:s8], $0x0  }
0x24: {  	s3 =	sadd.s32 $0x88, s3;
	s6 =	simm.s32 @!p1 $0x1082;
	[sflag:s4] =	ssyncset.s32 $0xFFFFF086  }
0x25: {  	[simem:s6], [sflag:s4] =	dma.local [hbm:s3], $0xF7A  }
0x26: {  	[smem:$0x3F91] =	sst s1;
	(tag) =	ssettag s2;
	_ =	strace s9  }
0x27: {  	s1 =	sld [smem:$0x3FA1]  }
0x28: {  	s2 =	sld [smem:$0x3FA2]  }
0x29: {  	s4 =	sld [smem:$0x3FA4]  }
0x2a: {  	p0 =	seq.s32 s5, $0x0;
	s5 =	sld [smem:$0x3FA5]  }
0x2b: {  	s6 =	sld [smem:$0x3FA6]  }
0x2c: {  	s7 =	sld [smem:$0x3FA7]  }
0x2d: {  	s3 =	simm.s32 $0x108;
	s8 =	sld [smem:$0x3FA8]  }
0x2e: {  	s3 =	simm.s32 @!p0 $0x1082;
	s9 =	sld [smem:$0x3FA9]  }
0x2f: {  	lr =	sadd.s32 s0, s3;
	s0 =	sld [smem:$0x3FA0]  }
0x30: {  	s3 =	sld [smem:$0x3FA3]  }
0x31: {  	[smem:$0x3FAC] =	sst s10  }
0x32: {  	s10 =	sld [smem:$0x3FAA];
	_ =	sdelay $0x3  }
0x33: {  	p0 =	seq.s32 s10, $0x1;
	s10 =	sld [smem:$0x3FAC];
	_ =	sdelay $0x3  }
0x34: {  	[smem:$0x3FAC] =	sst s10  }
0x35: {  	s10 =	sld [smem:$0x3FAB];
	_ =	sdelay $0x3  }
0x36: {  	p1 =	seq.s32 s10, $0x1;
	s10 =	sld [smem:$0x3FAC];
	_ =	sdelay $0x3  }
0x37: {  	[smem:$0x3FAC] =	sst s10  }
0x38: {  	s10 =	sld [smem:$0x3FAD]  }
0x39: {  	_ = 	snop;
	(pc) =	sbr.ind lr, $3  }
0x3a: {  	_ = 	snop  }
0x3b: {  	_ = 	snop  }
0x3c: {  	p2 =	seq.s32 s10, $0x1;
	s10 =	sld [smem:$0x3FAC]  }
0x3d: {  	_ =	shalt  }
0x3e: {  	_ =	shalt  }
0x3f: {  	_ =	shalt  }
0x40: {  	_ =	shalt  }
0x41: {  	_ =	shalt  }
0x42: {  	_ =	shalt  }
0x43: {  	_ =	shalt  }
0x44: {  	_ =	shalt  }
0x45: {  	_ =	shalt  }
0x46: {  	_ =	shalt  }
0x47: {  	_ =	shalt  }
0x48: {  	_ =	shalt  }
0x49: {  	_ =	shalt  }
0x4a: {  	_ =	shalt  }
0x4b: {  	_ =	shalt  }
0x4c: {  	_ =	shalt  }
0x4d: {  	_ =	shalt  }
0x4e: {  	_ =	shalt  }
0x4f: {  	_ =	shalt  }
0x50: {  	_ =	shalt  }
0x51: {  	_ =	shalt  }
0x52: {  	_ =	shalt  }
0x53: {  	_ =	shalt  }
0x54: {  	_ =	shalt  }
0x55: {  	_ =	shalt  }
0x56: {  	_ =	shalt  }
0x57: {  	_ =	shalt  }
0x58: {  	_ =	shalt  }
0x59: {  	_ =	shalt  }
0x5a: {  	_ =	shalt  }
0x5b: {  	_ =	shalt  }
0x5c: {  	_ =	shalt  }
0x5d: {  	_ =	shalt  }
0x5e: {  	_ =	shalt  }
0x5f: {  	_ =	shalt  }
0x60: {  	_ =	shalt  }
0x61: {  	_ =	shalt  }
0x62: {  	_ =	shalt  }
0x63: {  	_ =	shalt  }
0x64: {  	_ =	shalt  }
0x65: {  	_ =	shalt  }
0x66: {  	_ =	shalt  }
0x67: {  	_ =	shalt  }
0x68: {  	_ =	shalt  }
0x69: {  	_ =	shalt  }
0x6a: {  	_ =	shalt  }
0x6b: {  	_ =	shalt  }
0x6c: {  	_ =	shalt  }
0x6d: {  	_ =	shalt  }
0x6e: {  	_ =	shalt  }
0x6f: {  	_ =	shalt  }
0x70: {  	_ =	shalt  }
0x71: {  	_ =	shalt  }
0x72: {  	_ =	shalt  }
0x73: {  	_ =	shalt  }
0x74: {  	_ =	shalt  }
0x75: {  	_ =	shalt  }
0x76: {  	_ =	shalt  }
0x77: {  	_ =	shalt  }
0x78: {  	_ =	shalt  }
0x79: {  	_ =	shalt  }
0x7a: {  	_ =	shalt  }
0x7b: {  	_ =	shalt  }
0x7c: {  	_ =	shalt  }
0x7d: {  	_ =	shalt  }
0x7e: {  	_ =	shalt  }
0x7f: {  	_ =	shalt  }
0x80: {  	_ =	shalt  }
0x81: {  	_ =	shalt  }
0x82: {  	_ =	shalt  }
0x83: {  	_ =	shalt  }
0x84: {  	_ =	shalt  }
0x85: {  	_ =	shalt  }
0x86: {  	_ =	shalt  }
0x87: {  	_ =	shalt  }
.Lfunc_end0:
.L_simem_size_0:
called_computation_lowered:
.L_overlay_start_0:
0x88: {  	s2 =	sld [smem:$0x3FD9]  }
0x89: {  	s3 =	sld [smem:$0x3FFE];
	_ =	sdelay $0x1  }
0x8a: {  	s1 =	srdreg.scid  }
0x8b: {  	s0 =	sand.u32 $0x1, s1  }
0x8c: {  	s17 =	sshll.u32 s0, $0xA;
	s2 =	sadd.s32 s3, s2  }
0x8d: {  	s2 =	sadd.s32 s2, s17  }
0x8e: {  	[smem:$0x3FB8] =	sst s2  }
0x8f: {  	_ = 	snop  }
0x90: {  	s2 =	sld [smem:$0x3FD0];
	(tm) =	ssettm $0x1  }
0x91: {  	s18 =	sld [smem:$0x3FFB];
	_ =	sdelay $0x3  }
0x92: {  	_ =	strace s18  }
0x93: {  	s3 =	sld [smem:$0x3FFC];
	_ =	sdelay $0x3  }
0x94: {  	_ =	strace s3  }
0x95: {  	s3 =	sld [smem:$0x3FFD];
	_ =	sdelay $0x3  }
0x96: {  	_ =	strace s3  }
0x97: {  	_ =	strace $0x8FFFFFFF  }
0x98: {  	s19 =	sld [smem:$0x3FDB];
	_ =	sdelay $0x1  }
0x99: {  	s4 =	simm.s32 $_scs_section_size  }
0x9a: {  	s5 =	simm.s32 $_size__tile_overlayer_lowered;
	s6 =	simm.s32 $_tile_overlayer_lowered  }
0x9b: {  	s22 =	simm.s32 $0x1BFF;
	s21 =	sshll.u32 s6, $0x1;
	s3 =	sadd.s32 s4, s19  }
0x9c: {  	s7 =	simm.s32 $0x0;
	s20 =	sshll.u32 s5, $0x1;
	s5 =	sadd.s32 s21, s3  }
0x9d: {  	[timem:s7], [sflag:s22] =	dma.local [hbm:s5], s20  }
0x9e: {  	_ =	swait.ge [sflag:s22], s20  }
0x9f: {  	s4 =	ssub.s32 $0x0, s20;
	[sflag:s22] =	ssyncset.done $0x0  }
0xa0: {  	[sflag:s22] =	ssyncadd.s32 s4;
	_ =	sdelay $0x1  }
0xa1: {  	s23 =	simm.s32 $0x1B8B  }
0xa2: {  	_ =	swait.ge [sflag:s23], $0x1  }
0xa3: {  	[sflag:s23] =	ssyncset.done $0x0  }
0xa4: {  	s25 =	simm.s32 $0x1B8E;
	s24 =	sld [smem:$0x3FFE];
	[sflag:s23] =	ssyncadd.s32 $0xFFFFFFFF  }
0xa5: {  	s26 =	simm.s32 $execute0_lowered;
	[smem:$0x3FD2] =	sst s25  }
0xa6: {  	s5 =	sshll.u32 s26, $0x1;
	_ =	strace $0x80000046;
	[dreg:$0x1] =	wrdreg $0xFFFFFFFF  }
0xa7: {  	s28 =	simm.s32 $_size_execute0_lowered;
	s3 =	sadd.s32 s3, s5;
	[dreg:$0x0] =	wrdreg $0x0  }
0xa8: {  	s5 =	sshll.u32 s28, $0x1;
	[dreg:$0x2] =	wrdreg s3  }
0xa9: {  	[dreg:$0x3] =	wrdreg s5  }
0xaa: {  	[dreg:$0x4] =	wrdreg $0xC0  }
0xab: {  	_ =	task [dreg:s7], $0x5FFFF  }
0xac: {  	[dreg:$0x1] =	wrdreg $0xFFFFFFFF  }
0xad: {  	[dreg:$0x0] =	wrdreg $0x60  }
0xae: {  	[dreg:$0x2] =	wrdreg s2  }
0xaf: {  	[dreg:$0x3] =	wrdreg s24  }
0xb0: {  	[dreg:$0x4] =	wrdreg $0xC5000  }
0xb1: {  	[dreg:$0x5] =	wrdreg $0x9  }
0xb2: {  	_ =	task.clear_ibuf [dreg:s7], $0x6FFFF;
	_ =	strace $0x90000046  }
0xb3: {  	s29 =	simm.s32 $0x9;
	_ =	strace $0x80000048  }
0xb4: {  	_ =	swait.ge [sflag:s29], $0x1  }
0xb5: {  	[sflag:s29] =	ssyncadd.s32 $0xFFFFFFFF  }
0xb6: {  	_ =	strace $0x90000048  }
0xb7: {  	_ =	sfence  }
0xb8: {  	s30 =	sld [smem:$0x0];
	_ =	sdelay $0x2  }
0xb9: {  	s31 =	sshll.u32 s1, $0xD;
	s1 =	sshrl.u32 s1, $0x2  }
0xba: {  	s3 =	sand.u32 $0x4000, s31;
	s1 =	sadd.s32 s1, s30  }
0xbb: {  	s0 =	sor.u32 s3, s0;
	s1 =	sshll.u32 s1, $0x11  }
0xbc: {  	s0 =	sor.u32 s1, s0  }
0xbd: {  	s0 =	sadd.s32 $0x8F2B, s0  }
0xbe: {  	[sflag:s0] =	ssyncadd.remote.s32 $0x1  }
0xbf: {  	_ =	sfence.sel $0xFFFF  }
0xc0: {  	[dreg:$0x0] =	wrdreg $0xFFFFFFFF;
	(pc) =	sbr.abs _section_cstart, $3  }
0xc1: {  	[dreg:$0x1] =	wrdreg $0xFFFFFFFF  }
0xc2: {  	_ =	task.clear_ibuf [dreg:s7], $0x2FFFF;
	_ =	strace $0x9FFFFFFF  }
0xc3: {  	(tm) =	ssettm $0x7FFFFFFF  }
tec
execute0_lowered:
.L_overlay_start_1:
0x0: {  	(tag) =	ssettag $0x1  }
0x1: {  	s7 =	rddreg [dreg:$0x0]  }
0x2: {  	s4 =	rddreg [dreg:$0x1];
	s0 =	stileid.u32  }
0x3: {  	s1 =	srdreg.scid;
	s2 =	rddreg [dreg:$0x2];
	s3 =	simm.s32 $0x0  }
0x4: {  	s14 =	simm.s32 $0x9D00;
	s15 =	simm.s32 $0xA500;
	s16 =	simm.s32 $0x100  }
0x5: {  	s17 =	simm.s32 $0xAD00;
	s18 =	simm.s32 $0x1;
	s19 =	simm.s32 $0x2  }
0x6: {  	s5 =	smul.u32 $0x9D0, s0;
	s8 =	sand.u32 $0x1, s1;
	s1 =	rddreg [dreg:$0x3]  }
0x7: {  	s20 =	simm.s32 $0x0;
	s6 =	smul.u32 $0x2780, s0;
	[smem:$0x7FF] =	sst s3  }
0x8: {  	s31 =	sshll.u32 s0, $0x6;
	s9 =	smul.u32 $0x27800, s8;
	_ =	strace $0x80000047  }
0x9: {  	s8 =	ssub.s32 $0x2, s8;
	s5 =	sadd.s32 s5, s4;
	s11 =	sshrl.u32 s6, $0x3  }
0xa: {  	s29 =	sshrl.u32 s8, $0x1;
	s13 =	sadd.s32 s6, s2;
	s10 =	sadd.s32 s6, s9  }
0xb: {  	s11 =	sadd.s32 s11, s4;
	s12 =	ssub.s32 s8, s29;
	s30 =	sshrl.u32 s9, $0x3  }
0xc: {  	s10 =	sshrl.u32 s10, $0x3;
	s6 =	sadd.s32 $0x18000, s11;
	s7 =	sadd.s32 s7, s30  }
0xd: {  	s9 =	smax.u32 s12, $0x1;
	s11 =	sor.u32 $0x1C03, s31;
	s12 =	sshrl.u32 s13, $0x3  }
0xe: {  	s13 =	simm.s32 $0x80;
	s10 =	sadd.s32 s10, s4;
	s4 =	sadd.s32 $0xE200, s5  }
0xf: {  	s5 =	sadd.s32 $0x4400, s5;
	s8 =	sadd.s32 $0x1D000, s10;
	s10 =	simm.s32 $0x3  }
.LBB2_1:
0x10: {  	[tilespmem:s3], [sflag:$0x3] =	stream.linear.gather [hbm4b:s4+s3], $0x4E80, $0x38;
	[tilespmem:$0xEC80] =	vst v63  }
0x11: {  	_ =	swait.ge [sflag:s10], $0x4E80  }
0x12: {  	[sflag:s10] =	ssyncset.done $0x0  }
0x13: {  	s21 =	simm.s32 $0x4E80;
	[sflag:s10] =	ssyncadd.s32 $0xFFFFB180  }
0x14: {  	[tilespmem:s21], [sflag:$0x3] =	stream.linear.gather [hbm4b:s5+s3], $0x4E80, $0x38;
	[tilespmem:$0xEC80] =	vst v63  }
0x15: {  	_ =	swait.ge [sflag:s10], $0x4E80  }
0x16: {  	[sflag:s10] =	ssyncset.done $0x0  }
0x17: {  	[sflag:s10] =	ssyncadd.s32 $0xFFFFB180  }
0x18: {  	[spmem:s12], [sflag:s11] =	dma.local [hbm:s6], $0x4F0  }
0x19: {  	_ =	swait.ge [sflag:s10], $0x4F0  }
0x1a: {  	[sflag:s10] =	ssyncset.done $0x0  }
0x1b: {  	[sflag:s10] =	ssyncadd.s32 $0xFFFFFB10  }
0x1c: {  	[bflag:$0x0] =	sbarrier.arrive $0xFFFF  }
0x1d: {  	[tilespmem:s14], [sflag:$0x1] =	stream.indirect.gather [hbm4b:s7+s13], $0x10, s3, s13, $0xb8;
	[tilespmem:$0xEC80] =	vst v63  }
0x1e: {  	_ = 	snop  }
0x1f: {  	[tilespmem:s15], [sflag:$0x1] =	stream.indirect.gather [hbm4b:s7+s13], $0x10, s13, s13, $0xb8;
	[tilespmem:$0xEC80] =	vst v63  }
0x20: {  	s22 =	simm.s32 $0x180;
	s23 =	simm.s32 $0x0  }
0x21: {  	[tilespmem:s17], [sflag:$0x1] =	stream.indirect.gather [hbm4b:s7+s13], $0x10, s16, s13, $0xb8;
	[tilespmem:$0xEC80] =	vst v63  }
.LBB2_2:
0x22: {  	s24 =	smul.u32 $0xCD, s23;
	_ =	sdelay $0x1  }
0x23: {  	s24 =	sshrl.u32 s24, $0xA  }
0x24: {  	s24 =	sand.u32 $0x3F, s24  }
0x25: {  	s24 =	smul.u32 $0x5, s24;
	_ =	sdelay $0x1  }
0x26: {  	s24 =	ssub.s32 s23, s24  }
0x27: {  	_ =	swait.ge [sflag:s18], $0x800;
	s24 =	sand.u32 $0xFF, s24  }
0x28: {  	[sflag:s18] =	ssyncset.done $0x0;
	s24 =	sshll.u32 s24, $0xB  }
0x29: {  	p0 =	slt.u32 s23, $0x2;
	[sflag:s18] =	ssyncadd.s32 $0xFFFFF800;
	s24 =	sadd.s32 $0x9D00, s24  }
0x2a: {  	[spmem:s2] =	stream.indirect.scatter.add.f32 [tilespmem:s24], [sflag:$0x2], $0x10, s21, s13, $0xb8;
	[tilespmem:$0xEC80] =	vst v63  }
0x2b: {  	s24 =	simm.s32 @!p0 $0x2  }
0x2c: {  	p1 =	sgt.u32 @!p0 s23, $0x99;
	_ =	swait.ge @!p0 [sflag:s24], $0x800  }
0x2d: {  	p1 =	por p0, !p1;
	[sflag:s24] =	ssyncset.done @!p0 $0x0  }
0x2e: {  	[sflag:s24] =	ssyncadd.s32 @!p0 $0xFFFFF800;
	s24 =	sadd.s32 @p1 $0x3, s23  }
0x2f: {  	s25 =	smul.u32 @p1 $0xCD, s24;
	_ =	sdelay $0x1  }
0x30: {  	s25 =	sshrl.u32 @p1 s25, $0xA  }
0x31: {  	s25 =	sand.u32 @p1 $0x3F, s25  }
0x32: {  	s25 =	smul.u32 @p1 $0x5, s25  }
0x33: {  	s23 =	sadd.s32 $0x1, s23  }
0x34: {  	p0 =	sne.s32 s23, $0x9D;
	s24 =	ssub.s32 @p1 s24, s25  }
.Ltmp0:
0x35: {  	s24 =	sand.u32 @p1 $0xFF, s24;
	(pc) =	sbr.rel @p0 .LBB2_2-.Ltmp0, $4  }
0x36: {  	s24 =	sshll.u32 @p1 s24, $0xB  }
0x37: {  	s24 =	sadd.s32 @p1 $0x9D00, s24  }
0x38: {  	[tilespmem:s24], [sflag:$0x1] =	stream.indirect.gather @p1 [hbm4b:s7+s13], $0x10, s22, s13, $0xb8;
	[tilespmem:$0xEC80] =	vst v63  }
0x39: {  	s21 =	sadd.s32 $0x80, s21;
	s22 =	sadd.s32 $0x80, s22  }
0x3a: {  	_ =	swait.ge [sflag:s19], $0x800  }
0x3b: {  	[sflag:s19] =	ssyncset.done $0x0  }
0x3c: {  	[sflag:s19] =	ssyncadd.s32 $0xFFFFF800  }
0x3d: {  	_ =	swait.ge [sflag:s19], $0x800  }
0x3e: {  	s20 =	sadd.s32 $0x1, s20;
	[sflag:s19] =	ssyncset.done $0x0  }
0x3f: {  	p0 =	sne.s32 s20, s9;
	[sflag:s19] =	ssyncadd.s32 $0xFFFFF800  }
.Ltmp1:
0x40: {  	[bflag:$0x0] =	sbarrier.arrive $0xFFFF;
	(pc) =	sbr.rel @p0 .LBB2_1-.Ltmp1, $4  }
0x41: {  	[hbm:s8], [sflag:s11] =	dma.local [spmem:s12], $0x4F0  }
0x42: {  	_ =	swait.ge [sflag:s10], $0x4F0  }
0x43: {  	[sflag:s10] =	ssyncset.done $0x0  }
0x44: {  	[sflag:s10] =	ssyncadd.s32 $0xFFFFFB10  }
0x45: {  	_ =	sfence.sel $0x180000  }
0x46: {  	[bflag:$0x0] =	sbarrier.arrive $0xFFFF  }
0x47: {  	p0 =	sne.s32 s0, $0x0;
	_ =	strace $0x90000047  }
0x48: {  	s0 =	sadd.s32 @!p0 $0x100000, s1;
	[bflag:$0x2] =	sbarrier.arrive $0xFFFF  }
0x49: {  	[sflag:s0] =	ssyncadd.tile.s32 @!p0 $0x1;
	_ =	shalt  }
.Lfunc_end2:
_tile_overlayer_lowered:
.L_overlay_start_2:
0x4a: {  	(tag) =	ssettag $0x2  }
0x4b: {  	s0 =	rddreg [dreg:$0x0];
	s2 =	stileid.u32  }
0x4c: {  	s1 =	rddreg [dreg:$0x1];
	p0 =	sne.s32 s2, $0x0  }
0x4d: {  	s3 =	rddreg [dreg:$0x2];
	[bflag:$0x3] =	sbarrier.arrive $0xFFFF;
	s2 =	simm.s32 @!p0 $0x1C03  }
0x4e: {  	[timem:s3], [sflag:s2] =	dma.local @!p0 [hbm:s0], s1  }
0x4f: {  	s0 =	simm.s32 @!p0 $0x3  }
0x50: {  	_ =	swait.ge @!p0 [sflag:s0], s1  }
0x51: {  	s1 =	ssub.s32 @!p0 $0x0, s1;
	[sflag:s0] =	ssyncset.done @!p0 $0x0  }
0x52: {  	[sflag:s0] =	ssyncadd.s32 @!p0 s1  }
0x53: {  	[bflag:$0x3] =	sbarrier.arrive $0xFFFF  }
0x54: {  	_ =	shalt  }

// kernel: kernel.15.cloned.1.call-start
scs
__scs_entry_jumppad:
0x0: {  	(pc) =	sbr.rel $0x88, $3  }
0x1: {  	(tag) =	ssettag $0x0;
	lr =	simm.s32 $0x1  }
0x2: {  	[smem:$0x3F91] =	sst lr;
	_ =	strace $0xD0000000  }
0x3: {  	_ = 	snop  }
0x4: {  	_ = 	snop  }
0x5: {  	_ = 	snop  }
0x6: {  	_ = 	snop  }
0x7: {  	_ = 	snop  }
__scs_overlays_trampoline_lowered:
0x8: {  	[smem:$0x3FA0] =	sst s0  }
0x9: {  	[smem:$0x3FA1] =	sst s1  }
0xa: {  	[smem:$0x3FA2] =	sst s2  }
0xb: {  	[smem:$0x3FA3] =	sst s3  }
0xc: {  	[smem:$0x3FA4] =	sst s4  }
0xd: {  	[smem:$0x3FA5] =	sst s5  }
0xe: {  	[smem:$0x3FA6] =	sst s6  }
0xf: {  	[smem:$0x3FA7] =	sst s7  }
0x10: {  	[smem:$0x3FA8] =	sst s8  }
0x11: {  	[smem:$0x3FA9] =	sst s9;
	s0 =	simm.s32 @!p0 $0x0  }
0x12: {  	s1 =	sld [smem:$0x3F8F];
	s0 =	simm.s32 @p0 $0x1  }
0x13: {  	[smem:$0x3FAA] =	sst s0;
	s0 =	simm.s32 @!p1 $0x0  }
0x14: {  	s2 =	sld [smem:$0x3F8E];
	s0 =	simm.s32 @p1 $0x1  }
0x15: {  	[smem:$0x3FAB] =	sst s0;
	s0 =	simm.s32 @!p2 $0x0  }
0x16: {  	s3 =	sld [smem:$0x3FDB];
	s0 =	simm.s32 @p2 $0x1  }
0x17: {  	s4 =	simm.s32 $0x1BF5;
	[smem:$0x3FAD] =	sst s0  }
0x18: {  	s0 =	sld [smem:$0x3F90];
	_ =	swait.ge [sflag:s4], $0x0  }
0x19: {  	s7 =	sld [smem:$0x3F91]  }
0x1a: {  	s8 =	sadd.s32 $0xFFFFE003, lr  }
0x1b: {  	s9 =	sadd.s32 $0xFFFFFEF7, lr;
	s5 =	simm.s32 $0xFFFFFFFF;
	p2 =	slt.u32 s8, $0xFFFFF086  }
0x1c: {  	p1 =	slt.u32 s9, $0xF7A;
	s5 =	simm.s32 @!p2 $0x0  }
0x1d: {  	s5 =	simm.s32 @p1 $0x1;
	p0 =	seq.s32 s7, s2  }
0x1e: {  	s7 =	smul.u32 @!p0 $0xF7A, s2;
	p2 =	seq.s32 @!p0 s5, $0x0  }
0x1f: {  	s9 =	smul.u32 $0xF7A, s1;
	s8 =	simm.s32 @!p0 $0x1BF5;
	p2 =	por !p2, p0  }
0x20: {  	[sflag:s8] =	ssyncset.s32 @!p0 $0xFFFFF086;
	s6 =	sadd.s32 @!p0 s3, s7;
	s7 =	simm.s32 @!p0 $0x108  }
0x21: {  	s3 =	sadd.s32 s3, s9;
	s6 =	sadd.s32 @!p0 $0x88, s6;
	s7 =	simm.s32 @p2 $0x1082  }
0x22: {  	[simem:s7], [sflag:s8] =	dma.local @!p0 [hbm:s6], $0xF7A  }
0x23: {  	s9 =	sor.u32 $0xD0000000, s2;
	s6 =	simm.s32 $0x108;
	_ =	swait.ge @!p0 [sflag:s8], $0x0  }
0x24: {  	s3 =	sadd.s32 $0x88, s3;
	s6 =	simm.s32 @!p1 $0x1082;
	[sflag:s4] =	ssyncset.s32 $0xFFFFF086  }
0x25: {  	[simem:s6], [sflag:s4] =	dma.local [hbm:s3], $0xF7A  }
0x26: {  	[smem:$0x3F91] =	sst s1;
	(tag) =	ssettag s2;
	_ =	strace s9  }
0x27: {  	s1 =	sld [smem:$0x3FA1]  }
0x28: {  	s2 =	sld [smem:$0x3FA2]  }
0x29: {  	s4 =	sld [smem:$0x3FA4]  }
0x2a: {  	p0 =	seq.s32 s5, $0x0;
	s5 =	sld [smem:$0x3FA5]  }
0x2b: {  	s6 =	sld [smem:$0x3FA6]  }
0x2c: {  	s7 =	sld [smem:$0x3FA7]  }
0x2d: {  	s3 =	simm.s32 $0x108;
	s8 =	sld [smem:$0x3FA8]  }
0x2e: {  	s3 =	simm.s32 @!p0 $0x1082;
	s9 =	sld [smem:$0x3FA9]  }
0x2f: {  	lr =	sadd.s32 s0, s3;
	s0 =	sld [smem:$0x3FA0]  }
0x30: {  	s3 =	sld [smem:$0x3FA3]  }
0x31: {  	[smem:$0x3FAC] =	sst s10  }
0x32: {  	s10 =	sld [smem:$0x3FAA];
	_ =	sdelay $0x3  }
0x33: {  	p0 =	seq.s32 s10, $0x1;
	s10 =	sld [smem:$0x3FAC];
	_ =	sdelay $0x3  }
0x34: {  	[smem:$0x3FAC] =	sst s10  }
0x35: {  	s10 =	sld [smem:$0x3FAB];
	_ =	sdelay $0x3  }
0x36: {  	p1 =	seq.s32 s10, $0x1;
	s10 =	sld [smem:$0x3FAC];
	_ =	sdelay $0x3  }
0x37: {  	[smem:$0x3FAC] =	sst s10  }
0x38: {  	s10 =	sld [smem:$0x3FAD]  }
0x39: {  	_ = 	snop;
	(pc) =	sbr.ind lr, $3  }
0x3a: {  	_ = 	snop  }
0x3b: {  	_ = 	snop  }
0x3c: {  	p2 =	seq.s32 s10, $0x1;
	s10 =	sld [smem:$0x3FAC]  }
0x3d: {  	_ =	shalt  }
0x3e: {  	_ =	shalt  }
0x3f: {  	_ =	shalt  }
0x40: {  	_ =	shalt  }
0x41: {  	_ =	shalt  }
0x42: {  	_ =	shalt  }
0x43: {  	_ =	shalt  }
0x44: {  	_ =	shalt  }
0x45: {  	_ =	shalt  }
0x46: {  	_ =	shalt  }
0x47: {  	_ =	shalt  }
0x48: {  	_ =	shalt  }
0x49: {  	_ =	shalt  }
0x4a: {  	_ =	shalt  }
0x4b: {  	_ =	shalt  }
0x4c: {  	_ =	shalt  }
0x4d: {  	_ =	shalt  }
0x4e: {  	_ =	shalt  }
0x4f: {  	_ =	shalt  }
0x50: {  	_ =	shalt  }
0x51: {  	_ =	shalt  }
0x52: {  	_ =	shalt  }
0x53: {  	_ =	shalt  }
0x54: {  	_ =	shalt  }
0x55: {  	_ =	shalt  }
0x56: {  	_ =	shalt  }
0x57: {  	_ =	shalt  }
0x58: {  	_ =	shalt  }
0x59: {  	_ =	shalt  }
0x5a: {  	_ =	shalt  }
0x5b: {  	_ =	shalt  }
0x5c: {  	_ =	shalt  }
0x5d: {  	_ =	shalt  }
0x5e: {  	_ =	shalt  }
0x5f: {  	_ =	shalt  }
0x60: {  	_ =	shalt  }
0x61: {  	_ =	shalt  }
0x62: {  	_ =	shalt  }
0x63: {  	_ =	shalt  }
0x64: {  	_ =	shalt  }
0x65: {  	_ =	shalt  }
0x66: {  	_ =	shalt  }
0x67: {  	_ =	shalt  }
0x68: {  	_ =	shalt  }
0x69: {  	_ =	shalt  }
0x6a: {  	_ =	shalt  }
0x6b: {  	_ =	shalt  }
0x6c: {  	_ =	shalt  }
0x6d: {  	_ =	shalt  }
0x6e: {  	_ =	shalt  }
0x6f: {  	_ =	shalt  }
0x70: {  	_ =	shalt  }
0x71: {  	_ =	shalt  }
0x72: {  	_ =	shalt  }
0x73: {  	_ =	shalt  }
0x74: {  	_ =	shalt  }
0x75: {  	_ =	shalt  }
0x76: {  	_ =	shalt  }
0x77: {  	_ =	shalt  }
0x78: {  	_ =	shalt  }
0x79: {  	_ =	shalt  }
0x7a: {  	_ =	shalt  }
0x7b: {  	_ =	shalt  }
0x7c: {  	_ =	shalt  }
0x7d: {  	_ =	shalt  }
0x7e: {  	_ =	shalt  }
0x7f: {  	_ =	shalt  }
0x80: {  	_ =	shalt  }
0x81: {  	_ =	shalt  }
0x82: {  	_ =	shalt  }
0x83: {  	_ =	shalt  }
0x84: {  	_ =	shalt  }
0x85: {  	_ =	shalt  }
0x86: {  	_ =	shalt  }
0x87: {  	_ =	shalt  }
.Lfunc_end0:
.L_simem_size_0:
called_computation.1_lowered:
.L_overlay_start_0:
0x88: {  	s2 =	sld [smem:$0x3FD9]  }
0x89: {  	s3 =	sld [smem:$0x3FFE];
	_ =	sdelay $0x1  }
0x8a: {  	s1 =	srdreg.scid  }
0x8b: {  	s0 =	sand.u32 $0x1, s1  }
0x8c: {  	s16 =	sshll.u32 s0, $0xA;
	s2 =	sadd.s32 s3, s2  }
0x8d: {  	s2 =	sadd.s32 s2, s16  }
0x8e: {  	[smem:$0x3FB8] =	sst s2  }
0x8f: {  	_ = 	snop  }
0x90: {  	(tm) =	ssettm $0x1  }
0x91: {  	s17 =	sld [smem:$0x3FFB];
	_ =	sdelay $0x3  }
0x92: {  	_ =	strace s17  }
0x93: {  	s2 =	sld [smem:$0x3FFC];
	_ =	sdelay $0x3  }
0x94: {  	_ =	strace s2  }
0x95: {  	s2 =	sld [smem:$0x3FFD];
	_ =	sdelay $0x3  }
0x96: {  	_ =	strace s2  }
0x97: {  	_ =	strace $0x8FFFFFFF  }
0x98: {  	s18 =	sld [smem:$0x3FDB];
	_ =	sdelay $0x1  }
0x99: {  	s19 =	simm.s32 $_scs_section_size  }
0x9a: {  	s4 =	simm.s32 $_size__tile_overlayer_lowered;
	s5 =	simm.s32 $_tile_overlayer_lowered  }
0x9b: {  	s22 =	simm.s32 $0x1BFF;
	s21 =	sshll.u32 s5, $0x1;
	s2 =	sadd.s32 s19, s18  }
0x9c: {  	s6 =	simm.s32 $0x0;
	s20 =	sshll.u32 s4, $0x1;
	s4 =	sadd.s32 s21, s2  }
0x9d: {  	[timem:s6], [sflag:s22] =	dma.local [hbm:s4], s20  }
0x9e: {  	_ =	swait.ge [sflag:s22], s20  }
0x9f: {  	s3 =	ssub.s32 $0x0, s20;
	[sflag:s22] =	ssyncset.done $0x0  }
0xa0: {  	[sflag:s22] =	ssyncadd.s32 s3;
	_ =	sdelay $0x1  }
0xa1: {  	s23 =	simm.s32 $0x1B8B  }
0xa2: {  	_ =	swait.ge [sflag:s23], $0x1  }
0xa3: {  	[sflag:s23] =	ssyncset.done $0x0  }
0xa4: {  	s25 =	simm.s32 $0x1B8E;
	s24 =	sld [smem:$0x3FFE];
	[sflag:s23] =	ssyncadd.s32 $0xFFFFFFFF  }
0xa5: {  	s26 =	simm.s32 $execute0_lowered;
	[smem:$0x3FD2] =	sst s25  }
0xa6: {  	s4 =	sshll.u32 s26, $0x1;
	_ =	strace $0x80000049;
	[dreg:$0x1] =	wrdreg $0xFFFFFFFF  }
0xa7: {  	s28 =	simm.s32 $_size_execute0_lowered;
	s2 =	sadd.s32 s2, s4;
	[dreg:$0x0] =	wrdreg $0x0  }
0xa8: {  	s4 =	sshll.u32 s28, $0x1;
	[dreg:$0x2] =	wrdreg s2  }
0xa9: {  	[dreg:$0x3] =	wrdreg s4  }
0xaa: {  	[dreg:$0x4] =	wrdreg $0xC0  }
0xab: {  	_ =	task [dreg:s6], $0x5FFFF  }
0xac: {  	[dreg:$0x1] =	wrdreg $0xFFFFFFFF  }
0xad: {  	[dreg:$0x0] =	wrdreg $0x60  }
0xae: {  	[dreg:$0x2] =	wrdreg s24  }
0xaf: {  	[dreg:$0x3] =	wrdreg $0x13D000  }
0xb0: {  	[dreg:$0x4] =	wrdreg $0x9  }
0xb1: {  	_ =	task.clear_ibuf [dreg:s6], $0x5FFFF;
	_ =	strace $0x90000049  }
0xb2: {  	s29 =	simm.s32 $0x9;
	_ =	strace $0x8000004B  }
0xb3: {  	_ =	swait.ge [sflag:s29], $0x1  }
0xb4: {  	[sflag:s29] =	ssyncadd.s32 $0xFFFFFFFF  }
0xb5: {  	_ =	strace $0x9000004B  }
0xb6: {  	_ =	sfence  }
0xb7: {  	s30 =	sld [smem:$0x0];
	_ =	sdelay $0x2  }
0xb8: {  	s31 =	sshll.u32 s1, $0xD;
	s1 =	sshrl.u32 s1, $0x2  }
0xb9: {  	s3 =	sand.u32 $0x4000, s31;
	s1 =	sadd.s32 s1, s30  }
0xba: {  	s0 =	sor.u32 s3, s0;
	s1 =	sshll.u32 s1, $0x11  }
0xbb: {  	s0 =	sor.u32 s1, s0  }
0xbc: {  	s0 =	sadd.s32 $0x8F2B, s0  }
0xbd: {  	[sflag:s0] =	ssyncadd.remote.s32 $0x1  }
0xbe: {  	_ =	sfence.sel $0xFFFF  }
0xbf: {  	[dreg:$0x0] =	wrdreg $0xFFFFFFFF;
	(pc) =	sbr.abs _section_cstart, $3  }
0xc0: {  	[dreg:$0x1] =	wrdreg $0xFFFFFFFF  }
0xc1: {  	_ =	task.clear_ibuf [dreg:s6], $0x2FFFF;
	_ =	strace $0x9FFFFFFF  }
0xc2: {  	(tm) =	ssettm $0x7FFFFFFF  }
0xc3: {  	_ =	shalt  }
tec
execute0_lowered:
.L_overlay_start_1:
0x0: {  	(tag) =	ssettag $0x1  }
0x1: {  	s4 =	rddreg [dreg:$0x0]  }
0x2: {  	s0 =	srdreg.scid;
	s2 =	rddreg [dreg:$0x1]  }
0x3: {  	s1 =	stileid.u32;
	s3 =	simm.s32 $0x0;
	s14 =	simm.s32 $0x9D00  }
0x4: {  	s15 =	simm.s32 $0xBD00;
	s16 =	simm.s32 $0x100;
	s17 =	simm.s32 $0xDD00  }
0x5: {  	s18 =	simm.s32 $0x1;
	s19 =	simm.s32 $0x2;
	s20 =	simm.s32 $0x0  }
0x6: {  	s5 =	sand.u32 $0x1, s0;
	s0 =	rddreg [dreg:$0x2];
	s7 =	smul.u32 $0x9D0, s1  }
0x7: {  	[smem:$0x7FF] =	sst s3;
	s9 =	smul.u32 $0x9E00, s1;
	s31 =	sshll.u32 s1, $0x6  }
0x8: {  	s6 =	smul.u32 $0x9E000, s5;
	_ =	strace $0x8000004A;
	s5 =	ssub.s32 $0x2, s5  }
0x9: {  	s7 =	sadd.s32 s7, s4;
	s10 =	sshrl.u32 s9, $0x3;
	s11 =	sshrl.u32 s5, $0x1  }
0xa: {  	s13 =	sadd.s32 s9, s2;
	s8 =	sshrl.u32 s6, $0x3;
	s6 =	sadd.s32 s9, s6  }
0xb: {  	s10 =	sadd.s32 s10, s4;
	s11 =	ssub.s32 s5, s11;
	s5 =	sadd.s32 $0x4400, s7  }
0xc: {  	s8 =	sadd.s32 s8, s4;
	s6 =	sshrl.u32 s6, $0x3;
	s9 =	smax.u32 s11, $0x1  }
0xd: {  	s11 =	sor.u32 $0x1C03, s31;
	s12 =	sadd.s32 s6, s4;
	s4 =	sadd.s32 $0xE200, s7  }
0xe: {  	s6 =	sadd.s32 $0xB6000, s10;
	s7 =	sadd.s32 $0x8E800, s8;
	s10 =	simm.s32 $0x3  }
0xf: {  	s8 =	sadd.s32 $0xC9C00, s12;
	s12 =	sshrl.u32 s13, $0x3;
	s13 =	simm.s32 $0x80  }
.LBB2_1:
0x10: {  	[tilespmem:s3], [sflag:$0x3] =	stream.linear.gather [hbm4b:s4+s3], $0x4E80, $0x38;
	[tilespmem:$0x1DB00] =	vst v63  }
0x11: {  	_ =	swait.ge [sflag:s10], $0x4E80  }
0x12: {  	[sflag:s10] =	ssyncset.done $0x0  }
0x13: {  	s21 =	simm.s32 $0x4E80;
	[sflag:s10] =	ssyncadd.s32 $0xFFFFB180  }
0x14: {  	[tilespmem:s21], [sflag:$0x3] =	stream.linear.gather [hbm4b:s5+s3], $0x4E80, $0x38;
	[tilespmem:$0x1DB00] =	vst v63  }
0x15: {  	_ =	swait.ge [sflag:s10], $0x4E80  }
0x16: {  	[sflag:s10] =	ssyncset.done $0x0  }
0x17: {  	[sflag:s10] =	ssyncadd.s32 $0xFFFFB180  }
0x18: {  	[spmem:s12], [sflag:s11] =	dma.local [hbm:s6], $0x13C0  }
0x19: {  	_ =	swait.ge [sflag:s10], $0x13C0  }
0x1a: {  	[sflag:s10] =	ssyncset.done $0x0  }
0x1b: {  	[sflag:s10] =	ssyncadd.s32 $0xFFFFEC40  }
0x1c: {  	[bflag:$0x0] =	sbarrier.arrive $0xFFFF  }
0x1d: {  	[tilespmem:s14], [sflag:$0x1] =	stream.indirect.gather [hbm4b:s7+s13], $0x40, s3, s13, $0xb8;
	[tilespmem:$0x1DB00] =	vst v63  }
0x1e: {  	_ = 	snop  }
0x1f: {  	[tilespmem:s15], [sflag:$0x1] =	stream.indirect.gather [hbm4b:s7+s13], $0x40, s13, s13, $0xb8;
	[tilespmem:$0x1DB00] =	vst v63  }
0x20: {  	s22 =	simm.s32 $0x180;
	s23 =	simm.s32 $0x0  }
0x21: {  	[tilespmem:s17], [sflag:$0x1] =	stream.indirect.gather [hbm4b:s7+s13], $0x40, s16, s13, $0xb8;
	[tilespmem:$0x1DB00] =	vst v63  }
.LBB2_2:
0x22: {  	s24 =	smul.u32 $0xCD, s23;
	_ =	sdelay $0x1  }
0x23: {  	s24 =	sshrl.u32 s24, $0xA  }
0x24: {  	s24 =	sand.u32 $0x3F, s24  }
0x25: {  	s24 =	smul.u32 $0x5, s24;
	_ =	sdelay $0x1  }
0x26: {  	s24 =	ssub.s32 s23, s24  }
0x27: {  	_ =	swait.ge [sflag:s18], $0x2000;
	s24 =	sand.u32 $0xFF, s24  }
0x28: {  	[sflag:s18] =	ssyncset.done $0x0;
	s24 =	sshll.u32 s24, $0xD  }
0x29: {  	p0 =	slt.u32 s23, $0x2;
	[sflag:s18] =	ssyncadd.s32 $0xFFFFE000;
	s24 =	sadd.s32 $0x9D00, s24  }
0x2a: {  	[spmem:s2] =	stream.indirect.scatter.add.f32 [tilespmem:s24], [sflag:$0x2], $0x40, s21, s13, $0xb8;
	[tilespmem:$0x1DB00] =	vst v63  }
0x2b: {  	s24 =	simm.s32 @!p0 $0x2  }
0x2c: {  	p1 =	sgt.u32 @!p0 s23, $0x99;
	_ =	swait.ge @!p0 [sflag:s24], $0x2000  }
0x2d: {  	p1 =	por p0, !p1;
	[sflag:s24] =	ssyncset.done @!p0 $0x0  }
0x2e: {  	[sflag:s24] =	ssyncadd.s32 @!p0 $0xFFFFE000;
	s24 =	sadd.s32 @p1 $0x3, s23  }
0x2f: {  	s25 =	smul.u32 @p1 $0xCD, s24;
	_ =	sdelay $0x1  }
0x30: {  	s25 =	sshrl.u32 @p1 s25, $0xA  }
0x31: {  	s25 =	sand.u32 @p1 $0x3F, s25  }
0x32: {  	s25 =	smul.u32 @p1 $0x5, s25  }
0x33: {  	s23 =	sadd.s32 $0x1, s23  }
0x34: {  	p0 =	sne.s32 s23, $0x9D;
	s24 =	ssub.s32 @p1 s24, s25  }
.Ltmp0:
0x35: {  	s24 =	sand.u32 @p1 $0xFF, s24;
	(pc) =	sbr.rel @p0 .LBB2_2-.Ltmp0, $4  }
0x36: {  	s24 =	sshll.u32 @p1 s24, $0xD  }
0x37: {  	s24 =	sadd.s32 @p1 $0x9D00, s24  }
0x38: {  	[tilespmem:s24], [sflag:$0x1] =	stream.indirect.gather @p1 [hbm4b:s7+s13], $0x40, s22, s13, $0xb8;
	[tilespmem:$0x1DB00] =	vst v63  }
0x39: {  	s21 =	sadd.s32 $0x80, s21;
	s22 =	sadd.s32 $0x80, s22  }
0x3a: {  	_ =	swait.ge [sflag:s19], $0x2000  }
0x3b: {  	[sflag:s19] =	ssyncset.done $0x0  }
0x3c: {  	[sflag:s19] =	ssyncadd.s32 $0xFFFFE000  }
0x3d: {  	_ =	swait.ge [sflag:s19], $0x2000  }
0x3e: {  	s20 =	sadd.s32 $0x1, s20;
	[sflag:s19] =	ssyncset.done $0x0  }
0x3f: {  	p0 =	sne.s32 s20, s9;
	[sflag:s19] =	ssyncadd.s32 $0xFFFFE000  }
.Ltmp1:
0x40: {  	[bflag:$0x0] =	sbarrier.arrive $0xFFFF;
	(pc) =	sbr.rel @p0 .LBB2_1-.Ltmp1, $4  }
0x41: {  	[hbm:s8], [sflag:s11] =	dma.local [spmem:s12], $0x13C0  }
0x42: {  	_ =	swait.ge [sflag:s10], $0x13C0  }
0x43: {  	[sflag:s10] =	ssyncset.done $0x0  }
0x44: {  	[sflag:s10] =	ssyncadd.s32 $0xFFFFEC40  }
0x45: {  	_ =	sfence.sel $0x180000  }
0x46: {  	[bflag:$0x0] =	sbarrier.arrive $0xFFFF  }
0x47: {  	p0 =	sne.s32 s1, $0x0;
	_ =	strace $0x9000004A  }
0x48: {  	s0 =	sadd.s32 @!p0 $0x100000, s0;
	[bflag:$0x2] =	sbarrier.arrive $0xFFFF  }
0x49: {  	[sflag:s0] =	ssyncadd.tile.s32 @!p0 $0x1;
	_ =	shalt  }
.Lfunc_end2:
_tile_overlayer_lowered:
.L_overlay_start_2:
0x4a: {  	(tag) =	ssettag $0x2  }
0x4b: {  	s0 =	rddreg [dreg:$0x0];
	s2 =	stileid.u32  }
0x4c: {  	s1 =	rddreg [dreg:$0x1];
	p0 =	sne.s32 s2, $0x0  }
0x4d: {  	s3 =	rddreg [dreg:$0x2];
	[bflag:$0x3] =	sbarrier.arrive $0xFFFF;
	s2 =	simm.s32 @!p0 $0x1C03  }
0x4e: {  	[timem:s3], [sflag:s2] =	dma.local @!p0 [hbm:s0], s1  }
0x4f: {  	s0 =	simm.s32 @!p0 $0x3  }
0x50: {  	_ =	swait.ge @!p0 [sflag:s0], s1  }
0x51: {  	s1 =	ssub.s32 @!p0 $0x0, s1;
	[sflag:s0] =	ssyncset.done @!p0 $0x0  }
0x52: {  	[sflag:s0] =	ssyncadd.s32 @!p0 s1  }
0x53: {  	[bflag:$0x3] =	sbarrier.arrive $0xFFFF  }
0x54: {  	_ =	shalt  }

// kernel: kernel.18.cloned.1.call-start
scs
__scs_entry_jumppad:
0x0: {  	(pc) =	sbr.rel $0x88, $3  }
0x1: {  	(tag) =	ssettag $0x0;
	lr =	simm.s32 $0x1  }
0x2: {  	[smem:$0x3F91] =	sst lr;
	_ =	strace $0xD0000000  }
0x3: {  	_ = 	snop  }
0x4: {  	_ = 	snop  }
0x5: {  	_ = 	snop  }
0x6: {  	_ = 	snop  }
0x7: {  	_ = 	snop  }
__scs_overlays_trampoline_lowered:
0x8: {  	[smem:$0x3FA0] =	sst s0  }
0x9: {  	[smem:$0x3FA1] =	sst s1  }
0xa: {  	[smem:$0x3FA2] =	sst s2  }
0xb: {  	[smem:$0x3FA3] =	sst s3  }
0xc: {  	[smem:$0x3FA4] =	sst s4  }
0xd: {  	[smem:$0x3FA5] =	sst s5  }
0xe: {  	[smem:$0x3FA6] =	sst s6  }
0xf: {  	[smem:$0x3FA7] =	sst s7  }
0x10: {  	[smem:$0x3FA8] =	sst s8  }
0x11: {  	[smem:$0x3FA9] =	sst s9;
	s0 =	simm.s32 @!p0 $0x0  }
0x12: {  	s1 =	sld [smem:$0x3F8F];
	s0 =	simm.s32 @p0 $0x1  }
0x13: {  	[smem:$0x3FAA] =	sst s0;
	s0 =	simm.s32 @!p1 $0x0  }
0x14: {  	s2 =	sld [smem:$0x3F8E];
	s0 =	simm.s32 @p1 $0x1  }
0x15: {  	[smem:$0x3FAB] =	sst s0;
	s0 =	simm.s32 @!p2 $0x0  }
0x16: {  	s3 =	sld [smem:$0x3FDB];
	s0 =	simm.s32 @p2 $0x1  }
0x17: {  	s4 =	simm.s32 $0x1BF5;
	[smem:$0x3FAD] =	sst s0  }
0x18: {  	s0 =	sld [smem:$0x3F90];
	_ =	swait.ge [sflag:s4], $0x0  }
0x19: {  	s7 =	sld [smem:$0x3F91]  }
0x1a: {  	s8 =	sadd.s32 $0xFFFFE003, lr  }
0x1b: {  	s9 =	sadd.s32 $0xFFFFFEF7, lr;
	s5 =	simm.s32 $0xFFFFFFFF;
	p2 =	slt.u32 s8, $0xFFFFF086  }
0x1c: {  	p1 =	slt.u32 s9, $0xF7A;
	s5 =	simm.s32 @!p2 $0x0  }
0x1d: {  	s5 =	simm.s32 @p1 $0x1;
	p0 =	seq.s32 s7, s2  }
0x1e: {  	s7 =	smul.u32 @!p0 $0xF7A, s2;
	p2 =	seq.s32 @!p0 s5, $0x0  }
0x1f: {  	s9 =	smul.u32 $0xF7A, s1;
	s8 =	simm.s32 @!p0 $0x1BF5;
	p2 =	por !p2, p0  }
0x20: {  	[sflag:s8] =	ssyncset.s32 @!p0 $0xFFFFF086;
	s6 =	sadd.s32 @!p0 s3, s7;
	s7 =	simm.s32 @!p0 $0x108  }
0x21: {  	s3 =	sadd.s32 s3, s9;
	s6 =	sadd.s32 @!p0 $0x88, s6;
	s7 =	simm.s32 @p2 $0x1082  }
0x22: {  	[simem:s7], [sflag:s8] =	dma.local @!p0 [hbm:s6], $0xF7A  }
0x23: {  	s9 =	sor.u32 $0xD0000000, s2;
	s6 =	simm.s32 $0x108;
	_ =	swait.ge @!p0 [sflag:s8], $0x0  }
0x24: {  	s3 =	sadd.s32 $0x88, s3;
	s6 =	simm.s32 @!p1 $0x1082;
	[sflag:s4] =	ssyncset.s32 $0xFFFFF086  }
0x25: {  	[simem:s6], [sflag:s4] =	dma.local [hbm:s3], $0xF7A  }
0x26: {  	[smem:$0x3F91] =	sst s1;
	(tag) =	ssettag s2;
	_ =	strace s9  }
0x27: {  	s1 =	sld [smem:$0x3FA1]  }
0x28: {  	s2 =	sld [smem:$0x3FA2]  }
0x29: {  	s4 =	sld [smem:$0x3FA4]  }
0x2a: {  	p0 =	seq.s32 s5, $0x0;
	s5 =	sld [smem:$0x3FA5]  }
0x2b: {  	s6 =	sld [smem:$0x3FA6]  }
0x2c: {  	s7 =	sld [smem:$0x3FA7]  }
0x2d: {  	s3 =	simm.s32 $0x108;
	s8 =	sld [smem:$0x3FA8]  }
0x2e: {  	s3 =	simm.s32 @!p0 $0x1082;
	s9 =	sld [smem:$0x3FA9]  }
0x2f: {  	lr =	sadd.s32 s0, s3;
	s0 =	sld [smem:$0x3FA0]  }
0x30: {  	s3 =	sld [smem:$0x3FA3]  }
0x31: {  	[smem:$0x3FAC] =	sst s10  }
0x32: {  	s10 =	sld [smem:$0x3FAA];
	_ =	sdelay $0x3  }
0x33: {  	p0 =	seq.s32 s10, $0x1;
	s10 =	sld [smem:$0x3FAC];
	_ =	sdelay $0x3  }
0x34: {  	[smem:$0x3FAC] =	sst s10  }
0x35: {  	s10 =	sld [smem:$0x3FAB];
	_ =	sdelay $0x3  }
0x36: {  	p1 =	seq.s32 s10, $0x1;
	s10 =	sld [smem:$0x3FAC];
	_ =	sdelay $0x3  }
0x37: {  	[smem:$0x3FAC] =	sst s10  }
0x38: {  	s10 =	sld [smem:$0x3FAD]  }
0x39: {  	_ = 	snop;
	(pc) =	sbr.ind lr, $3  }
0x3a: {  	_ = 	snop  }
0x3b: {  	_ = 	snop  }
0x3c: {  	p2 =	seq.s32 s10, $0x1;
	s10 =	sld [smem:$0x3FAC]  }
0x3d: {  	_ =	shalt  }
0x3e: {  	_ =	shalt  }
0x3f: {  	_ =	shalt  }
0x40: {  	_ =	shalt  }
0x41: {  	_ =	shalt  }
0x42: {  	_ =	shalt  }
0x43: {  	_ =	shalt  }
0x44: {  	_ =	shalt  }
0x45: {  	_ =	shalt  }
0x46: {  	_ =	shalt  }
0x47: {  	_ =	shalt  }
0x48: {  	_ =	shalt  }
0x49: {  	_ =	shalt  }
0x4a: {  	_ =	shalt  }
0x4b: {  	_ =	shalt  }
0x4c: {  	_ =	shalt  }
0x4d: {  	_ =	shalt  }
0x4e: {  	_ =	shalt  }
0x4f: {  	_ =	shalt  }
0x50: {  	_ =	shalt  }
0x51: {  	_ =	shalt  }
0x52: {  	_ =	shalt  }
0x53: {  	_ =	shalt  }
0x54: {  	_ =	shalt  }
0x55: {  	_ =	shalt  }
0x56: {  	_ =	shalt  }
0x57: {  	_ =	shalt  }
0x58: {  	_ =	shalt  }
0x59: {  	_ =	shalt  }
0x5a: {  	_ =	shalt  }
0x5b: {  	_ =	shalt  }
0x5c: {  	_ =	shalt  }
0x5d: {  	_ =	shalt  }
0x5e: {  	_ =	shalt  }
0x5f: {  	_ =	shalt  }
0x60: {  	_ =	shalt  }
0x61: {  	_ =	shalt  }
0x62: {  	_ =	shalt  }
0x63: {  	_ =	shalt  }
0x64: {  	_ =	shalt  }
0x65: {  	_ =	shalt  }
0x66: {  	_ =	shalt  }
0x67: {  	_ =	shalt  }
0x68: {  	_ =	shalt  }
0x69: {  	_ =	shalt  }
0x6a: {  	_ =	shalt  }
0x6b: {  	_ =	shalt  }
0x6c: {  	_ =	shalt  }
0x6d: {  	_ =	shalt  }
0x6e: {  	_ =	shalt  }
0x6f: {  	_ =	shalt  }
0x70: {  	_ =	shalt  }
0x71: {  	_ =	shalt  }
0x72: {  	_ =	shalt  }
0x73: {  	_ =	shalt  }
0x74: {  	_ =	shalt  }
0x75: {  	_ =	shalt  }
0x76: {  	_ =	shalt  }
0x77: {  	_ =	shalt  }
0x78: {  	_ =	shalt  }
0x79: {  	_ =	shalt  }
0x7a: {  	_ =	shalt  }
0x7b: {  	_ =	shalt  }
0x7c: {  	_ =	shalt  }
0x7d: {  	_ =	shalt  }
0x7e: {  	_ =	shalt  }
0x7f: {  	_ =	shalt  }
0x80: {  	_ =	shalt  }
0x81: {  	_ =	shalt  }
0x82: {  	_ =	shalt  }
0x83: {  	_ =	shalt  }
0x84: {  	_ =	shalt  }
0x85: {  	_ =	shalt  }
0x86: {  	_ =	shalt  }
0x87: {  	_ =	shalt  }
.Lfunc_end0:
.L_simem_size_0:
called_computation.2_lowered:
.L_overlay_start_0:
0x88: {  	s2 =	sld [smem:$0x3FD9]  }
0x89: {  	s3 =	sld [smem:$0x3FFE];
	_ =	sdelay $0x1  }
0x8a: {  	s1 =	srdreg.scid  }
0x8b: {  	s0 =	sand.u32 $0x1, s1  }
0x8c: {  	s16 =	sshll.u32 s0, $0xA;
	s2 =	sadd.s32 s3, s2  }
0x8d: {  	s2 =	sadd.s32 s2, s16  }
0x8e: {  	[smem:$0x3FB8] =	sst s2  }
0x8f: {  	_ = 	snop  }
0x90: {  	(tm) =	ssettm $0x1  }
0x91: {  	s17 =	sld [smem:$0x3FFB];
	_ =	sdelay $0x3  }
0x92: {  	_ =	strace s17  }
0x93: {  	s2 =	sld [smem:$0x3FFC];
	_ =	sdelay $0x3  }
0x94: {  	_ =	strace s2  }
0x95: {  	s2 =	sld [smem:$0x3FFD];
	_ =	sdelay $0x3  }
0x96: {  	_ =	strace s2  }
0x97: {  	_ =	strace $0x8FFFFFFF  }
0x98: {  	s18 =	sld [smem:$0x3FDB];
	_ =	sdelay $0x1  }
0x99: {  	s19 =	simm.s32 $_scs_section_size  }
0x9a: {  	s4 =	simm.s32 $_size__tile_overlayer_lowered;
	s5 =	simm.s32 $_tile_overlayer_lowered  }
0x9b: {  	s22 =	simm.s32 $0x1BFF;
	s21 =	sshll.u32 s5, $0x1;
	s2 =	sadd.s32 s19, s18  }
0x9c: {  	s6 =	simm.s32 $0x0;
	s20 =	sshll.u32 s4, $0x1;
	s4 =	sadd.s32 s21, s2  }
0x9d: {  	[timem:s6], [sflag:s22] =	dma.local [hbm:s4], s20  }
0x9e: {  	_ =	swait.ge [sflag:s22], s20  }
0x9f: {  	s3 =	ssub.s32 $0x0, s20;
	[sflag:s22] =	ssyncset.done $0x0  }
0xa0: {  	[sflag:s22] =	ssyncadd.s32 s3;
	_ =	sdelay $0x1  }
0xa1: {  	s23 =	simm.s32 $0x1B8B  }
0xa2: {  	_ =	swait.ge [sflag:s23], $0x1  }
0xa3: {  	[sflag:s23] =	ssyncset.done $0x0  }
0xa4: {  	s25 =	simm.s32 $0x1B8E;
	s24 =	sld [smem:$0x3FFE];
	[sflag:s23] =	ssyncadd.s32 $0xFFFFFFFF  }
0xa5: {  	s26 =	simm.s32 $execute0_lowered;
	[smem:$0x3FD2] =	sst s25  }
0xa6: {  	s4 =	sshll.u32 s26, $0x1;
	_ =	strace $0x8000004C;
	[dreg:$0x1] =	wrdreg $0xFFFFFFFF  }
0xa7: {  	s28 =	simm.s32 $_size_execute0_lowered;
	s2 =	sadd.s32 s2, s4;
	[dreg:$0x0] =	wrdreg $0x0  }
0xa8: {  	s4 =	sshll.u32 s28, $0x1;
	[dreg:$0x2] =	wrdreg s2  }
0xa9: {  	[dreg:$0x3] =	wrdreg s4  }
0xaa: {  	[dreg:$0x4] =	wrdreg $0xC0  }
0xab: {  	_ =	task [dreg:s6], $0x5FFFF  }
0xac: {  	[dreg:$0x1] =	wrdreg $0xFFFFFFFF  }
0xad: {  	[dreg:$0x0] =	wrdreg $0x60  }
0xae: {  	[dreg:$0x2] =	wrdreg s24  }
0xaf: {  	[dreg:$0x3] =	wrdreg $0x13D000  }
0xb0: {  	[dreg:$0x4] =	wrdreg $0x9  }
0xb1: {  	_ =	task.clear_ibuf [dreg:s6], $0x5FFFF;
	_ =	strace $0x9000004C  }
0xb2: {  	s29 =	simm.s32 $0x9;
	_ =	strace $0x8000004E  }
0xb3: {  	_ =	swait.ge [sflag:s29], $0x1  }
0xb4: {  	[sflag:s29] =	ssyncadd.s32 $0xFFFFFFFF  }
0xb5: {  	_ =	strace $0x9000004E  }
0xb6: {  	_ =	sfence  }
0xb7: {  	s30 =	sld [smem:$0x0];
	_ =	sdelay $0x2  }
0xb8: {  	s31 =	sshll.u32 s1, $0xD;
	s1 =	sshrl.u32 s1, $0x2  }
0xb9: {  	s3 =	sand.u32 $0x4000, s31;
	s1 =	sadd.s32 s1, s30  }
0xba: {  	s0 =	sor.u32 s3, s0;
	s1 =	sshll.u32 s1, $0x11  }
0xbb: {  	s0 =	sor.u32 s1, s0  }
0xbc: {  	s0 =	sadd.s32 $0x8F2B, s0  }
0xbd: {  	[sflag:s0] =	ssyncadd.remote.s32 $0x1  }
0xbe: {  	_ =	sfence.sel $0xFFFF  }
0xbf: {  	[dreg:$0x0] =	wrdreg $0xFFFFFFFF;
	(pc) =	sbr.abs _section_cstart, $3  }
0xc0: {  	[dreg:$0x1] =	wrdreg $0xFFFFFFFF  }
0xc1: {  	_ =	task.clear_ibuf [dreg:s6], $0x2FFFF;
	_ =	strace $0x9FFFFFFF  }
0xc2: {  	(tm) =	ssettm $0x7FFFFFFF  }
0xc3: {  	_ =	shalt  }
tec
execute0_lowered:
.L_overlay_start_1:
0x0: {  	(tag) =	ssettag $0x1  }
0x1: {  	s4 =	rddreg [dreg:$0x0]  }
0x2: {  	s0 =	srdreg.scid;
	s2 =	rddreg [dreg:$0x1]  }
0x3: {  	s1 =	stileid.u32;
	s3 =	simm.s32 $0x0;
	s14 =	simm.s32 $0x9D00  }
0x4: {  	s15 =	simm.s32 $0xBD00;
	s16 =	simm.s32 $0x100;
	s17 =	simm.s32 $0xDD00  }
0x5: {  	s18 =	simm.s32 $0x1;
	s19 =	simm.s32 $0x2;
	s20 =	simm.s32 $0x0  }
0x6: {  	s5 =	sand.u32 $0x1, s0;
	s0 =	rddreg [dreg:$0x2];
	s7 =	smul.u32 $0x9D0, s1  }
0x7: {  	[smem:$0x7FF] =	sst s3;
	s9 =	smul.u32 $0x9E00, s1;
	s31 =	sshll.u32 s1, $0x6  }
0x8: {  	s6 =	smul.u32 $0x9E000, s5;
	_ =	strace $0x8000004D;
	s5 =	ssub.s32 $0x2, s5  }
0x9: {  	s7 =	sadd.s32 s7, s4;
	s10 =	sshrl.u32 s9, $0x3;
	s11 =	sshrl.u32 s5, $0x1  }
0xa: {  	s13 =	sadd.s32 s9, s2;
	s8 =	sshrl.u32 s6, $0x3;
	s6 =	sadd.s32 s9, s6  }
0xb: {  	s10 =	sadd.s32 s10, s4;
	s11 =	ssub.s32 s5, s11;
	s5 =	sadd.s32 $0x4400, s7  }
0xc: {  	s8 =	sadd.s32 s8, s4;
	s6 =	sshrl.u32 s6, $0x3;
	s9 =	smax.u32 s11, $0x1  }
0xd: {  	s11 =	sor.u32 $0x1C03, s31;
	s12 =	sadd.s32 s6, s4;
	s4 =	sadd.s32 $0xE200, s7  }
0xe: {  	s6 =	sadd.s32 $0xB6000, s10;
	s7 =	sadd.s32 $0x8E800, s8;
	s10 =	simm.s32 $0x3  }
0xf: {  	s8 =	sadd.s32 $0xC9C00, s12;
	s12 =	sshrl.u32 s13, $0x3;
	s13 =	simm.s32 $0x80  }
.LBB2_1:
0x10: {  	[tilespmem:s3], [sflag:$0x3] =	stream.linear.gather [hbm4b:s4+s3], $0x4E80, $0x38;
	[tilespmem:$0x1DB00] =	vst v63  }
0x11: {  	_ =	swait.ge [sflag:s10], $0x4E80  }
0x12: {  	[sflag:s10] =	ssyncset.done $0x0  }
0x13: {  	s21 =	simm.s32 $0x4E80;
	[sflag:s10] =	ssyncadd.s32 $0xFFFFB180  }
0x14: {  	[tilespmem:s21], [sflag:$0x3] =	stream.linear.gather [hbm4b:s5+s3], $0x4E80, $0x38;
	[tilespmem:$0x1DB00] =	vst v63  }
0x15: {  	_ =	swait.ge [sflag:s10], $0x4E80  }
0x16: {  	[sflag:s10] =	ssyncset.done $0x0  }
0x17: {  	[sflag:s10] =	ssyncadd.s32 $0xFFFFB180  }
0x18: {  	[spmem:s12], [sflag:s11] =	dma.local [hbm:s6], $0x13C0  }
0x19: {  	_ =	swait.ge [sflag:s10], $0x13C0  }
0x1a: {  	[sflag:s10] =	ssyncset.done $0x0  }
0x1b: {  	[sflag:s10] =	ssyncadd.s32 $0xFFFFEC40  }
0x1c: {  	[bflag:$0x0] =	sbarrier.arrive $0xFFFF  }
0x1d: {  	[tilespmem:s14], [sflag:$0x1] =	stream.indirect.gather [hbm4b:s7+s13], $0x40, s3, s13, $0xb8;
	[tilespmem:$0x1DB00] =	vst v63  }
0x1e: {  	_ = 	snop  }
0x1f: {  	[tilespmem:s15], [sflag:$0x1] =	stream.indirect.gather [hbm4b:s7+s13], $0x40, s13, s13, $0xb8;
	[tilespmem:$0x1DB00] =	vst v63  }
0x20: {  	s22 =	simm.s32 $0x180;
	s23 =	simm.s32 $0x0  }
0x21: {  	[tilespmem:s17], [sflag:$0x1] =	stream.indirect.gather [hbm4b:s7+s13], $0x40, s16, s13, $0xb8;
	[tilespmem:$0x1DB00] =	vst v63  }
.LBB2_2:
0x22: {  	s24 =	smul.u32 $0xCD, s23;
	_ =	sdelay $0x1  }
0x23: {  	s24 =	sshrl.u32 s24, $0xA  }
0x24: {  	s24 =	sand.u32 $0x3F, s24  }
0x25: {  	s24 =	smul.u32 $0x5, s24;
	_ =	sdelay $0x1  }
0x26: {  	s24 =	ssub.s32 s23, s24  }
0x27: {  	_ =	swait.ge [sflag:s18], $0x2000;
	s24 =	sand.u32 $0xFF, s24  }
0x28: {  	[sflag:s18] =	ssyncset.done $0x0;
	s24 =	sshll.u32 s24, $0xD  }
0x29: {  	p0 =	slt.u32 s23, $0x2;
	[sflag:s18] =	ssyncadd.s32 $0xFFFFE000;
	s24 =	sadd.s32 $0x9D00, s24  }
0x2a: {  	[spmem:s2] =	stream.indirect.scatter.add.f32 [tilespmem:s24], [sflag:$0x2], $0x40, s21, s13, $0xb8;
	[tilespmem:$0x1DB00] =	vst v63  }
0x2b: {  	s24 =	simm.s32 @!p0 $0x2  }
0x2c: {  	p1 =	sgt.u32 @!p0 s23, $0x99;
	_ =	swait.ge @!p0 [sflag:s24], $0x2000  }
0x2d: {  	p1 =	por p0, !p1;
	[sflag:s24] =	ssyncset.done @!p0 $0x0  }
0x2e: {  	[sflag:s24] =	ssyncadd.s32 @!p0 $0xFFFFE000;
	s24 =	sadd.s32 @p1 $0x3, s23  }
0x2f: {  	s25 =	smul.u32 @p1 $0xCD, s24;
	_ =	sdelay $0x1  }
0x30: {  	s25 =	sshrl.u32 @p1 s25, $0xA  }
0x31: {  	s25 =	sand.u32 @p1 $0x3F, s25  }
0x32: {  	s25 =	smul.u32 @p1 $0x5, s25  }
0x33: {  	s23 =	sadd.s32 $0x1, s23  }
0x34: {  	p0 =	sne.s32 s23, $0x9D;
	s24 =	ssub.s32 @p1 s24, s25  }
.Ltmp0:
0x35: {  	s24 =	sand.u32 @p1 $0xFF, s24;
	(pc) =	sbr.rel @p0 .LBB2_2-.Ltmp0, $4  }
0x36: {  	s24 =	sshll.u32 @p1 s24, $0xD  }
0x37: {  	s24 =	sadd.s32 @p1 $0x9D00, s24  }
0x38: {  	[tilespmem:s24], [sflag:$0x1] =	stream.indirect.gather @p1 [hbm4b:s7+s13], $0x40, s22, s13, $0xb8;
	[tilespmem:$0x1DB00] =	vst v63  }
0x39: {  	s21 =	sadd.s32 $0x80, s21;
	s22 =	sadd.s32 $0x80, s22  }
0x3a: {  	_ =	swait.ge [sflag:s19], $0x2000  }
0x3b: {  	[sflag:s19] =	ssyncset.done $0x0  }
0x3c: {  	[sflag:s19] =	ssyncadd.s32 $0xFFFFE000  }
0x3d: {  	_ =	swait.ge [sflag:s19], $0x2000  }
0x3e: {  	s20 =	sadd.s32 $0x1, s20;
	[sflag:s19] =	ssyncset.done $0x0  }
0x3f: {  	p0 =	sne.s32 s20, s9;
	[sflag:s19] =	ssyncadd.s32 $0xFFFFE000  }
.Ltmp1:
0x40: {  	[bflag:$0x0] =	sbarrier.arrive $0xFFFF;
	(pc) =	sbr.rel @p0 .LBB2_1-.Ltmp1, $4  }
0x41: {  	[hbm:s8], [sflag:s11] =	dma.local [spmem:s12], $0x13C0  }
0x42: {  	_ =	swait.ge [sflag:s10], $0x13C0  }
0x43: {  	[sflag:s10] =	ssyncset.done $0x0  }
0x44: {  	[sflag:s10] =	ssyncadd.s32 $0xFFFFEC40  }
0x45: {  	_ =	sfence.sel $0x180000  }
0x46: {  	[bflag:$0x0] =	sbarrier.arrive $0xFFFF  }
0x47: {  	p0 =	sne.s32 s1, $0x0;
	_ =	strace $0x9000004D  }
0x48: {  	s0 =	sadd.s32 @!p0 $0x100000, s0;
	[bflag:$0x2] =	sbarrier.arrive $0xFFFF  }
0x49: {  	[sflag:s0] =	ssyncadd.tile.s32 @!p0 $0x1;
	_ =	shalt  }
.Lfunc_end2:
_tile_overlayer_lowered:
.L_overlay_start_2:
0x4a: {  	(tag) =	ssettag $0x2  }
0x4b: {  	s0 =	rddreg [dreg:$0x0];
	s2 =	stileid.u32  }
0x4c: {  	s1 =	rddreg [dreg:$0x1];
	p0 =	sne.s32 s2, $0x0  }
0x4d: {  	s3 =	rddreg [dreg:$0x2];
	[bflag:$0x3] =	sbarrier.arrive $0xFFFF;
	s2 =	simm.s32 @!p0 $0x1C03  }
0x4e: {  	[timem:s3], [sflag:s2] =	dma.local @!p0 [hbm:s0], s1  }
0x4f: {  	s0 =	simm.s32 @!p0 $0x3  }
0x50: {  	_ =	swait.ge @!p0 [sflag:s0], s1  }
0x51: {  	s1 =	ssub.s32 @!p0 $0x0, s1;
	[sflag:s0] =	ssyncset.done @!p0 $0x0  }
0x52: {  	[sflag:s0] =	ssyncadd.s32 @!p0 s1  }
0x53: {  	[bflag:$0x3] =	sbarrier.arrive $0xFFFF  }
0x54: {  	_ =	shalt  }

// kernel: kernel.21.cloned.1.call-start
scs
__scs_entry_jumppad:
0x0: {  	(pc) =	sbr.rel $0x88, $3  }
0x1: {  	(tag) =	ssettag $0x0;
	lr =	simm.s32 $0x1  }
0x2: {  	[smem:$0x3F91] =	sst lr;
	_ =	strace $0xD0000000  }
0x3: {  	_ = 	snop  }
0x4: {  	_ = 	snop  }
0x5: {  	_ = 	snop  }
0x6: {  	_ = 	snop  }
0x7: {  	_ = 	snop  }
__scs_overlays_trampoline_lowered:
0x8: {  	[smem:$0x3FA0] =	sst s0  }
0x9: {  	[smem:$0x3FA1] =	sst s1  }
0xa: {  	[smem:$0x3FA2] =	sst s2  }
0xb: {  	[smem:$0x3FA3] =	sst s3  }
0xc: {  	[smem:$0x3FA4] =	sst s4  }
0xd: {  	[smem:$0x3FA5] =	sst s5  }
0xe: {  	[smem:$0x3FA6] =	sst s6  }
0xf: {  	[smem:$0x3FA7] =	sst s7  }
0x10: {  	[smem:$0x3FA8] =	sst s8  }
0x11: {  	[smem:$0x3FA9] =	sst s9;
	s0 =	simm.s32 @!p0 $0x0  }
0x12: {  	s1 =	sld [smem:$0x3F8F];
	s0 =	simm.s32 @p0 $0x1  }
0x13: {  	[smem:$0x3FAA] =	sst s0;
	s0 =	simm.s32 @!p1 $0x0  }
0x14: {  	s2 =	sld [smem:$0x3F8E];
	s0 =	simm.s32 @p1 $0x1  }
0x15: {  	[smem:$0x3FAB] =	sst s0;
	s0 =	simm.s32 @!p2 $0x0  }
0x16: {  	s3 =	sld [smem:$0x3FDB];
	s0 =	simm.s32 @p2 $0x1  }
0x17: {  	s4 =	simm.s32 $0x1BF5;
	[smem:$0x3FAD] =	sst s0  }
0x18: {  	s0 =	sld [smem:$0x3F90];
	_ =	swait.ge [sflag:s4], $0x0  }
0x19: {  	s7 =	sld [smem:$0x3F91]  }
0x1a: {  	s8 =	sadd.s32 $0xFFFFE003, lr  }
0x1b: {  	s9 =	sadd.s32 $0xFFFFFEF7, lr;
	s5 =	simm.s32 $0xFFFFFFFF;
	p2 =	slt.u32 s8, $0xFFFFF086  }
0x1c: {  	p1 =	slt.u32 s9, $0xF7A;
	s5 =	simm.s32 @!p2 $0x0  }
0x1d: {  	s5 =	simm.s32 @p1 $0x1;
	p0 =	seq.s32 s7, s2  }
0x1e: {  	s7 =	smul.u32 @!p0 $0xF7A, s2;
	p2 =	seq.s32 @!p0 s5, $0x0  }
0x1f: {  	s9 =	smul.u32 $0xF7A, s1;
	s8 =	simm.s32 @!p0 $0x1BF5;
	p2 =	por !p2, p0  }
0x20: {  	[sflag:s8] =	ssyncset.s32 @!p0 $0xFFFFF086;
	s6 =	sadd.s32 @!p0 s3, s7;
	s7 =	simm.s32 @!p0 $0x108  }
0x21: {  	s3 =	sadd.s32 s3, s9;
	s6 =	sadd.s32 @!p0 $0x88, s6;
	s7 =	simm.s32 @p2 $0x1082  }
0x22: {  	[simem:s7], [sflag:s8] =	dma.local @!p0 [hbm:s6], $0xF7A  }
0x23: {  	s9 =	sor.u32 $0xD0000000, s2;
	s6 =	simm.s32 $0x108;
	_ =	swait.ge @!p0 [sflag:s8], $0x0  }
0x24: {  	s3 =	sadd.s32 $0x88, s3;
	s6 =	simm.s32 @!p1 $0x1082;
	[sflag:s4] =	ssyncset.s32 $0xFFFFF086  }
0x25: {  	[simem:s6], [sflag:s4] =	dma.local [hbm:s3], $0xF7A  }
0x26: {  	[smem:$0x3F91] =	sst s1;
	(tag) =	ssettag s2;
	_ =	strace s9  }
0x27: {  	s1 =	sld [smem:$0x3FA1]  }
0x28: {  	s2 =	sld [smem:$0x3FA2]  }
0x29: {  	s4 =	sld [smem:$0x3FA4]  }
0x2a: {  	p0 =	seq.s32 s5, $0x0;
	s5 =	sld [smem:$0x3FA5]  }
0x2b: {  	s6 =	sld [smem:$0x3FA6]  }
0x2c: {  	s7 =	sld [smem:$0x3FA7]  }
0x2d: {  	s3 =	simm.s32 $0x108;
	s8 =	sld [smem:$0x3FA8]  }
0x2e: {  	s3 =	simm.s32 @!p0 $0x1082;
	s9 =	sld [smem:$0x3FA9]  }
0x2f: {  	lr =	sadd.s32 s0, s3;
	s0 =	sld [smem:$0x3FA0]  }
0x30: {  	s3 =	sld [smem:$0x3FA3]  }
0x31: {  	[smem:$0x3FAC] =	sst s10  }
0x32: {  	s10 =	sld [smem:$0x3FAA];
	_ =	sdelay $0x3  }
0x33: {  	p0 =	seq.s32 s10, $0x1;
	s10 =	sld [smem:$0x3FAC];
	_ =	sdelay $0x3  }
0x34: {  	[smem:$0x3FAC] =	sst s10  }
0x35: {  	s10 =	sld [smem:$0x3FAB];
	_ =	sdelay $0x3  }
0x36: {  	p1 =	seq.s32 s10, $0x1;
	s10 =	sld [smem:$0x3FAC];
	_ =	sdelay $0x3  }
0x37: {  	[smem:$0x3FAC] =	sst s10  }
0x38: {  	s10 =	sld [smem:$0x3FAD]  }
0x39: {  	_ = 	snop;
	(pc) =	sbr.ind lr, $3  }
0x3a: {  	_ = 	snop  }
0x3b: {  	_ = 	snop  }
0x3c: {  	p2 =	seq.s32 s10, $0x1;
	s10 =	sld [smem:$0x3FAC]  }
0x3d: {  	_ =	shalt  }
0x3e: {  	_ =	shalt  }
0x3f: {  	_ =	shalt  }
0x40: {  	_ =	shalt  }
0x41: {  	_ =	shalt  }
0x42: {  	_ =	shalt  }
0x43: {  	_ =	shalt  }
0x44: {  	_ =	shalt  }
0x45: {  	_ =	shalt  }
0x46: {  	_ =	shalt  }
0x47: {  	_ =	shalt  }
0x48: {  	_ =	shalt  }
0x49: {  	_ =	shalt  }
0x4a: {  	_ =	shalt  }
0x4b: {  	_ =	shalt  }
0x4c: {  	_ =	shalt  }
0x4d: {  	_ =	shalt  }
0x4e: {  	_ =	shalt  }
0x4f: {  	_ =	shalt  }
0x50: {  	_ =	shalt  }
0x51: {  	_ =	shalt  }
0x52: {  	_ =	shalt  }
0x53: {  	_ =	shalt  }
0x54: {  	_ =	shalt  }
0x55: {  	_ =	shalt  }
0x56: {  	_ =	shalt  }
0x57: {  	_ =	shalt  }
0x58: {  	_ =	shalt  }
0x59: {  	_ =	shalt  }
0x5a: {  	_ =	shalt  }
0x5b: {  	_ =	shalt  }
0x5c: {  	_ =	shalt  }
0x5d: {  	_ =	shalt  }
0x5e: {  	_ =	shalt  }
0x5f: {  	_ =	shalt  }
0x60: {  	_ =	shalt  }
0x61: {  	_ =	shalt  }
0x62: {  	_ =	shalt  }
0x63: {  	_ =	shalt  }
0x64: {  	_ =	shalt  }
0x65: {  	_ =	shalt  }
0x66: {  	_ =	shalt  }
0x67: {  	_ =	shalt  }
0x68: {  	_ =	shalt  }
0x69: {  	_ =	shalt  }
0x6a: {  	_ =	shalt  }
0x6b: {  	_ =	shalt  }
0x6c: {  	_ =	shalt  }
0x6d: {  	_ =	shalt  }
0x6e: {  	_ =	shalt  }
0x6f: {  	_ =	shalt  }
0x70: {  	_ =	shalt  }
0x71: {  	_ =	shalt  }
0x72: {  	_ =	shalt  }
0x73: {  	_ =	shalt  }
0x74: {  	_ =	shalt  }
0x75: {  	_ =	shalt  }
0x76: {  	_ =	shalt  }
0x77: {  	_ =	shalt  }
0x78: {  	_ =	shalt  }
0x79: {  	_ =	shalt  }
0x7a: {  	_ =	shalt  }
0x7b: {  	_ =	shalt  }
0x7c: {  	_ =	shalt  }
0x7d: {  	_ =	shalt  }
0x7e: {  	_ =	shalt  }
0x7f: {  	_ =	shalt  }
0x80: {  	_ =	shalt  }
0x81: {  	_ =	shalt  }
0x82: {  	_ =	shalt  }
0x83: {  	_ =	shalt  }
0x84: {  	_ =	shalt  }
0x85: {  	_ =	shalt  }
0x86: {  	_ =	shalt  }
0x87: {  	_ =	shalt  }
.Lfunc_end0:
.L_simem_size_0:
called_computation.3_lowered:
.L_overlay_start_0:
0x88: {  	s2 =	sld [smem:$0x3FD9]  }
0x89: {  	s3 =	sld [smem:$0x3FFE];
	_ =	sdelay $0x1  }
0x8a: {  	s1 =	srdreg.scid  }
0x8b: {  	s0 =	sand.u32 $0x1, s1  }
0x8c: {  	s16 =	sshll.u32 s0, $0xA;
	s2 =	sadd.s32 s3, s2  }
0x8d: {  	s2 =	sadd.s32 s2, s16  }
0x8e: {  	[smem:$0x3FB8] =	sst s2  }
0x8f: {  	_ = 	snop  }
0x90: {  	(tm) =	ssettm $0x1  }
0x91: {  	s17 =	sld [smem:$0x3FFB];
	_ =	sdelay $0x3  }
0x92: {  	_ =	strace s17  }
0x93: {  	s2 =	sld [smem:$0x3FFC];
	_ =	sdelay $0x3  }
0x94: {  	_ =	strace s2  }
0x95: {  	s2 =	sld [smem:$0x3FFD];
	_ =	sdelay $0x3  }
0x96: {  	_ =	strace s2  }
0x97: {  	_ =	strace $0x8FFFFFFF  }
0x98: {  	s18 =	sld [smem:$0x3FDB];
	_ =	sdelay $0x1  }
0x99: {  	s19 =	simm.s32 $_scs_section_size  }
0x9a: {  	s4 =	simm.s32 $_size__tile_overlayer_lowered;
	s5 =	simm.s32 $_tile_overlayer_lowered  }
0x9b: {  	s22 =	simm.s32 $0x1BFF;
	s21 =	sshll.u32 s5, $0x1;
	s2 =	sadd.s32 s19, s18  }
0x9c: {  	s6 =	simm.s32 $0x0;
	s20 =	sshll.u32 s4, $0x1;
	s4 =	sadd.s32 s21, s2  }
0x9d: {  	[timem:s6], [sflag:s22] =	dma.local [hbm:s4], s20  }
0x9e: {  	_ =	swait.ge [sflag:s22], s20  }
0x9f: {  	s3 =	ssub.s32 $0x0, s20;
	[sflag:s22] =	ssyncset.done $0x0  }
0xa0: {  	[sflag:s22] =	ssyncadd.s32 s3;
	_ =	sdelay $0x1  }
0xa1: {  	s23 =	simm.s32 $0x1B8B  }
0xa2: {  	_ =	swait.ge [sflag:s23], $0x1  }
0xa3: {  	[sflag:s23] =	ssyncset.done $0x0  }
0xa4: {  	s25 =	simm.s32 $0x1B8E;
	s24 =	sld [smem:$0x3FFE];
	[sflag:s23] =	ssyncadd.s32 $0xFFFFFFFF  }
0xa5: {  	s26 =	simm.s32 $execute0_lowered;
	[smem:$0x3FD2] =	sst s25  }
0xa6: {  	s4 =	sshll.u32 s26, $0x1;
	_ =	strace $0x8000004F;
	[dreg:$0x1] =	wrdreg $0xFFFFFFFF  }
0xa7: {  	s28 =	simm.s32 $_size_execute0_lowered;
	s2 =	sadd.s32 s2, s4;
	[dreg:$0x0] =	wrdreg $0x0  }
0xa8: {  	s4 =	sshll.u32 s28, $0x1;
	[dreg:$0x2] =	wrdreg s2  }
0xa9: {  	[dreg:$0x3] =	wrdreg s4  }
0xaa: {  	[dreg:$0x4] =	wrdreg $0xC0  }
0xab: {  	_ =	task [dreg:s6], $0x5FFFF  }
0xac: {  	[dreg:$0x1] =	wrdreg $0xFFFFFFFF  }
0xad: {  	[dreg:$0x0] =	wrdreg $0x60  }
0xae: {  	[dreg:$0x2] =	wrdreg s24  }
0xaf: {  	[dreg:$0x3] =	wrdreg $0x13D000  }
0xb0: {  	[dreg:$0x4] =	wrdreg $0x9  }
0xb1: {  	_ =	task.clear_ibuf [dreg:s6], $0x5FFFF;
	_ =	strace $0x9000004F  }
0xb2: {  	s29 =	simm.s32 $0x9;
	_ =	strace $0x80000051  }
0xb3: {  	_ =	swait.ge [sflag:s29], $0x1  }
0xb4: {  	[sflag:s29] =	ssyncadd.s32 $0xFFFFFFFF  }
0xb5: {  	_ =	strace $0x90000051  }
0xb6: {  	_ =	sfence  }
0xb7: {  	s30 =	sld [smem:$0x0];
	_ =	sdelay $0x2  }
0xb8: {  	s31 =	sshll.u32 s1, $0xD;
	s1 =	sshrl.u32 s1, $0x2  }
0xb9: {  	s3 =	sand.u32 $0x4000, s31;
	s1 =	sadd.s32 s1, s30  }
0xba: {  	s0 =	sor.u32 s3, s0;
	s1 =	sshll.u32 s1, $0x11  }
0xbb: {  	s0 =	sor.u32 s1, s0  }
0xbc: {  	s0 =	sadd.s32 $0x8F2B, s0  }
0xbd: {  	[sflag:s0] =	ssyncadd.remote.s32 $0x1  }
0xbe: {  	_ =	sfence.sel $0xFFFF  }
0xbf: {  	[dreg:$0x0] =	wrdreg $0xFFFFFFFF;
	(pc) =	sbr.abs _section_cstart, $3  }
0xc0: {  	[dreg:$0x1] =	wrdreg $0xFFFFFFFF  }
0xc1: {  	_ =	task.clear_ibuf [dreg:s6], $0x2FFFF;
	_ =	strace $0x9FFFFFFF  }
0xc2: {  	(tm) =	ssettm $0x7FFFFFFF  }
0xc3: {  	_ =	shalt  }
tec
execute0_lowered:
.L_overlay_start_1:
0x0: {  	(tag) =	ssettag $0x1  }
0x1: {  	s4 =	rddreg [dreg:$0x0]  }
0x2: {  	s0 =	srdreg.scid;
	s2 =	rddreg [dreg:$0x1]  }
0x3: {  	s1 =	stileid.u32;
	s3 =	simm.s32 $0x0;
	s14 =	simm.s32 $0x9D00  }
0x4: {  	s15 =	simm.s32 $0xBD00;
	s16 =	simm.s32 $0x100;
	s17 =	simm.s32 $0xDD00  }
0x5: {  	s18 =	simm.s32 $0x1;
	s19 =	simm.s32 $0x2;
	s20 =	simm.s32 $0x0  }
0x6: {  	s5 =	sand.u32 $0x1, s0;
	s0 =	rddreg [dreg:$0x2];
	s7 =	smul.u32 $0x9D0, s1  }
0x7: {  	[smem:$0x7FF] =	sst s3;
	s9 =	smul.u32 $0x9E00, s1;
	s31 =	sshll.u32 s1, $0x6  }
0x8: {  	s6 =	smul.u32 $0x9E000, s5;
	_ =	strace $0x80000050;
	s5 =	ssub.s32 $0x2, s5  }
0x9: {  	s7 =	sadd.s32 s7, s4;
	s10 =	sshrl.u32 s9, $0x3;
	s11 =	sshrl.u32 s5, $0x1  }
0xa: {  	s13 =	sadd.s32 s9, s2;
	s8 =	sshrl.u32 s6, $0x3;
	s6 =	sadd.s32 s9, s6  }
0xb: {  	s10 =	sadd.s32 s10, s4;
	s11 =	ssub.s32 s5, s11;
	s5 =	sadd.s32 $0x4400, s7  }
0xc: {  	s8 =	sadd.s32 s8, s4;
	s6 =	sshrl.u32 s6, $0x3;
	s9 =	smax.u32 s11, $0x1  }
0xd: {  	s11 =	sor.u32 $0x1C03, s31;
	s12 =	sadd.s32 s6, s4;
	s4 =	sadd.s32 $0xE200, s7  }
0xe: {  	s6 =	sadd.s32 $0xB6000, s10;
	s7 =	sadd.s32 $0x8E800, s8;
	s10 =	simm.s32 $0x3  }
0xf: {  	s8 =	sadd.s32 $0xC9C00, s12;
	s12 =	sshrl.u32 s13, $0x3;
	s13 =	simm.s32 $0x80  }
.LBB2_1:
0x10: {  	[tilespmem:s3], [sflag:$0x3] =	stream.linear.gather [hbm4b:s4+s3], $0x4E80, $0x38;
	[tilespmem:$0x1DB00] =	vst v63  }
0x11: {  	_ =	swait.ge [sflag:s10], $0x4E80  }
0x12: {  	[sflag:s10] =	ssyncset.done $0x0  }
0x13: {  	s21 =	simm.s32 $0x4E80;
	[sflag:s10] =	ssyncadd.s32 $0xFFFFB180  }
0x14: {  	[tilespmem:s21], [sflag:$0x3] =	stream.linear.gather [hbm4b:s5+s3], $0x4E80, $0x38;
	[tilespmem:$0x1DB00] =	vst v63  }
0x15: {  	_ =	swait.ge [sflag:s10], $0x4E80  }
0x16: {  	[sflag:s10] =	ssyncset.done $0x0  }
0x17: {  	[sflag:s10] =	ssyncadd.s32 $0xFFFFB180  }
0x18: {  	[spmem:s12], [sflag:s11] =	dma.local [hbm:s6], $0x13C0  }
0x19: {  	_ =	swait.ge [sflag:s10], $0x13C0  }
0x1a: {  	[sflag:s10] =	ssyncset.done $0x0  }
0x1b: {  	[sflag:s10] =	ssyncadd.s32 $0xFFFFEC40  }
0x1c: {  	[bflag:$0x0] =	sbarrier.arrive $0xFFFF  }
0x1d: {  	[tilespmem:s14], [sflag:$0x1] =	stream.indirect.gather [hbm4b:s7+s13], $0x40, s3, s13, $0xb8;
	[tilespmem:$0x1DB00] =	vst v63  }
0x1e: {  	_ = 	snop  }
0x1f: {  	[tilespmem:s15], [sflag:$0x1] =	stream.indirect.gather [hbm4b:s7+s13], $0x40, s13, s13, $0xb8;
	[tilespmem:$0x1DB00] =	vst v63  }
0x20: {  	s22 =	simm.s32 $0x180;
	s23 =	simm.s32 $0x0  }
0x21: {  	[tilespmem:s17], [sflag:$0x1] =	stream.indirect.gather [hbm4b:s7+s13], $0x40, s16, s13, $0xb8;
	[tilespmem:$0x1DB00] =	vst v63  }
.LBB2_2:
0x22: {  	s24 =	smul.u32 $0xCD, s23;
	_ =	sdelay $0x1  }
0x23: {  	s24 =	sshrl.u32 s24, $0xA  }
0x24: {  	s24 =	sand.u32 $0x3F, s24  }
0x25: {  	s24 =	smul.u32 $0x5, s24;
	_ =	sdelay $0x1  }
0x26: {  	s24 =	ssub.s32 s23, s24  }
0x27: {  	_ =	swait.ge [sflag:s18], $0x2000;
	s24 =	sand.u32 $0xFF, s24  }
0x28: {  	[sflag:s18] =	ssyncset.done $0x0;
	s24 =	sshll.u32 s24, $0xD  }
0x29: {  	p0 =	slt.u32 s23, $0x2;
	[sflag:s18] =	ssyncadd.s32 $0xFFFFE000;
	s24 =	sadd.s32 $0x9D00, s24  }
0x2a: {  	[spmem:s2] =	stream.indirect.scatter.add.f32 [tilespmem:s24], [sflag:$0x2], $0x40, s21, s13, $0xb8;
	[tilespmem:$0x1DB00] =	vst v63  }
0x2b: {  	s24 =	simm.s32 @!p0 $0x2  }
0x2c: {  	p1 =	sgt.u32 @!p0 s23, $0x99;
	_ =	swait.ge @!p0 [sflag:s24], $0x2000  }
0x2d: {  	p1 =	por p0, !p1;
	[sflag:s24] =	ssyncset.done @!p0 $0x0  }
0x2e: {  	[sflag:s24] =	ssyncadd.s32 @!p0 $0xFFFFE000;
	s24 =	sadd.s32 @p1 $0x3, s23  }
0x2f: {  	s25 =	smul.u32 @p1 $0xCD, s24;
	_ =	sdelay $0x1  }
0x30: {  	s25 =	sshrl.u32 @p1 s25, $0xA  }
0x31: {  	s25 =	sand.u32 @p1 $0x3F, s25  }
0x32: {  	s25 =	smul.u32 @p1 $0x5, s25  }
0x33: {  	s23 =	sadd.s32 $0x1, s23  }
0x34: {  	p0 =	sne.s32 s23, $0x9D;
	s24 =	ssub.s32 @p1 s24, s25  }
.Ltmp0:
0x35: {  	s24 =	sand.u32 @p1 $0xFF, s24;
	(pc) =	sbr.rel @p0 .LBB2_2-.Ltmp0, $4  }
0x36: {  	s24 =	sshll.u32 @p1 s24, $0xD  }
0x37: {  	s24 =	sadd.s32 @p1 $0x9D00, s24  }
0x38: {  	[tilespmem:s24], [sflag:$0x1] =	stream.indirect.gather @p1 [hbm4b:s7+s13], $0x40, s22, s13, $0xb8;
	[tilespmem:$0x1DB00] =	vst v63  }
0x39: {  	s21 =	sadd.s32 $0x80, s21;
	s22 =	sadd.s32 $0x80, s22  }
0x3a: {  	_ =	swait.ge [sflag:s19], $0x2000  }
0x3b: {  	[sflag:s19] =	ssyncset.done $0x0  }
0x3c: {  	[sflag:s19] =	ssyncadd.s32 $0xFFFFE000  }
0x3d: {  	_ =	swait.ge [sflag:s19], $0x2000  }
0x3e: {  	s20 =	sadd.s32 $0x1, s20;
	[sflag:s19] =	ssyncset.done $0x0  }
0x3f: {  	p0 =	sne.s32 s20, s9;
	[sflag:s19] =	ssyncadd.s32 $0xFFFFE000  }
.Ltmp1:
0x40: {  	[bflag:$0x0] =	sbarrier.arrive $0xFFFF;
	(pc) =	sbr.rel @p0 .LBB2_1-.Ltmp1, $4  }
0x41: {  	[hbm:s8], [sflag:s11] =	dma.local [spmem:s12], $0x13C0  }
0x42: {  	_ =	swait.ge [sflag:s10], $0x13C0  }
0x43: {  	[sflag:s10] =	ssyncset.done $0x0  }
0x44: {  	[sflag:s10] =	ssyncadd.s32 $0xFFFFEC40  }
0x45: {  	_ =	sfence.sel $0x180000  }
0x46: {  	[bflag:$0x0] =	sbarrier.arrive $0xFFFF  }
0x47: {  	p0 =	sne.s32 s1, $0x0;
	_ =	strace $0x90000050  }
0x48: {  	s0 =	sadd.s32 @!p0 $0x100000, s0;
	[bflag:$0x2] =	sbarrier.arrive $0xFFFF  }
0x49: {  	[sflag:s0] =	ssyncadd.tile.s32 @!p0 $0x1;
	_ =	shalt  }
.Lfunc_end2:
_tile_overlayer_lowered:
.L_overlay_start_2:
0x4a: {  	(tag) =	ssettag $0x2  }
0x4b: {  	s0 =	rddreg [dreg:$0x0];
	s2 =	stileid.u32  }
0x4c: {  	s1 =	rddreg [dreg:$0x1];
	p0 =	sne.s32 s2, $0x0  }
0x4d: {  	s3 =	rddreg [dreg:$0x2];
	[bflag:$0x3] =	sbarrier.arrive $0xFFFF;
	s2 =	simm.s32 @!p0 $0x1C03  }
0x4e: {  	[timem:s3], [sflag:s2] =	dma.local @!p0 [hbm:s0], s1  }
0x4f: {  	s0 =	simm.s32 @!p0 $0x3  }
0x50: {  	_ =	swait.ge @!p0 [sflag:s0], s1  }
0x51: {  	s1 =	ssub.s32 @!p0 $0x0, s1;
	[sflag:s0] =	ssyncset.done @!p0 $0x0  }
0x52: {  	[sflag:s0] =	ssyncadd.s32 @!p0 s1  }
0x53: {  	[bflag:$0x3] =	sbarrier.arrive $0xFFFF  }
0x54: {  	_ =	shalt  }

// kernel: kernel.24.cloned.1.call-start
scs
__scs_entry_jumppad:
0x0: {  	(pc) =	sbr.rel $0x88, $3  }
0x1: {  	(tag) =	ssettag $0x0;
	lr =	simm.s32 $0x1  }
0x2: {  	[smem:$0x3F91] =	sst lr;
	_ =	strace $0xD0000000  }
0x3: {  	_ = 	snop  }
0x4: {  	_ = 	snop  }
0x5: {  	_ = 	snop  }
0x6: {  	_ = 	snop  }
0x7: {  	_ = 	snop  }
__scs_overlays_trampoline_lowered:
0x8: {  	[smem:$0x3FA0] =	sst s0  }
0x9: {  	[smem:$0x3FA1] =	sst s1  }
0xa: {  	[smem:$0x3FA2] =	sst s2  }
0xb: {  	[smem:$0x3FA3] =	sst s3  }
0xc: {  	[smem:$0x3FA4] =	sst s4  }
0xd: {  	[smem:$0x3FA5] =	sst s5  }
0xe: {  	[smem:$0x3FA6] =	sst s6  }
0xf: {  	[smem:$0x3FA7] =	sst s7  }
0x10: {  	[smem:$0x3FA8] =	sst s8  }
0x11: {  	[smem:$0x3FA9] =	sst s9;
	s0 =	simm.s32 @!p0 $0x0  }
0x12: {  	s1 =	sld [smem:$0x3F8F];
	s0 =	simm.s32 @p0 $0x1  }
0x13: {  	[smem:$0x3FAA] =	sst s0;
	s0 =	simm.s32 @!p1 $0x0  }
0x14: {  	s2 =	sld [smem:$0x3F8E];
	s0 =	simm.s32 @p1 $0x1  }
0x15: {  	[smem:$0x3FAB] =	sst s0;
	s0 =	simm.s32 @!p2 $0x0  }
0x16: {  	s3 =	sld [smem:$0x3FDB];
	s0 =	simm.s32 @p2 $0x1  }
0x17: {  	s4 =	simm.s32 $0x1BF5;
	[smem:$0x3FAD] =	sst s0  }
0x18: {  	s0 =	sld [smem:$0x3F90];
	_ =	swait.ge [sflag:s4], $0x0  }
0x19: {  	s7 =	sld [smem:$0x3F91]  }
0x1a: {  	s8 =	sadd.s32 $0xFFFFE003, lr  }
0x1b: {  	s9 =	sadd.s32 $0xFFFFFEF7, lr;
	s5 =	simm.s32 $0xFFFFFFFF;
	p2 =	slt.u32 s8, $0xFFFFF086  }
0x1c: {  	p1 =	slt.u32 s9, $0xF7A;
	s5 =	simm.s32 @!p2 $0x0  }
0x1d: {  	s5 =	simm.s32 @p1 $0x1;
	p0 =	seq.s32 s7, s2  }
0x1e: {  	s7 =	smul.u32 @!p0 $0xF7A, s2;
	p2 =	seq.s32 @!p0 s5, $0x0  }
0x1f: {  	s9 =	smul.u32 $0xF7A, s1;
	s8 =	simm.s32 @!p0 $0x1BF5;
	p2 =	por !p2, p0  }
0x20: {  	[sflag:s8] =	ssyncset.s32 @!p0 $0xFFFFF086;
	s6 =	sadd.s32 @!p0 s3, s7;
	s7 =	simm.s32 @!p0 $0x108  }
0x21: {  	s3 =	sadd.s32 s3, s9;
	s6 =	sadd.s32 @!p0 $0x88, s6;
	s7 =	simm.s32 @p2 $0x1082  }
0x22: {  	[simem:s7], [sflag:s8] =	dma.local @!p0 [hbm:s6], $0xF7A  }
0x23: {  	s9 =	sor.u32 $0xD0000000, s2;
	s6 =	simm.s32 $0x108;
	_ =	swait.ge @!p0 [sflag:s8], $0x0  }
0x24: {  	s3 =	sadd.s32 $0x88, s3;
	s6 =	simm.s32 @!p1 $0x1082;
	[sflag:s4] =	ssyncset.s32 $0xFFFFF086  }
0x25: {  	[simem:s6], [sflag:s4] =	dma.local [hbm:s3], $0xF7A  }
0x26: {  	[smem:$0x3F91] =	sst s1;
	(tag) =	ssettag s2;
	_ =	strace s9  }
0x27: {  	s1 =	sld [smem:$0x3FA1]  }
0x28: {  	s2 =	sld [smem:$0x3FA2]  }
0x29: {  	s4 =	sld [smem:$0x3FA4]  }
0x2a: {  	p0 =	seq.s32 s5, $0x0;
	s5 =	sld [smem:$0x3FA5]  }
0x2b: {  	s6 =	sld [smem:$0x3FA6]  }
0x2c: {  	s7 =	sld [smem:$0x3FA7]  }
0x2d: {  	s3 =	simm.s32 $0x108;
	s8 =	sld [smem:$0x3FA8]  }
0x2e: {  	s3 =	simm.s32 @!p0 $0x1082;
	s9 =	sld [smem:$0x3FA9]  }
0x2f: {  	lr =	sadd.s32 s0, s3;
	s0 =	sld [smem:$0x3FA0]  }
0x30: {  	s3 =	sld [smem:$0x3FA3]  }
0x31: {  	[smem:$0x3FAC] =	sst s10  }
0x32: {  	s10 =	sld [smem:$0x3FAA];
	_ =	sdelay $0x3  }
0x33: {  	p0 =	seq.s32 s10, $0x1;
	s10 =	sld [smem:$0x3FAC];
	_ =	sdelay $0x3  }
0x34: {  	[smem:$0x3FAC] =	sst s10  }
0x35: {  	s10 =	sld [smem:$0x3FAB];
	_ =	sdelay $0x3  }
0x36: {  	p1 =	seq.s32 s10, $0x1;
	s10 =	sld [smem:$0x3FAC];
	_ =	sdelay $0x3  }
0x37: {  	[smem:$0x3FAC] =	sst s10  }
0x38: {  	s10 =	sld [smem:$0x3FAD]  }
0x39: {  	_ = 	snop;
	(pc) =	sbr.ind lr, $3  }
0x3a: {  	_ = 	snop  }
0x3b: {  	_ = 	snop  }
0x3c: {  	p2 =	seq.s32 s10, $0x1;
	s10 =	sld [smem:$0x3FAC]  }
0x3d: {  	_ =	shalt  }
0x3e: {  	_ =	shalt  }
0x3f: {  	_ =	shalt  }
0x40: {  	_ =	shalt  }
0x41: {  	_ =	shalt  }
0x42: {  	_ =	shalt  }
0x43: {  	_ =	shalt  }
0x44: {  	_ =	shalt  }
0x45: {  	_ =	shalt  }
0x46: {  	_ =	shalt  }
0x47: {  	_ =	shalt  }
0x48: {  	_ =	shalt  }
0x49: {  	_ =	shalt  }
0x4a: {  	_ =	shalt  }
0x4b: {  	_ =	shalt  }
0x4c: {  	_ =	shalt  }
0x4d: {  	_ =	shalt  }
0x4e: {  	_ =	shalt  }
0x4f: {  	_ =	shalt  }
0x50: {  	_ =	shalt  }
0x51: {  	_ =	shalt  }
0x52: {  	_ =	shalt  }
0x53: {  	_ =	shalt  }
0x54: {  	_ =	shalt  }
0x55: {  	_ =	shalt  }
0x56: {  	_ =	shalt  }
0x57: {  	_ =	shalt  }
0x58: {  	_ =	shalt  }
0x59: {  	_ =	shalt  }
0x5a: {  	_ =	shalt  }
0x5b: {  	_ =	shalt  }
0x5c: {  	_ =	shalt  }
0x5d: {  	_ =	shalt  }
0x5e: {  	_ =	shalt  }
0x5f: {  	_ =	shalt  }
0x60: {  	_ =	shalt  }
0x61: {  	_ =	shalt  }
0x62: {  	_ =	shalt  }
0x63: {  	_ =	shalt  }
0x64: {  	_ =	shalt  }
0x65: {  	_ =	shalt  }
0x66: {  	_ =	shalt  }
0x67: {  	_ =	shalt  }
0x68: {  	_ =	shalt  }
0x69: {  	_ =	shalt  }
0x6a: {  	_ =	shalt  }
0x6b: {  	_ =	shalt  }
0x6c: {  	_ =	shalt  }
0x6d: {  	_ =	shalt  }
0x6e: {  	_ =	shalt  }
0x6f: {  	_ =	shalt  }
0x70: {  	_ =	shalt  }
0x71: {  	_ =	shalt  }
0x72: {  	_ =	shalt  }
0x73: {  	_ =	shalt  }
0x74: {  	_ =	shalt  }
0x75: {  	_ =	shalt  }
0x76: {  	_ =	shalt  }
0x77: {  	_ =	shalt  }
0x78: {  	_ =	shalt  }
0x79: {  	_ =	shalt  }
0x7a: {  	_ =	shalt  }
0x7b: {  	_ =	shalt  }
0x7c: {  	_ =	shalt  }
0x7d: {  	_ =	shalt  }
0x7e: {  	_ =	shalt  }
0x7f: {  	_ =	shalt  }
0x80: {  	_ =	shalt  }
0x81: {  	_ =	shalt  }
0x82: {  	_ =	shalt  }
0x83: {  	_ =	shalt  }
0x84: {  	_ =	shalt  }
0x85: {  	_ =	shalt  }
0x86: {  	_ =	shalt  }
0x87: {  	_ =	shalt  }
.Lfunc_end0:
.L_simem_size_0:
called_computation.4_lowered:
.L_overlay_start_0:
0x88: {  	s2 =	sld [smem:$0x3FD9]  }
0x89: {  	s3 =	sld [smem:$0x3FFE];
	_ =	sdelay $0x1  }
0x8a: {  	s1 =	srdreg.scid  }
0x8b: {  	s0 =	sand.u32 $0x1, s1  }
0x8c: {  	s17 =	sshll.u32 s0, $0xA;
	s2 =	sadd.s32 s3, s2  }
0x8d: {  	s2 =	sadd.s32 s2, s17  }
0x8e: {  	[smem:$0x3FB8] =	sst s2  }
0x8f: {  	_ = 	snop  }
0x90: {  	s2 =	sld [smem:$0x3FD0];
	(tm) =	ssettm $0x1  }
0x91: {  	s18 =	sld [smem:$0x3FFB];
	_ =	sdelay $0x3  }
0x92: {  	_ =	strace s18  }
0x93: {  	s3 =	sld [smem:$0x3FFC];
	_ =	sdelay $0x3  }
0x94: {  	_ =	strace s3  }
0x95: {  	s3 =	sld [smem:$0x3FFD];
	_ =	sdelay $0x3  }
0x96: {  	_ =	strace s3  }
0x97: {  	_ =	strace $0x8FFFFFFF  }
0x98: {  	s19 =	sld [smem:$0x3FDB];
	_ =	sdelay $0x1  }
0x99: {  	s4 =	simm.s32 $_scs_section_size  }
0x9a: {  	s5 =	simm.s32 $_size__tile_overlayer_lowered;
	s6 =	simm.s32 $_tile_overlayer_lowered  }
0x9b: {  	s22 =	simm.s32 $0x1BFF;
	s21 =	sshll.u32 s6, $0x1;
	s3 =	sadd.s32 s4, s19  }
0x9c: {  	s7 =	simm.s32 $0x0;
	s20 =	sshll.u32 s5, $0x1;
	s5 =	sadd.s32 s21, s3  }
0x9d: {  	[timem:s7], [sflag:s22] =	dma.local [hbm:s5], s20  }
0x9e: {  	_ =	swait.ge [sflag:s22], s20  }
0x9f: {  	s4 =	ssub.s32 $0x0, s20;
	[sflag:s22] =	ssyncset.done $0x0  }
0xa0: {  	[sflag:s22] =	ssyncadd.s32 s4;
	_ =	sdelay $0x1  }
0xa1: {  	s23 =	simm.s32 $0x1B8B  }
0xa2: {  	_ =	swait.ge [sflag:s23], $0x1  }
0xa3: {  	[sflag:s23] =	ssyncset.done $0x0  }
0xa4: {  	s25 =	simm.s32 $0x1B8E;
	s24 =	sld [smem:$0x3FFE];
	[sflag:s23] =	ssyncadd.s32 $0xFFFFFFFF  }
0xa5: {  	s26 =	simm.s32 $execute0_lowered;
	[smem:$0x3FD2] =	sst s25  }
0xa6: {  	s5 =	sshll.u32 s26, $0x1;
	_ =	strace $0x80000052;
	[dreg:$0x1] =	wrdreg $0xFFFFFFFF  }
0xa7: {  	s28 =	simm.s32 $_size_execute0_lowered;
	s3 =	sadd.s32 s3, s5;
	[dreg:$0x0] =	wrdreg $0x0  }
0xa8: {  	s5 =	sshll.u32 s28, $0x1;
	[dreg:$0x2] =	wrdreg s3  }
0xa9: {  	[dreg:$0x3] =	wrdreg s5  }
0xaa: {  	[dreg:$0x4] =	wrdreg $0xC0  }
0xab: {  	_ =	task [dreg:s7], $0x5FFFF  }
0xac: {  	[dreg:$0x1] =	wrdreg $0xFFFFFFFF  }
0xad: {  	[dreg:$0x0] =	wrdreg $0x60  }
0xae: {  	[dreg:$0x2] =	wrdreg s24  }
0xaf: {  	[dreg:$0x3] =	wrdreg s2  }
0xb0: {  	[dreg:$0x4] =	wrdreg $0xED000  }
0xb1: {  	[dreg:$0x5] =	wrdreg $0x9  }
0xb2: {  	_ =	task.clear_ibuf [dreg:s7], $0x6FFFF;
	_ =	strace $0x90000052  }
0xb3: {  	s29 =	simm.s32 $0x9;
	_ =	strace $0x80000054  }
0xb4: {  	_ =	swait.ge [sflag:s29], $0x1  }
0xb5: {  	[sflag:s29] =	ssyncadd.s32 $0xFFFFFFFF  }
0xb6: {  	_ =	strace $0x90000054  }
0xb7: {  	_ =	sfence  }
0xb8: {  	s30 =	sld [smem:$0x0];
	_ =	sdelay $0x2  }
0xb9: {  	s31 =	sshll.u32 s1, $0xD;
	s1 =	sshrl.u32 s1, $0x2  }
0xba: {  	s3 =	sand.u32 $0x4000, s31;
	s1 =	sadd.s32 s1, s30  }
0xbb: {  	s0 =	sor.u32 s3, s0;
	s1 =	sshll.u32 s1, $0x11  }
0xbc: {  	s0 =	sor.u32 s1, s0  }
0xbd: {  	s0 =	sadd.s32 $0x8F2B, s0  }
0xbe: {  	[sflag:s0] =	ssyncadd.remote.s32 $0x1  }
0xbf: {  	_ =	sfence.sel $0xFFFF  }
0xc0: {  	[dreg:$0x0] =	wrdreg $0xFFFFFFFF;
	(pc) =	sbr.abs _section_cstart, $3  }
0xc1: {  	[dreg:$0x1] =	wrdreg $0xFFFFFFFF  }
0xc2: {  	_ =	task.clear_ibuf [dreg:s7], $0x2FFFF;
	_ =	strace $0x9FFFFFFF  }
0xc3: {  	(tm) =	ssettm $0x7FFFFFFF  }
tec
execute0_lowered:
.L_overlay_start_1:
0x0: {  	(tag) =	ssettag $0x1  }
0x1: {  	s4 =	rddreg [dreg:$0x0]  }
0x2: {  	s6 =	rddreg [dreg:$0x1]  }
0x3: {  	s1 =	rddreg [dreg:$0x2]  }
0x4: {  	s2 =	srdreg.scid;
	s0 =	rddreg [dreg:$0x3];
	s3 =	simm.s32 $0x0  }
0x5: {  	s14 =	simm.s32 $0x9D00;
	s15 =	simm.s32 $0xAD00;
	s16 =	simm.s32 $0x100  }
0x6: {  	s17 =	simm.s32 $0xBD00;
	s18 =	simm.s32 $0x1;
	s5 =	sand.u32 $0x1, s2  }
0x7: {  	s19 =	simm.s32 $0x2;
	s2 =	stileid.u32;
	s7 =	smul.u32 $0x4F000, s5  }
0x8: {  	s20 =	simm.s32 $0x0;
	[smem:$0x7FF] =	sst s3;
	s8 =	smul.u32 $0x4F00, s2  }
0x9: {  	_ =	strace $0x80000053;
	s10 =	smul.u32 $0x9D0, s2;
	s5 =	ssub.s32 $0x2, s5  }
0xa: {  	s31 =	sshll.u32 s2, $0x6;
	s29 =	sshrl.u32 s5, $0x1;
	s9 =	sshrl.u32 s7, $0x3  }
0xb: {  	s7 =	sadd.s32 s8, s7;
	s10 =	sadd.s32 s10, s4;
	s12 =	ssub.s32 s5, s29  }
0xc: {  	s30 =	sshrl.u32 s8, $0x3;
	s13 =	sadd.s32 s8, s1;
	s9 =	sadd.s32 s9, s4  }
0xd: {  	s7 =	sshrl.u32 s7, $0x3;
	s5 =	sadd.s32 $0x4400, s10;
	s6 =	sadd.s32 s6, s30  }
0xe: {  	s11 =	sadd.s32 s7, s4;
	s4 =	sadd.s32 $0xE200, s10;
	s7 =	sadd.s32 $0x67000, s9  }
0xf: {  	s9 =	smax.u32 s12, $0x1;
	s10 =	simm.s32 $0x3;
	s12 =	sshrl.u32 s13, $0x3  }
0x10: {  	s13 =	simm.s32 $0x80;
	s8 =	sadd.s32 $0x7AC00, s11;
	s11 =	sor.u32 $0x1C03, s31  }
.LBB2_1:
0x11: {  	[tilespmem:s3], [sflag:$0x3] =	stream.linear.gather [hbm4b:s4+s3], $0x4E80, $0x38;
	[tilespmem:$0x13C00] =	vst v63  }
0x12: {  	_ =	swait.ge [sflag:s10], $0x4E80  }
0x13: {  	[sflag:s10] =	ssyncset.done $0x0  }
0x14: {  	s21 =	simm.s32 $0x4E80;
	[sflag:s10] =	ssyncadd.s32 $0xFFFFB180  }
0x15: {  	[tilespmem:s21], [sflag:$0x3] =	stream.linear.gather [hbm4b:s5+s3], $0x4E80, $0x38;
	[tilespmem:$0x13C00] =	vst v63  }
0x16: {  	_ =	swait.ge [sflag:s10], $0x4E80  }
0x17: {  	[sflag:s10] =	ssyncset.done $0x0  }
0x18: {  	[sflag:s10] =	ssyncadd.s32 $0xFFFFB180  }
0x19: {  	[spmem:s12], [sflag:s11] =	dma.local [hbm:s6], $0x9E0  }
0x1a: {  	_ =	swait.ge [sflag:s10], $0x9E0  }
0x1b: {  	[sflag:s10] =	ssyncset.done $0x0  }
0x1c: {  	[sflag:s10] =	ssyncadd.s32 $0xFFFFF620  }
0x1d: {  	[bflag:$0x0] =	sbarrier.arrive $0xFFFF  }
0x1e: {  	[tilespmem:s14], [sflag:$0x1] =	stream.indirect.gather [hbm4b:s7+s13], $0x20, s3, s13, $0xb8;
	[tilespmem:$0x13C00] =	vst v63  }
0x1f: {  	_ = 	snop  }
0x20: {  	[tilespmem:s15], [sflag:$0x1] =	stream.indirect.gather [hbm4b:s7+s13], $0x20, s13, s13, $0xb8;
	[tilespmem:$0x13C00] =	vst v63  }
0x21: {  	s22 =	simm.s32 $0x180;
	s23 =	simm.s32 $0x0  }
0x22: {  	[tilespmem:s17], [sflag:$0x1] =	stream.indirect.gather [hbm4b:s7+s13], $0x20, s16, s13, $0xb8;
	[tilespmem:$0x13C00] =	vst v63  }
.LBB2_2:
0x23: {  	s24 =	smul.u32 $0xCD, s23;
	_ =	sdelay $0x1  }
0x24: {  	s24 =	sshrl.u32 s24, $0xA  }
0x25: {  	s24 =	sand.u32 $0x3F, s24  }
0x26: {  	s24 =	smul.u32 $0x5, s24;
	_ =	sdelay $0x1  }
0x27: {  	s24 =	ssub.s32 s23, s24  }
0x28: {  	_ =	swait.ge [sflag:s18], $0x1000;
	s24 =	sand.u32 $0xFF, s24  }
0x29: {  	[sflag:s18] =	ssyncset.done $0x0;
	s24 =	sshll.u32 s24, $0xC  }
0x2a: {  	p0 =	slt.u32 s23, $0x2;
	[sflag:s18] =	ssyncadd.s32 $0xFFFFF000;
	s24 =	sadd.s32 $0x9D00, s24  }
0x2b: {  	[spmem:s1] =	stream.indirect.scatter.add.f32 [tilespmem:s24], [sflag:$0x2], $0x20, s21, s13, $0xb8;
	[tilespmem:$0x13C00] =	vst v63  }
0x2c: {  	s24 =	simm.s32 @!p0 $0x2  }
0x2d: {  	p1 =	sgt.u32 @!p0 s23, $0x99;
	_ =	swait.ge @!p0 [sflag:s24], $0x1000  }
0x2e: {  	p1 =	por p0, !p1;
	[sflag:s24] =	ssyncset.done @!p0 $0x0  }
0x2f: {  	[sflag:s24] =	ssyncadd.s32 @!p0 $0xFFFFF000;
	s24 =	sadd.s32 @p1 $0x3, s23  }
0x30: {  	s25 =	smul.u32 @p1 $0xCD, s24;
	_ =	sdelay $0x1  }
0x31: {  	s25 =	sshrl.u32 @p1 s25, $0xA  }
0x32: {  	s25 =	sand.u32 @p1 $0x3F, s25  }
0x33: {  	s25 =	smul.u32 @p1 $0x5, s25  }
0x34: {  	s23 =	sadd.s32 $0x1, s23  }
0x35: {  	p0 =	sne.s32 s23, $0x9D;
	s24 =	ssub.s32 @p1 s24, s25  }
.Ltmp0:
0x36: {  	s24 =	sand.u32 @p1 $0xFF, s24;
	(pc) =	sbr.rel @p0 .LBB2_2-.Ltmp0, $4  }
0x37: {  	s24 =	sshll.u32 @p1 s24, $0xC  }
0x38: {  	s24 =	sadd.s32 @p1 $0x9D00, s24  }
0x39: {  	[tilespmem:s24], [sflag:$0x1] =	stream.indirect.gather @p1 [hbm4b:s7+s13], $0x20, s22, s13, $0xb8;
	[tilespmem:$0x13C00] =	vst v63  }
0x3a: {  	s21 =	sadd.s32 $0x80, s21;
	s22 =	sadd.s32 $0x80, s22  }
0x3b: {  	_ =	swait.ge [sflag:s19], $0x1000  }
0x3c: {  	[sflag:s19] =	ssyncset.done $0x0  }
0x3d: {  	[sflag:s19] =	ssyncadd.s32 $0xFFFFF000  }
0x3e: {  	_ =	swait.ge [sflag:s19], $0x1000  }
0x3f: {  	s20 =	sadd.s32 $0x1, s20;
	[sflag:s19] =	ssyncset.done $0x0  }
0x40: {  	p0 =	sne.s32 s20, s9;
	[sflag:s19] =	ssyncadd.s32 $0xFFFFF000  }
.Ltmp1:
0x41: {  	[bflag:$0x0] =	sbarrier.arrive $0xFFFF;
	(pc) =	sbr.rel @p0 .LBB2_1-.Ltmp1, $4  }
0x42: {  	[hbm:s8], [sflag:s11] =	dma.local [spmem:s12], $0x9E0  }
0x43: {  	_ =	swait.ge [sflag:s10], $0x9E0  }
0x44: {  	[sflag:s10] =	ssyncset.done $0x0  }
0x45: {  	[sflag:s10] =	ssyncadd.s32 $0xFFFFF620  }
0x46: {  	_ =	sfence.sel $0x180000  }
0x47: {  	[bflag:$0x0] =	sbarrier.arrive $0xFFFF  }
0x48: {  	p0 =	sne.s32 s2, $0x0;
	_ =	strace $0x90000053  }
0x49: {  	s0 =	sadd.s32 @!p0 $0x100000, s0;
	[bflag:$0x2] =	sbarrier.arrive $0xFFFF  }
0x4a: {  	[sflag:s0] =	ssyncadd.tile.s32 @!p0 $0x1;
	_ =	shalt  }
.Lfunc_end2:
_tile_overlayer_lowered:
.L_overlay_start_2:
0x4b: {  	(tag) =	ssettag $0x2  }
0x4c: {  	s0 =	rddreg [dreg:$0x0];
	s2 =	stileid.u32  }
0x4d: {  	s1 =	rddreg [dreg:$0x1];
	p0 =	sne.s32 s2, $0x0  }
0x4e: {  	s3 =	rddreg [dreg:$0x2];
	[bflag:$0x3] =	sbarrier.arrive $0xFFFF;
	s2 =	simm.s32 @!p0 $0x1C03  }
0x4f: {  	[timem:s3], [sflag:s2] =	dma.local @!p0 [hbm:s0], s1  }
0x50: {  	s0 =	simm.s32 @!p0 $0x3  }
0x51: {  	_ =	swait.ge @!p0 [sflag:s0], s1  }
0x52: {  	s1 =	ssub.s32 @!p0 $0x0, s1;
	[sflag:s0] =	ssyncset.done @!p0 $0x0  }
0x53: {  	[sflag:s0] =	ssyncadd.s32 @!p0 s1  }
0x54: {  	[bflag:$0x3] =	sbarrier.arrive $0xFFFF  }
0x55: {  	_ =	shalt  }

</sc_bundles>
